<compile_context>
chip_gen: v7x
topology: tpu7x:2x2x1
jax: 0.10.2.dev20260603
libtpu: 0.0.44.dev20260713+nightly
codegen_flags: <defaults>
</compile_context>

<pallas_src>
import functools

import jax
import jax.numpy as jnp
from jax import lax
from jax.experimental import pallas as pl
from jax.experimental.pallas import tpu as pltpu
from jax.experimental.pallas import tpu_sc as plsc

DIM_IN = 1024
DIM_OUT = 1024
NUM_GROUPS = 8
TOKENS = 8192
BLK = 512
NB = TOKENS // BLK + NUM_GROUPS
P = NB * BLK
OUT_PAD = P


@functools.cache
def _make_sc_scatter(n_src, n_dst, chunk, nbuf=3):
    info = plsc.get_sparse_core_info()
    nc, ns = info.num_cores, info.num_subcores
    nw = nc * ns
    rows_pw = n_src // nw
    n_chunks = rows_pw // chunk
    assert rows_pw % chunk == 0 and chunk % 8 == 0 and chunk <= 128

    def body(src_hbm, idx_hbm, out_hbm, idx_v, *rest):
        bufs = rest[:nbuf]
        rsems = rest[nbuf:2 * nbuf]
        wsems = rest[2 * nbuf:3 * nbuf]
        wid = lax.axis_index("s") * nc + lax.axis_index("c")
        base = wid * rows_pw
        pltpu.sync_copy(idx_hbm.at[wid], idx_v)
        rdh = [None] * nbuf
        wrh = [None] * nbuf
        for c in range(n_chunks):
            i = c % nbuf
            if c >= nbuf:
                wrh[i].wait()
            rdh[i] = pltpu.async_copy(
                src_hbm.at[pl.ds(base + c * chunk, chunk)], bufs[i], rsems[i])
            if c >= nbuf - 1:
                d = c - (nbuf - 1)
                j = d % nbuf
                rdh[j].wait()
                wrh[j] = pltpu.async_copy(
                    bufs[j], out_hbm.at[idx_v.at[d]], wsems[j])
        for d in range(max(n_chunks - nbuf + 1, 0), n_chunks):
            j = d % nbuf
            rdh[j].wait()
            wrh[j] = pltpu.async_copy(
                bufs[j], out_hbm.at[idx_v.at[d]], wsems[j])
        for d in range(max(n_chunks - nbuf, 0), n_chunks):
            wrh[d % nbuf].wait()

    return pl.kernel(
        body,
        out_type=jax.ShapeDtypeStruct((n_dst, DIM_IN), jnp.float32),
        mesh=plsc.VectorSubcoreMesh(core_axis_name="c", subcore_axis_name="s"),
        scratch_types=[pltpu.VMEM((n_chunks, chunk), jnp.int32)]
        + [pltpu.VMEM((chunk, DIM_IN), jnp.float32) for _ in range(nbuf)]
        + [pltpu.SemaphoreType.DMA for _ in range(2 * nbuf)],
    )


def _mm_body(widx_ref, x_ref, w_ref, b_ref, o_ref):
    o_ref[...] = jax.lax.dot_general(
        x_ref[...], w_ref[0],
        (((1,), (1,)), ((), ())),
        preferred_element_type=jnp.float32,
    ) + b_ref[0, 0][None, :]


def _tc_group_matmul(w_idx, xs, W3, b3):
    grid_spec = pltpu.PrefetchScalarGridSpec(
        num_scalar_prefetch=1,
        grid=(NB,),
        in_specs=[
            pl.BlockSpec((BLK, DIM_IN), lambda i, r: (i, 0)),
            pl.BlockSpec((1, DIM_OUT, DIM_IN), lambda i, r: (r[i], 0, 0)),
            pl.BlockSpec((1, 1, DIM_OUT), lambda i, r: (r[i], 0, 0)),
        ],
        out_specs=pl.BlockSpec((BLK, DIM_OUT), lambda i, r: (i, 0)),
    )
    return pl.pallas_call(
        _mm_body,
        grid_spec=grid_spec,
        out_shape=jax.ShapeDtypeStruct((P, DIM_OUT), jnp.float32),
        compiler_params=pltpu.CompilerParams(
            dimension_semantics=("parallel",),
        ),
    )(w_idx, xs, W3, b3)


def _route(g):
    onehot = (g[:, None] == jnp.arange(NUM_GROUPS, dtype=jnp.int32)[None, :])
    cum = jnp.cumsum(onehot.astype(jnp.int32), axis=0)
    counts = cum[-1]
    r_t = jnp.take_along_axis(cum, g[:, None], axis=1)[:, 0] - 1
    present = counts > 0
    rank = jnp.cumsum(present.astype(jnp.int32)) - 1
    padded = ((counts + BLK - 1) // BLK) * BLK
    pad_end = jnp.cumsum(padded)
    pad_start = pad_end - padded
    pos = pad_start[g] + r_t
    gather_idx = (jnp.arange(P, dtype=jnp.int32) + TOKENS).at[pos].set(
        jnp.arange(TOKENS, dtype=jnp.int32), unique_indices=True)
    blk_lo = jnp.arange(NB, dtype=jnp.int32) * BLK
    blk_gid = jnp.minimum(
        jnp.sum((blk_lo[:, None] >= pad_end[None, :]).astype(jnp.int32), axis=1),
        NUM_GROUPS - 1)
    w_idx = jnp.maximum(rank[blk_gid], 0)
    return gather_idx, w_idx, pos


@jax.jit
def kernel(x, group_by, W, b):
    g = group_by.astype(jnp.int32)
    gather_idx, w_idx, pos = _route(g)

    W3 = W.reshape(NUM_GROUPS, DIM_OUT, DIM_IN)
    b3 = b.reshape(NUM_GROUPS, 1, DIM_OUT)

    nw = 32
    pos_t = pos.reshape(nw, -1, 32)
    inv_t = gather_idx.reshape(nw, -1, 32)

    xs = _make_sc_scatter(TOKENS, P, 32)(x, pos_t)
    ys = _tc_group_matmul(w_idx, xs, W3, b3)
    full = _make_sc_scatter(P, TOKENS + OUT_PAD, 32)(ys, inv_t)
    return full[:TOKENS]

# --- scband reference (transcript-rebuilt; emitter-appended) ---
"""Pipeline reference for scband-group-linear-38259568673602 (READ-ONLY COPY).

The authoritative reference and input builder live on the scoring server;
editing this copy changes nothing except your own understanding.
"""

import jax, jax.numpy as jnp
import numpy as np

DIM_IN = 1024
DIM_OUT = 1024
NUM_GROUPS = 8


def setup_inputs(seed: int = 0) -> dict:
    key = jax.random.key(seed)
    k1, k2, k3, k4 = jax.random.split(key, 4)
    x = jax.random.normal(k1, (8192, DIM_IN), dtype=jnp.float32)
    group_by = jax.random.randint(k2, (8192,), 0, NUM_GROUPS, dtype=jnp.int64)
    # learned params: Embedding(num_groups, dim_in*dim_out) and Embedding(num_groups, dim_out)
    W = jax.random.normal(k3, (NUM_GROUPS, DIM_IN * DIM_OUT), dtype=jnp.float32) * (1.0 / np.sqrt(DIM_IN))
    b = jax.random.normal(k4, (NUM_GROUPS, DIM_OUT), dtype=jnp.float32) * 0.01
    return {"x": x, "group_by": group_by, "W": W, "b": b}


def reference(x, group_by, W, b):
    # Faithful to GroupLinear.forward: iterate unique groups; the i-th unique
    # group (torch.unique order) uses weight row i (the enumerate index).
    # We use sorted unique, matching torch's typical unique ordering.
    # rank[s] is the index of group id s within the sorted unique present
    # group ids, i.e. the enumerate index i used for the weight/bias row.
    present = jnp.zeros((NUM_GROUPS,), dtype=bool).at[group_by].set(True)
    rank = jnp.cumsum(present.astype(jnp.int32)) - 1
    out = jnp.zeros((x.shape[0], DIM_OUT), dtype=x.dtype)
    for s in range(NUM_GROUPS):
        mask = (group_by == s)
        Wi = W[rank[s]].reshape(DIM_OUT, DIM_IN)
        yi = x @ Wi.T + b[rank[s]]
        out = jnp.where(mask[:, None], yi, out)
    return out

if __name__ == "__main__":
    import jax
    _d = setup_inputs()
    print(jax.jit(kernel)(*tuple(_d.values())))

</pallas_src>

<mosaic_0001>
#map = affine_map<(d0, d1) -> (0, 0)>
#map1 = affine_map<(d0, d1) -> (0, 0, 0)>
module attributes {stable_mosaic.version = 14 : i64} {
  func.func @body(%arg0: i32, %arg1: i32, %arg2: memref<8192x1024xf32, #tpu.memory_space<hbm>>, %arg3: memref<32x8x32xi32, #tpu.memory_space<hbm>>, %arg4: memref<12288x1024xf32, #tpu.memory_space<hbm>>, %arg5: memref<8x32xi32, #tpu.memory_space<vmem>>, %arg6: memref<32x1024xf32, #tpu.memory_space<vmem>>, %arg7: memref<32x1024xf32, #tpu.memory_space<vmem>>, %arg8: memref<32x1024xf32, #tpu.memory_space<vmem>>, %arg9: memref<!tpu.dma_semaphore, #tpu.memory_space<semaphore_mem>>, %arg10: memref<!tpu.dma_semaphore, #tpu.memory_space<semaphore_mem>>, %arg11: memref<!tpu.dma_semaphore, #tpu.memory_space<semaphore_mem>>, %arg12: memref<!tpu.dma_semaphore, #tpu.memory_space<semaphore_mem>>, %arg13: memref<!tpu.dma_semaphore, #tpu.memory_space<semaphore_mem>>, %arg14: memref<!tpu.dma_semaphore, #tpu.memory_space<semaphore_mem>>) attributes {dimension_semantics = [#tpu.dimension_semantics<core_parallel>, #tpu.dimension_semantics<subcore_parallel>], iteration_bounds = array<i64: 2, 16>, scalar_prefetch = 0 : i64, scratch_operands = 10 : i64, tpu.core_type = #tpu.core_type<sc_vector_subcore>, window_params = [{transform_indices = #map}, {transform_indices = #map1}, {transform_indices = #map}]} {
    %mul3A = arith.constant 2 : i32
    %mul3A_0 = arith.muli %arg1, %mul3A : i32
    %add3A = arith.addi %mul3A_0, %arg0 : i32
    %mul3A_1 = arith.constant 256 : i32
    %mul3A_2 = arith.muli %add3A, %mul3A_1 : i32
    "tpu.region"() ({
      %run_scoped3A = tpu.sem_alloc : memref<!tpu.dma_semaphore, #tpu.memory_space<semaphore_mem>>
      %dma_start3A_193 = arith.constant 0 : i32
      %dma_start3A_194 = arith.constant 0 : i32
      %dma_start3A_195 = tpu.memref_slice %arg3[%add3A, %dma_start3A_193, %dma_start3A_194] : memref<32x8x32xi32, #tpu.memory_space<hbm>> -> memref<1x8x32xi32, #tpu.memory_space<hbm>>
      %dma_start3A_196 = tpu.memref_squeeze %dma_start3A_195 : memref<1x8x32xi32, #tpu.memory_space<hbm>> -> memref<8x32xi32, #tpu.memory_space<hbm>>
      %dma_start3A_197 = arith.constant 0 : i32
      %dma_start3A_198 = arith.constant 0 : i32
      %dma_start3A_199 = tpu.memref_slice %arg3[%add3A, %dma_start3A_197, %dma_start3A_198] : memref<32x8x32xi32, #tpu.memory_space<hbm>> -> memref<1x8x32xi32, #tpu.memory_space<hbm>>
      %dma_start3A_200 = tpu.memref_squeeze %dma_start3A_199 : memref<1x8x32xi32, #tpu.memory_space<hbm>> -> memref<8x32xi32, #tpu.memory_space<hbm>>
      tpu.enqueue_dma source(%dma_start3A_200 : memref<8x32xi32, #tpu.memory_space<hbm>>) target(%arg5 : memref<8x32xi32, #tpu.memory_space<vmem>>) target_semaphore(%run_scoped3A : memref<!tpu.dma_semaphore, #tpu.memory_space<semaphore_mem>>)
      %dma_wait3A_201 = arith.constant 0 : i32
      %dma_wait3A_202 = arith.constant 0 : i32
      %dma_wait3A_203 = tpu.memref_slice %arg3[%add3A, %dma_wait3A_201, %dma_wait3A_202] : memref<32x8x32xi32, #tpu.memory_space<hbm>> -> memref<1x8x32xi32, #tpu.memory_space<hbm>>
      %dma_wait3A_204 = tpu.memref_squeeze %dma_wait3A_203 : memref<1x8x32xi32, #tpu.memory_space<hbm>> -> memref<8x32xi32, #tpu.memory_space<hbm>>
      %dma_wait3A_205 = arith.constant 0 : i32
      %dma_wait3A_206 = arith.constant 0 : i32
      %dma_wait3A_207 = tpu.memref_slice %arg3[%add3A, %dma_wait3A_205, %dma_wait3A_206] : memref<32x8x32xi32, #tpu.memory_space<hbm>> -> memref<1x8x32xi32, #tpu.memory_space<hbm>>
      %dma_wait3A_208 = tpu.memref_squeeze %dma_wait3A_207 : memref<1x8x32xi32, #tpu.memory_space<hbm>> -> memref<8x32xi32, #tpu.memory_space<hbm>>
      tpu.wait_dma2 semaphore(%run_scoped3A : memref<!tpu.dma_semaphore, #tpu.memory_space<semaphore_mem>>) src(%dma_wait3A_208 : memref<8x32xi32, #tpu.memory_space<hbm>>) dst(%arg5 : memref<8x32xi32, #tpu.memory_space<vmem>>)
      tpu.yield
    }) : () -> ()
    %add3A_3 = arith.constant 0 : i32
    %add3A_4 = arith.addi %mul3A_2, %add3A_3 : i32
    %dma_start3A = arith.constant 0 : i32
    %dma_start3A_5 = tpu.memref_slice %arg2[%add3A_4, %dma_start3A] : memref<8192x1024xf32, #tpu.memory_space<hbm>> -> memref<32x1024xf32, #tpu.memory_space<hbm>>
    %dma_start3A_6 = arith.constant 0 : i32
    %dma_start3A_7 = tpu.memref_slice %arg2[%add3A_4, %dma_start3A_6] : memref<8192x1024xf32, #tpu.memory_space<hbm>> -> memref<32x1024xf32, #tpu.memory_space<hbm>>
    tpu.enqueue_dma source(%dma_start3A_7 : memref<32x1024xf32, #tpu.memory_space<hbm>>) target(%arg6 : memref<32x1024xf32, #tpu.memory_space<vmem>>) target_semaphore(%arg9 : memref<!tpu.dma_semaphore, #tpu.memory_space<semaphore_mem>>)
    %add3A_8 = arith.constant 32 : i32
    %add3A_9 = arith.addi %mul3A_2, %add3A_8 : i32
    %dma_start3A_10 = arith.constant 0 : i32
    %dma_start3A_11 = tpu.memref_slice %arg2[%add3A_9, %dma_start3A_10] : memref<8192x1024xf32, #tpu.memory_space<hbm>> -> memref<32x1024xf32, #tpu.memory_space<hbm>>
    %dma_start3A_12 = arith.constant 0 : i32
    %dma_start3A_13 = tpu.memref_slice %arg2[%add3A_9, %dma_start3A_12] : memref<8192x1024xf32, #tpu.memory_space<hbm>> -> memref<32x1024xf32, #tpu.memory_space<hbm>>
    tpu.enqueue_dma source(%dma_start3A_13 : memref<32x1024xf32, #tpu.memory_space<hbm>>) target(%arg7 : memref<32x1024xf32, #tpu.memory_space<vmem>>) target_semaphore(%arg10 : memref<!tpu.dma_semaphore, #tpu.memory_space<semaphore_mem>>)
    %add3A_14 = arith.constant 64 : i32
    %add3A_15 = arith.addi %mul3A_2, %add3A_14 : i32
    %dma_start3A_16 = arith.constant 0 : i32
    %dma_start3A_17 = tpu.memref_slice %arg2[%add3A_15, %dma_start3A_16] : memref<8192x1024xf32, #tpu.memory_space<hbm>> -> memref<32x1024xf32, #tpu.memory_space<hbm>>
    %dma_start3A_18 = arith.constant 0 : i32
    %dma_start3A_19 = tpu.memref_slice %arg2[%add3A_15, %dma_start3A_18] : memref<8192x1024xf32, #tpu.memory_space<hbm>> -> memref<32x1024xf32, #tpu.memory_space<hbm>>
    tpu.enqueue_dma source(%dma_start3A_19 : memref<32x1024xf32, #tpu.memory_space<hbm>>) target(%arg8 : memref<32x1024xf32, #tpu.memory_space<vmem>>) target_semaphore(%arg11 : memref<!tpu.dma_semaphore, #tpu.memory_space<semaphore_mem>>)
    %dma_wait3A = arith.constant 0 : i32
    %dma_wait3A_20 = tpu.memref_slice %arg2[%add3A_4, %dma_wait3A] : memref<8192x1024xf32, #tpu.memory_space<hbm>> -> memref<32x1024xf32, #tpu.memory_space<hbm>>
    %dma_wait3A_21 = arith.constant 0 : i32
    %dma_wait3A_22 = tpu.memref_slice %arg2[%add3A_4, %dma_wait3A_21] : memref<8192x1024xf32, #tpu.memory_space<hbm>> -> memref<32x1024xf32, #tpu.memory_space<hbm>>
    tpu.wait_dma2 semaphore(%arg9 : memref<!tpu.dma_semaphore, #tpu.memory_space<semaphore_mem>>) src(%dma_wait3A_22 : memref<32x1024xf32, #tpu.memory_space<hbm>>) dst(%arg6 : memref<32x1024xf32, #tpu.memory_space<vmem>>)
    %dma_start3A_23 = arith.constant 0 : i32
    %dma_start3A_24 = arith.constant 0 : i32
    %dma_start3A_25 = tpu.memref_slice %arg5[%dma_start3A_23, %dma_start3A_24] : memref<8x32xi32, #tpu.memory_space<vmem>> -> memref<1x32xi32, #tpu.memory_space<vmem>>
    %dma_start3A_26 = tpu.memref_squeeze %dma_start3A_25 : memref<1x32xi32, #tpu.memory_space<vmem>> -> memref<32xi32, #tpu.memory_space<vmem>>
    %dma_start3A_27 = arith.constant 0 : i32
    %dma_start3A_28 = arith.constant 0 : i32
    %dma_start3A_29 = tpu.memref_slice %arg4[%dma_start3A_27, %dma_start3A_28] : memref<12288x1024xf32, #tpu.memory_space<hbm>> -> memref<12288x1024xf32, #tpu.memory_space<hbm>>
    tpu.enqueue_indirect_dma source(%arg6 : memref<32x1024xf32, #tpu.memory_space<vmem>>) target(%dma_start3A_29 : memref<12288x1024xf32, #tpu.memory_space<hbm>>) offsets(%dma_start3A_26 : memref<32xi32, #tpu.memory_space<vmem>>) semaphore(%arg12 : memref<!tpu.dma_semaphore, #tpu.memory_space<semaphore_mem>>)
    %dma_wait3A_30 = arith.constant 0 : i32
    %dma_wait3A_31 = arith.constant 0 : i32
    %dma_wait3A_32 = tpu.memref_slice %arg5[%dma_wait3A_30, %dma_wait3A_31] : memref<8x32xi32, #tpu.memory_space<vmem>> -> memref<1x32xi32, #tpu.memory_space<vmem>>
    %dma_wait3A_33 = tpu.memref_squeeze %dma_wait3A_32 : memref<1x32xi32, #tpu.memory_space<vmem>> -> memref<32xi32, #tpu.memory_space<vmem>>
    %dma_wait3A_34 = arith.constant 0 : i32
    %dma_wait3A_35 = arith.constant 0 : i32
    %dma_wait3A_36 = tpu.memref_slice %arg4[%dma_wait3A_34, %dma_wait3A_35] : memref<12288x1024xf32, #tpu.memory_space<hbm>> -> memref<12288x1024xf32, #tpu.memory_space<hbm>>
    tpu.wait_indirect_dma semaphore(%arg12 : memref<!tpu.dma_semaphore, #tpu.memory_space<semaphore_mem>>) src(%arg6 : memref<32x1024xf32, #tpu.memory_space<vmem>>) dst(%dma_wait3A_36 : memref<12288x1024xf32, #tpu.memory_space<hbm>>)
    %add3A_37 = arith.constant 96 : i32
    %add3A_38 = arith.addi %mul3A_2, %add3A_37 : i32
    %dma_start3A_39 = arith.constant 0 : i32
    %dma_start3A_40 = tpu.memref_slice %arg2[%add3A_38, %dma_start3A_39] : memref<8192x1024xf32, #tpu.memory_space<hbm>> -> memref<32x1024xf32, #tpu.memory_space<hbm>>
    %dma_start3A_41 = arith.constant 0 : i32
    %dma_start3A_42 = tpu.memref_slice %arg2[%add3A_38, %dma_start3A_41] : memref<8192x1024xf32, #tpu.memory_space<hbm>> -> memref<32x1024xf32, #tpu.memory_space<hbm>>
    tpu.enqueue_dma source(%dma_start3A_42 : memref<32x1024xf32, #tpu.memory_space<hbm>>) target(%arg6 : memref<32x1024xf32, #tpu.memory_space<vmem>>) target_semaphore(%arg9 : memref<!tpu.dma_semaphore, #tpu.memory_space<semaphore_mem>>)
    %dma_wait3A_43 = arith.constant 0 : i32
    %dma_wait3A_44 = tpu.memref_slice %arg2[%add3A_9, %dma_wait3A_43] : memref<8192x1024xf32, #tpu.memory_space<hbm>> -> memref<32x1024xf32, #tpu.memory_space<hbm>>
    %dma_wait3A_45 = arith.constant 0 : i32
    %dma_wait3A_46 = tpu.memref_slice %arg2[%add3A_9, %dma_wait3A_45] : memref<8192x1024xf32, #tpu.memory_space<hbm>> -> memref<32x1024xf32, #tpu.memory_space<hbm>>
    tpu.wait_dma2 semaphore(%arg10 : memref<!tpu.dma_semaphore, #tpu.memory_space<semaphore_mem>>) src(%dma_wait3A_46 : memref<32x1024xf32, #tpu.memory_space<hbm>>) dst(%arg7 : memref<32x1024xf32, #tpu.memory_space<vmem>>)
    %dma_start3A_47 = arith.constant 1 : i32
    %dma_start3A_48 = arith.constant 0 : i32
    %dma_start3A_49 = tpu.memref_slice %arg5[%dma_start3A_47, %dma_start3A_48] : memref<8x32xi32, #tpu.memory_space<vmem>> -> memref<1x32xi32, #tpu.memory_space<vmem>>
    %dma_start3A_50 = tpu.memref_squeeze %dma_start3A_49 : memref<1x32xi32, #tpu.memory_space<vmem>> -> memref<32xi32, #tpu.memory_space<vmem>>
    %dma_start3A_51 = arith.constant 0 : i32
    %dma_start3A_52 = arith.constant 0 : i32
    %dma_start3A_53 = tpu.memref_slice %arg4[%dma_start3A_51, %dma_start3A_52] : memref<12288x1024xf32, #tpu.memory_space<hbm>> -> memref<12288x1024xf32, #tpu.memory_space<hbm>>
    tpu.enqueue_indirect_dma source(%arg7 : memref<32x1024xf32, #tpu.memory_space<vmem>>) target(%dma_start3A_53 : memref<12288x1024xf32, #tpu.memory_space<hbm>>) offsets(%dma_start3A_50 : memref<32xi32, #tpu.memory_space<vmem>>) semaphore(%arg13 : memref<!tpu.dma_semaphore, #tpu.memory_space<semaphore_mem>>)
    %dma_wait3A_54 = arith.constant 1 : i32
    %dma_wait3A_55 = arith.constant 0 : i32
    %dma_wait3A_56 = tpu.memref_slice %arg5[%dma_wait3A_54, %dma_wait3A_55] : memref<8x32xi32, #tpu.memory_space<vmem>> -> memref<1x32xi32, #tpu.memory_space<vmem>>
    %dma_wait3A_57 = tpu.memref_squeeze %dma_wait3A_56 : memref<1x32xi32, #tpu.memory_space<vmem>> -> memref<32xi32, #tpu.memory_space<vmem>>
    %dma_wait3A_58 = arith.constant 0 : i32
    %dma_wait3A_59 = arith.constant 0 : i32
    %dma_wait3A_60 = tpu.memref_slice %arg4[%dma_wait3A_58, %dma_wait3A_59] : memref<12288x1024xf32, #tpu.memory_space<hbm>> -> memref<12288x1024xf32, #tpu.memory_space<hbm>>
    tpu.wait_indirect_dma semaphore(%arg13 : memref<!tpu.dma_semaphore, #tpu.memory_space<semaphore_mem>>) src(%arg7 : memref<32x1024xf32, #tpu.memory_space<vmem>>) dst(%dma_wait3A_60 : memref<12288x1024xf32, #tpu.memory_space<hbm>>)
    %add3A_61 = arith.constant 128 : i32
    %add3A_62 = arith.addi %mul3A_2, %add3A_61 : i32
    %dma_start3A_63 = arith.constant 0 : i32
    %dma_start3A_64 = tpu.memref_slice %arg2[%add3A_62, %dma_start3A_63] : memref<8192x1024xf32, #tpu.memory_space<hbm>> -> memref<32x1024xf32, #tpu.memory_space<hbm>>
    %dma_start3A_65 = arith.constant 0 : i32
    %dma_start3A_66 = tpu.memref_slice %arg2[%add3A_62, %dma_start3A_65] : memref<8192x1024xf32, #tpu.memory_space<hbm>> -> memref<32x1024xf32, #tpu.memory_space<hbm>>
    tpu.enqueue_dma source(%dma_start3A_66 : memref<32x1024xf32, #tpu.memory_space<hbm>>) target(%arg7 : memref<32x1024xf32, #tpu.memory_space<vmem>>) target_semaphore(%arg10 : memref<!tpu.dma_semaphore, #tpu.memory_space<semaphore_mem>>)
    %dma_wait3A_67 = arith.constant 0 : i32
    %dma_wait3A_68 = tpu.memref_slice %arg2[%add3A_15, %dma_wait3A_67] : memref<8192x1024xf32, #tpu.memory_space<hbm>> -> memref<32x1024xf32, #tpu.memory_space<hbm>>
    %dma_wait3A_69 = arith.constant 0 : i32
    %dma_wait3A_70 = tpu.memref_slice %arg2[%add3A_15, %dma_wait3A_69] : memref<8192x1024xf32, #tpu.memory_space<hbm>> -> memref<32x1024xf32, #tpu.memory_space<hbm>>
    tpu.wait_dma2 semaphore(%arg11 : memref<!tpu.dma_semaphore, #tpu.memory_space<semaphore_mem>>) src(%dma_wait3A_70 : memref<32x1024xf32, #tpu.memory_space<hbm>>) dst(%arg8 : memref<32x1024xf32, #tpu.memory_space<vmem>>)
    %dma_start3A_71 = arith.constant 2 : i32
    %dma_start3A_72 = arith.constant 0 : i32
    %dma_start3A_73 = tpu.memref_slice %arg5[%dma_start3A_71, %dma_start3A_72] : memref<8x32xi32, #tpu.memory_space<vmem>> -> memref<1x32xi32, #tpu.memory_space<vmem>>
    %dma_start3A_74 = tpu.memref_squeeze %dma_start3A_73 : memref<1x32xi32, #tpu.memory_space<vmem>> -> memref<32xi32, #tpu.memory_space<vmem>>
    %dma_start3A_75 = arith.constant 0 : i32
    %dma_start3A_76 = arith.constant 0 : i32
    %dma_start3A_77 = tpu.memref_slice %arg4[%dma_start3A_75, %dma_start3A_76] : memref<12288x1024xf32, #tpu.memory_space<hbm>> -> memref<12288x1024xf32, #tpu.memory_space<hbm>>
    tpu.enqueue_indirect_dma source(%arg8 : memref<32x1024xf32, #tpu.memory_space<vmem>>) target(%dma_start3A_77 : memref<12288x1024xf32, #tpu.memory_space<hbm>>) offsets(%dma_start3A_74 : memref<32xi32, #tpu.memory_space<vmem>>) semaphore(%arg14 : memref<!tpu.dma_semaphore, #tpu.memory_space<semaphore_mem>>)
    %dma_wait3A_78 = arith.constant 2 : i32
    %dma_wait3A_79 = arith.constant 0 : i32
    %dma_wait3A_80 = tpu.memref_slice %arg5[%dma_wait3A_78, %dma_wait3A_79] : memref<8x32xi32, #tpu.memory_space<vmem>> -> memref<1x32xi32, #tpu.memory_space<vmem>>
    %dma_wait3A_81 = tpu.memref_squeeze %dma_wait3A_80 : memref<1x32xi32, #tpu.memory_space<vmem>> -> memref<32xi32, #tpu.memory_space<vmem>>
    %dma_wait3A_82 = arith.constant 0 : i32
    %dma_wait3A_83 = arith.constant 0 : i32
    %dma_wait3A_84 = tpu.memref_slice %arg4[%dma_wait3A_82, %dma_wait3A_83] : memref<12288x1024xf32, #tpu.memory_space<hbm>> -> memref<12288x1024xf32, #tpu.memory_space<hbm>>
    tpu.wait_indirect_dma semaphore(%arg14 : memref<!tpu.dma_semaphore, #tpu.memory_space<semaphore_mem>>) src(%arg8 : memref<32x1024xf32, #tpu.memory_space<vmem>>) dst(%dma_wait3A_84 : memref<12288x1024xf32, #tpu.memory_space<hbm>>)
    %add3A_85 = arith.constant 160 : i32
    %add3A_86 = arith.addi %mul3A_2, %add3A_85 : i32
    %dma_start3A_87 = arith.constant 0 : i32
    %dma_start3A_88 = tpu.memref_slice %arg2[%add3A_86, %dma_start3A_87] : memref<8192x1024xf32, #tpu.memory_space<hbm>> -> memref<32x1024xf32, #tpu.memory_space<hbm>>
    %dma_start3A_89 = arith.constant 0 : i32
    %dma_start3A_90 = tpu.memref_slice %arg2[%add3A_86, %dma_start3A_89] : memref<8192x1024xf32, #tpu.memory_space<hbm>> -> memref<32x1024xf32, #tpu.memory_space<hbm>>
    tpu.enqueue_dma source(%dma_start3A_90 : memref<32x1024xf32, #tpu.memory_space<hbm>>) target(%arg8 : memref<32x1024xf32, #tpu.memory_space<vmem>>) target_semaphore(%arg11 : memref<!tpu.dma_semaphore, #tpu.memory_space<semaphore_mem>>)
    %dma_wait3A_91 = arith.constant 0 : i32
    %dma_wait3A_92 = tpu.memref_slice %arg2[%add3A_38, %dma_wait3A_91] : memref<8192x1024xf32, #tpu.memory_space<hbm>> -> memref<32x1024xf32, #tpu.memory_space<hbm>>
    %dma_wait3A_93 = arith.constant 0 : i32
    %dma_wait3A_94 = tpu.memref_slice %arg2[%add3A_38, %dma_wait3A_93] : memref<8192x1024xf32, #tpu.memory_space<hbm>> -> memref<32x1024xf32, #tpu.memory_space<hbm>>
    tpu.wait_dma2 semaphore(%arg9 : memref<!tpu.dma_semaphore, #tpu.memory_space<semaphore_mem>>) src(%dma_wait3A_94 : memref<32x1024xf32, #tpu.memory_space<hbm>>) dst(%arg6 : memref<32x1024xf32, #tpu.memory_space<vmem>>)
    %dma_start3A_95 = arith.constant 3 : i32
    %dma_start3A_96 = arith.constant 0 : i32
    %dma_start3A_97 = tpu.memref_slice %arg5[%dma_start3A_95, %dma_start3A_96] : memref<8x32xi32, #tpu.memory_space<vmem>> -> memref<1x32xi32, #tpu.memory_space<vmem>>
    %dma_start3A_98 = tpu.memref_squeeze %dma_start3A_97 : memref<1x32xi32, #tpu.memory_space<vmem>> -> memref<32xi32, #tpu.memory_space<vmem>>
    %dma_start3A_99 = arith.constant 0 : i32
    %dma_start3A_100 = arith.constant 0 : i32
    %dma_start3A_101 = tpu.memref_slice %arg4[%dma_start3A_99, %dma_start3A_100] : memref<12288x1024xf32, #tpu.memory_space<hbm>> -> memref<12288x1024xf32, #tpu.memory_space<hbm>>
    tpu.enqueue_indirect_dma source(%arg6 : memref<32x1024xf32, #tpu.memory_space<vmem>>) target(%dma_start3A_101 : memref<12288x1024xf32, #tpu.memory_space<hbm>>) offsets(%dma_start3A_98 : memref<32xi32, #tpu.memory_space<vmem>>) semaphore(%arg12 : memref<!tpu.dma_semaphore, #tpu.memory_space<semaphore_mem>>)
    %dma_wait3A_102 = arith.constant 3 : i32
    %dma_wait3A_103 = arith.constant 0 : i32
    %dma_wait3A_104 = tpu.memref_slice %arg5[%dma_wait3A_102, %dma_wait3A_103] : memref<8x32xi32, #tpu.memory_space<vmem>> -> memref<1x32xi32, #tpu.memory_space<vmem>>
    %dma_wait3A_105 = tpu.memref_squeeze %dma_wait3A_104 : memref<1x32xi32, #tpu.memory_space<vmem>> -> memref<32xi32, #tpu.memory_space<vmem>>
    %dma_wait3A_106 = arith.constant 0 : i32
    %dma_wait3A_107 = arith.constant 0 : i32
    %dma_wait3A_108 = tpu.memref_slice %arg4[%dma_wait3A_106, %dma_wait3A_107] : memref<12288x1024xf32, #tpu.memory_space<hbm>> -> memref<12288x1024xf32, #tpu.memory_space<hbm>>
    tpu.wait_indirect_dma semaphore(%arg12 : memref<!tpu.dma_semaphore, #tpu.memory_space<semaphore_mem>>) src(%arg6 : memref<32x1024xf32, #tpu.memory_space<vmem>>) dst(%dma_wait3A_108 : memref<12288x1024xf32, #tpu.memory_space<hbm>>)
    %add3A_109 = arith.constant 192 : i32
    %add3A_110 = arith.addi %mul3A_2, %add3A_109 : i32
    %dma_start3A_111 = arith.constant 0 : i32
    %dma_start3A_112 = tpu.memref_slice %arg2[%add3A_110, %dma_start3A_111] : memref<8192x1024xf32, #tpu.memory_space<hbm>> -> memref<32x1024xf32, #tpu.memory_space<hbm>>
    %dma_start3A_113 = arith.constant 0 : i32
    %dma_start3A_114 = tpu.memref_slice %arg2[%add3A_110, %dma_start3A_113] : memref<8192x1024xf32, #tpu.memory_space<hbm>> -> memref<32x1024xf32, #tpu.memory_space<hbm>>
    tpu.enqueue_dma source(%dma_start3A_114 : memref<32x1024xf32, #tpu.memory_space<hbm>>) target(%arg6 : memref<32x1024xf32, #tpu.memory_space<vmem>>) target_semaphore(%arg9 : memref<!tpu.dma_semaphore, #tpu.memory_space<semaphore_mem>>)
    %dma_wait3A_115 = arith.constant 0 : i32
    %dma_wait3A_116 = tpu.memref_slice %arg2[%add3A_62, %dma_wait3A_115] : memref<8192x1024xf32, #tpu.memory_space<hbm>> -> memref<32x1024xf32, #tpu.memory_space<hbm>>
    %dma_wait3A_117 = arith.constant 0 : i32
    %dma_wait3A_118 = tpu.memref_slice %arg2[%add3A_62, %dma_wait3A_117] : memref<8192x1024xf32, #tpu.memory_space<hbm>> -> memref<32x1024xf32, #tpu.memory_space<hbm>>
    tpu.wait_dma2 semaphore(%arg10 : memref<!tpu.dma_semaphore, #tpu.memory_space<semaphore_mem>>) src(%dma_wait3A_118 : memref<32x1024xf32, #tpu.memory_space<hbm>>) dst(%arg7 : memref<32x1024xf32, #tpu.memory_space<vmem>>)
    %dma_start3A_119 = arith.constant 4 : i32
    %dma_start3A_120 = arith.constant 0 : i32
    %dma_start3A_121 = tpu.memref_slice %arg5[%dma_start3A_119, %dma_start3A_120] : memref<8x32xi32, #tpu.memory_space<vmem>> -> memref<1x32xi32, #tpu.memory_space<vmem>>
    %dma_start3A_122 = tpu.memref_squeeze %dma_start3A_121 : memref<1x32xi32, #tpu.memory_space<vmem>> -> memref<32xi32, #tpu.memory_space<vmem>>
    %dma_start3A_123 = arith.constant 0 : i32
    %dma_start3A_124 = arith.constant 0 : i32
    %dma_start3A_125 = tpu.memref_slice %arg4[%dma_start3A_123, %dma_start3A_124] : memref<12288x1024xf32, #tpu.memory_space<hbm>> -> memref<12288x1024xf32, #tpu.memory_space<hbm>>
    tpu.enqueue_indirect_dma source(%arg7 : memref<32x1024xf32, #tpu.memory_space<vmem>>) target(%dma_start3A_125 : memref<12288x1024xf32, #tpu.memory_space<hbm>>) offsets(%dma_start3A_122 : memref<32xi32, #tpu.memory_space<vmem>>) semaphore(%arg13 : memref<!tpu.dma_semaphore, #tpu.memory_space<semaphore_mem>>)
    %dma_wait3A_126 = arith.constant 4 : i32
    %dma_wait3A_127 = arith.constant 0 : i32
    %dma_wait3A_128 = tpu.memref_slice %arg5[%dma_wait3A_126, %dma_wait3A_127] : memref<8x32xi32, #tpu.memory_space<vmem>> -> memref<1x32xi32, #tpu.memory_space<vmem>>
    %dma_wait3A_129 = tpu.memref_squeeze %dma_wait3A_128 : memref<1x32xi32, #tpu.memory_space<vmem>> -> memref<32xi32, #tpu.memory_space<vmem>>
    %dma_wait3A_130 = arith.constant 0 : i32
    %dma_wait3A_131 = arith.constant 0 : i32
    %dma_wait3A_132 = tpu.memref_slice %arg4[%dma_wait3A_130, %dma_wait3A_131] : memref<12288x1024xf32, #tpu.memory_space<hbm>> -> memref<12288x1024xf32, #tpu.memory_space<hbm>>
    tpu.wait_indirect_dma semaphore(%arg13 : memref<!tpu.dma_semaphore, #tpu.memory_space<semaphore_mem>>) src(%arg7 : memref<32x1024xf32, #tpu.memory_space<vmem>>) dst(%dma_wait3A_132 : memref<12288x1024xf32, #tpu.memory_space<hbm>>)
    %add3A_133 = arith.constant 224 : i32
    %add3A_134 = arith.addi %mul3A_2, %add3A_133 : i32
    %dma_start3A_135 = arith.constant 0 : i32
    %dma_start3A_136 = tpu.memref_slice %arg2[%add3A_134, %dma_start3A_135] : memref<8192x1024xf32, #tpu.memory_space<hbm>> -> memref<32x1024xf32, #tpu.memory_space<hbm>>
    %dma_start3A_137 = arith.constant 0 : i32
    %dma_start3A_138 = tpu.memref_slice %arg2[%add3A_134, %dma_start3A_137] : memref<8192x1024xf32, #tpu.memory_space<hbm>> -> memref<32x1024xf32, #tpu.memory_space<hbm>>
    tpu.enqueue_dma source(%dma_start3A_138 : memref<32x1024xf32, #tpu.memory_space<hbm>>) target(%arg7 : memref<32x1024xf32, #tpu.memory_space<vmem>>) target_semaphore(%arg10 : memref<!tpu.dma_semaphore, #tpu.memory_space<semaphore_mem>>)
    %dma_wait3A_139 = arith.constant 0 : i32
    %dma_wait3A_140 = tpu.memref_slice %arg2[%add3A_86, %dma_wait3A_139] : memref<8192x1024xf32, #tpu.memory_space<hbm>> -> memref<32x1024xf32, #tpu.memory_space<hbm>>
    %dma_wait3A_141 = arith.constant 0 : i32
    %dma_wait3A_142 = tpu.memref_slice %arg2[%add3A_86, %dma_wait3A_141] : memref<8192x1024xf32, #tpu.memory_space<hbm>> -> memref<32x1024xf32, #tpu.memory_space<hbm>>
    tpu.wait_dma2 semaphore(%arg11 : memref<!tpu.dma_semaphore, #tpu.memory_space<semaphore_mem>>) src(%dma_wait3A_142 : memref<32x1024xf32, #tpu.memory_space<hbm>>) dst(%arg8 : memref<32x1024xf32, #tpu.memory_space<vmem>>)
    %dma_start3A_143 = arith.constant 5 : i32
    %dma_start3A_144 = arith.constant 0 : i32
    %dma_start3A_145 = tpu.memref_slice %arg5[%dma_start3A_143, %dma_start3A_144] : memref<8x32xi32, #tpu.memory_space<vmem>> -> memref<1x32xi32, #tpu.memory_space<vmem>>
    %dma_start3A_146 = tpu.memref_squeeze %dma_start3A_145 : memref<1x32xi32, #tpu.memory_space<vmem>> -> memref<32xi32, #tpu.memory_space<vmem>>
    %dma_start3A_147 = arith.constant 0 : i32
    %dma_start3A_148 = arith.constant 0 : i32
    %dma_start3A_149 = tpu.memref_slice %arg4[%dma_start3A_147, %dma_start3A_148] : memref<12288x1024xf32, #tpu.memory_space<hbm>> -> memref<12288x1024xf32, #tpu.memory_space<hbm>>
    tpu.enqueue_indirect_dma source(%arg8 : memref<32x1024xf32, #tpu.memory_space<vmem>>) target(%dma_start3A_149 : memref<12288x1024xf32, #tpu.memory_space<hbm>>) offsets(%dma_start3A_146 : memref<32xi32, #tpu.memory_space<vmem>>) semaphore(%arg14 : memref<!tpu.dma_semaphore, #tpu.memory_space<semaphore_mem>>)
    %dma_wait3A_150 = arith.constant 0 : i32
    %dma_wait3A_151 = tpu.memref_slice %arg2[%add3A_110, %dma_wait3A_150] : memref<8192x1024xf32, #tpu.memory_space<hbm>> -> memref<32x1024xf32, #tpu.memory_space<hbm>>
    %dma_wait3A_152 = arith.constant 0 : i32
    %dma_wait3A_153 = tpu.memref_slice %arg2[%add3A_110, %dma_wait3A_152] : memref<8192x1024xf32, #tpu.memory_space<hbm>> -> memref<32x1024xf32, #tpu.memory_space<hbm>>
    tpu.wait_dma2 semaphore(%arg9 : memref<!tpu.dma_semaphore, #tpu.memory_space<semaphore_mem>>) src(%dma_wait3A_153 : memref<32x1024xf32, #tpu.memory_space<hbm>>) dst(%arg6 : memref<32x1024xf32, #tpu.memory_space<vmem>>)
    %dma_start3A_154 = arith.constant 6 : i32
    %dma_start3A_155 = arith.constant 0 : i32
    %dma_start3A_156 = tpu.memref_slice %arg5[%dma_start3A_154, %dma_start3A_155] : memref<8x32xi32, #tpu.memory_space<vmem>> -> memref<1x32xi32, #tpu.memory_space<vmem>>
    %dma_start3A_157 = tpu.memref_squeeze %dma_start3A_156 : memref<1x32xi32, #tpu.memory_space<vmem>> -> memref<32xi32, #tpu.memory_space<vmem>>
    %dma_start3A_158 = arith.constant 0 : i32
    %dma_start3A_159 = arith.constant 0 : i32
    %dma_start3A_160 = tpu.memref_slice %arg4[%dma_start3A_158, %dma_start3A_159] : memref<12288x1024xf32, #tpu.memory_space<hbm>> -> memref<12288x1024xf32, #tpu.memory_space<hbm>>
    tpu.enqueue_indirect_dma source(%arg6 : memref<32x1024xf32, #tpu.memory_space<vmem>>) target(%dma_start3A_160 : memref<12288x1024xf32, #tpu.memory_space<hbm>>) offsets(%dma_start3A_157 : memref<32xi32, #tpu.memory_space<vmem>>) semaphore(%arg12 : memref<!tpu.dma_semaphore, #tpu.memory_space<semaphore_mem>>)
    %dma_wait3A_161 = arith.constant 0 : i32
    %dma_wait3A_162 = tpu.memref_slice %arg2[%add3A_134, %dma_wait3A_161] : memref<8192x1024xf32, #tpu.memory_space<hbm>> -> memref<32x1024xf32, #tpu.memory_space<hbm>>
    %dma_wait3A_163 = arith.constant 0 : i32
    %dma_wait3A_164 = tpu.memref_slice %arg2[%add3A_134, %dma_wait3A_163] : memref<8192x1024xf32, #tpu.memory_space<hbm>> -> memref<32x1024xf32, #tpu.memory_space<hbm>>
    tpu.wait_dma2 semaphore(%arg10 : memref<!tpu.dma_semaphore, #tpu.memory_space<semaphore_mem>>) src(%dma_wait3A_164 : memref<32x1024xf32, #tpu.memory_space<hbm>>) dst(%arg7 : memref<32x1024xf32, #tpu.memory_space<vmem>>)
    %dma_start3A_165 = arith.constant 7 : i32
    %dma_start3A_166 = arith.constant 0 : i32
    %dma_start3A_167 = tpu.memref_slice %arg5[%dma_start3A_165, %dma_start3A_166] : memref<8x32xi32, #tpu.memory_space<vmem>> -> memref<1x32xi32, #tpu.memory_space<vmem>>
    %dma_start3A_168 = tpu.memref_squeeze %dma_start3A_167 : memref<1x32xi32, #tpu.memory_space<vmem>> -> memref<32xi32, #tpu.memory_space<vmem>>
    %dma_start3A_169 = arith.constant 0 : i32
    %dma_start3A_170 = arith.constant 0 : i32
    %dma_start3A_171 = tpu.memref_slice %arg4[%dma_start3A_169, %dma_start3A_170] : memref<12288x1024xf32, #tpu.memory_space<hbm>> -> memref<12288x1024xf32, #tpu.memory_space<hbm>>
    tpu.enqueue_indirect_dma source(%arg7 : memref<32x1024xf32, #tpu.memory_space<vmem>>) target(%dma_start3A_171 : memref<12288x1024xf32, #tpu.memory_space<hbm>>) offsets(%dma_start3A_168 : memref<32xi32, #tpu.memory_space<vmem>>) semaphore(%arg13 : memref<!tpu.dma_semaphore, #tpu.memory_space<semaphore_mem>>)
    %dma_wait3A_172 = arith.constant 5 : i32
    %dma_wait3A_173 = arith.constant 0 : i32
    %dma_wait3A_174 = tpu.memref_slice %arg5[%dma_wait3A_172, %dma_wait3A_173] : memref<8x32xi32, #tpu.memory_space<vmem>> -> memref<1x32xi32, #tpu.memory_space<vmem>>
    %dma_wait3A_175 = tpu.memref_squeeze %dma_wait3A_174 : memref<1x32xi32, #tpu.memory_space<vmem>> -> memref<32xi32, #tpu.memory_space<vmem>>
    %dma_wait3A_176 = arith.constant 0 : i32
    %dma_wait3A_177 = arith.constant 0 : i32
    %dma_wait3A_178 = tpu.memref_slice %arg4[%dma_wait3A_176, %dma_wait3A_177] : memref<12288x1024xf32, #tpu.memory_space<hbm>> -> memref<12288x1024xf32, #tpu.memory_space<hbm>>
    tpu.wait_indirect_dma semaphore(%arg14 : memref<!tpu.dma_semaphore, #tpu.memory_space<semaphore_mem>>) src(%arg8 : memref<32x1024xf32, #tpu.memory_space<vmem>>) dst(%dma_wait3A_178 : memref<12288x1024xf32, #tpu.memory_space<hbm>>)
    %dma_wait3A_179 = arith.constant 6 : i32
    %dma_wait3A_180 = arith.constant 0 : i32
    %dma_wait3A_181 = tpu.memref_slice %arg5[%dma_wait3A_179, %dma_wait3A_180] : memref<8x32xi32, #tpu.memory_space<vmem>> -> memref<1x32xi32, #tpu.memory_space<vmem>>
    %dma_wait3A_182 = tpu.memref_squeeze %dma_wait3A_181 : memref<1x32xi32, #tpu.memory_space<vmem>> -> memref<32xi32, #tpu.memory_space<vmem>>
    %dma_wait3A_183 = arith.constant 0 : i32
    %dma_wait3A_184 = arith.constant 0 : i32
    %dma_wait3A_185 = tpu.memref_slice %arg4[%dma_wait3A_183, %dma_wait3A_184] : memref<12288x1024xf32, #tpu.memory_space<hbm>> -> memref<12288x1024xf32, #tpu.memory_space<hbm>>
    tpu.wait_indirect_dma semaphore(%arg12 : memref<!tpu.dma_semaphore, #tpu.memory_space<semaphore_mem>>) src(%arg6 : memref<32x1024xf32, #tpu.memory_space<vmem>>) dst(%dma_wait3A_185 : memref<12288x1024xf32, #tpu.memory_space<hbm>>)
    %dma_wait3A_186 = arith.constant 7 : i32
    %dma_wait3A_187 = arith.constant 0 : i32
    %dma_wait3A_188 = tpu.memref_slice %arg5[%dma_wait3A_186, %dma_wait3A_187] : memref<8x32xi32, #tpu.memory_space<vmem>> -> memref<1x32xi32, #tpu.memory_space<vmem>>
    %dma_wait3A_189 = tpu.memref_squeeze %dma_wait3A_188 : memref<1x32xi32, #tpu.memory_space<vmem>> -> memref<32xi32, #tpu.memory_space<vmem>>
    %dma_wait3A_190 = arith.constant 0 : i32
    %dma_wait3A_191 = arith.constant 0 : i32
    %dma_wait3A_192 = tpu.memref_slice %arg4[%dma_wait3A_190, %dma_wait3A_191] : memref<12288x1024xf32, #tpu.memory_space<hbm>> -> memref<12288x1024xf32, #tpu.memory_space<hbm>>
    tpu.wait_indirect_dma semaphore(%arg13 : memref<!tpu.dma_semaphore, #tpu.memory_space<semaphore_mem>>) src(%arg7 : memref<32x1024xf32, #tpu.memory_space<vmem>>) dst(%dma_wait3A_192 : memref<12288x1024xf32, #tpu.memory_space<hbm>>)
    return
  }
}

#map = affine_map<(d0, d1) -> (0, 0)>
#map1 = affine_map<(d0, d1) -> (0, 0, 0)>
module attributes {stable_mosaic.version = 14 : i64} {
  func.func @body(%arg0: i32, %arg1: i32, %arg2: memref<12288x1024xf32, #tpu.memory_space<hbm>>, %arg3: memref<32x12x32xi32, #tpu.memory_space<hbm>>, %arg4: memref<20480x1024xf32, #tpu.memory_space<hbm>>, %arg5: memref<12x32xi32, #tpu.memory_space<vmem>>, %arg6: memref<32x1024xf32, #tpu.memory_space<vmem>>, %arg7: memref<32x1024xf32, #tpu.memory_space<vmem>>, %arg8: memref<32x1024xf32, #tpu.memory_space<vmem>>, %arg9: memref<!tpu.dma_semaphore, #tpu.memory_space<semaphore_mem>>, %arg10: memref<!tpu.dma_semaphore, #tpu.memory_space<semaphore_mem>>, %arg11: memref<!tpu.dma_semaphore, #tpu.memory_space<semaphore_mem>>, %arg12: memref<!tpu.dma_semaphore, #tpu.memory_space<semaphore_mem>>, %arg13: memref<!tpu.dma_semaphore, #tpu.memory_space<semaphore_mem>>, %arg14: memref<!tpu.dma_semaphore, #tpu.memory_space<semaphore_mem>>) attributes {dimension_semantics = [#tpu.dimension_semantics<core_parallel>, #tpu.dimension_semantics<subcore_parallel>], iteration_bounds = array<i64: 2, 16>, scalar_prefetch = 0 : i64, scratch_operands = 10 : i64, tpu.core_type = #tpu.core_type<sc_vector_subcore>, window_params = [{transform_indices = #map}, {transform_indices = #map1}, {transform_indices = #map}]} {
    %mul3A = arith.constant 2 : i32
    %mul3A_0 = arith.muli %arg1, %mul3A : i32
    %add3A = arith.addi %mul3A_0, %arg0 : i32
    %mul3A_1 = arith.constant 384 : i32
    %mul3A_2 = arith.muli %add3A, %mul3A_1 : i32
    "tpu.region"() ({
      %run_scoped3A = tpu.sem_alloc : memref<!tpu.dma_semaphore, #tpu.memory_space<semaphore_mem>>
      %dma_start3A_289 = arith.constant 0 : i32
      %dma_start3A_290 = arith.constant 0 : i32
      %dma_start3A_291 = tpu.memref_slice %arg3[%add3A, %dma_start3A_289, %dma_start3A_290] : memref<32x12x32xi32, #tpu.memory_space<hbm>> -> memref<1x12x32xi32, #tpu.memory_space<hbm>>
      %dma_start3A_292 = tpu.memref_squeeze %dma_start3A_291 : memref<1x12x32xi32, #tpu.memory_space<hbm>> -> memref<12x32xi32, #tpu.memory_space<hbm>>
      %dma_start3A_293 = arith.constant 0 : i32
      %dma_start3A_294 = arith.constant 0 : i32
      %dma_start3A_295 = tpu.memref_slice %arg3[%add3A, %dma_start3A_293, %dma_start3A_294] : memref<32x12x32xi32, #tpu.memory_space<hbm>> -> memref<1x12x32xi32, #tpu.memory_space<hbm>>
      %dma_start3A_296 = tpu.memref_squeeze %dma_start3A_295 : memref<1x12x32xi32, #tpu.memory_space<hbm>> -> memref<12x32xi32, #tpu.memory_space<hbm>>
      tpu.enqueue_dma source(%dma_start3A_296 : memref<12x32xi32, #tpu.memory_space<hbm>>) target(%arg5 : memref<12x32xi32, #tpu.memory_space<vmem>>) target_semaphore(%run_scoped3A : memref<!tpu.dma_semaphore, #tpu.memory_space<semaphore_mem>>)
      %dma_wait3A_297 = arith.constant 0 : i32
      %dma_wait3A_298 = arith.constant 0 : i32
      %dma_wait3A_299 = tpu.memref_slice %arg3[%add3A, %dma_wait3A_297, %dma_wait3A_298] : memref<32x12x32xi32, #tpu.memory_space<hbm>> -> memref<1x12x32xi32, #tpu.memory_space<hbm>>
      %dma_wait3A_300 = tpu.memref_squeeze %dma_wait3A_299 : memref<1x12x32xi32, #tpu.memory_space<hbm>> -> memref<12x32xi32, #tpu.memory_space<hbm>>
      %dma_wait3A_301 = arith.constant 0 : i32
      %dma_wait3A_302 = arith.constant 0 : i32
      %dma_wait3A_303 = tpu.memref_slice %arg3[%add3A, %dma_wait3A_301, %dma_wait3A_302] : memref<32x12x32xi32, #tpu.memory_space<hbm>> -> memref<1x12x32xi32, #tpu.memory_space<hbm>>
      %dma_wait3A_304 = tpu.memref_squeeze %dma_wait3A_303 : memref<1x12x32xi32, #tpu.memory_space<hbm>> -> memref<12x32xi32, #tpu.memory_space<hbm>>
      tpu.wait_dma2 semaphore(%run_scoped3A : memref<!tpu.dma_semaphore, #tpu.memory_space<semaphore_mem>>) src(%dma_wait3A_304 : memref<12x32xi32, #tpu.memory_space<hbm>>) dst(%arg5 : memref<12x32xi32, #tpu.memory_space<vmem>>)
      tpu.yield
    }) : () -> ()
    %add3A_3 = arith.constant 0 : i32
    %add3A_4 = arith.addi %mul3A_2, %add3A_3 : i32
    %dma_start3A = arith.constant 0 : i32
    %dma_start3A_5 = tpu.memref_slice %arg2[%add3A_4, %dma_start3A] : memref<12288x1024xf32, #tpu.memory_space<hbm>> -> memref<32x1024xf32, #tpu.memory_space<hbm>>
    %dma_start3A_6 = arith.constant 0 : i32
    %dma_start3A_7 = tpu.memref_slice %arg2[%add3A_4, %dma_start3A_6] : memref<12288x1024xf32, #tpu.memory_space<hbm>> -> memref<32x1024xf32, #tpu.memory_space<hbm>>
    tpu.enqueue_dma source(%dma_start3A_7 : memref<32x1024xf32, #tpu.memory_space<hbm>>) target(%arg6 : memref<32x1024xf32, #tpu.memory_space<vmem>>) target_semaphore(%arg9 : memref<!tpu.dma_semaphore, #tpu.memory_space<semaphore_mem>>)
    %add3A_8 = arith.constant 32 : i32
    %add3A_9 = arith.addi %mul3A_2, %add3A_8 : i32
    %dma_start3A_10 = arith.constant 0 : i32
    %dma_start3A_11 = tpu.memref_slice %arg2[%add3A_9, %dma_start3A_10] : memref<12288x1024xf32, #tpu.memory_space<hbm>> -> memref<32x1024xf32, #tpu.memory_space<hbm>>
    %dma_start3A_12 = arith.constant 0 : i32
    %dma_start3A_13 = tpu.memref_slice %arg2[%add3A_9, %dma_start3A_12] : memref<12288x1024xf32, #tpu.memory_space<hbm>> -> memref<32x1024xf32, #tpu.memory_space<hbm>>
    tpu.enqueue_dma source(%dma_start3A_13 : memref<32x1024xf32, #tpu.memory_space<hbm>>) target(%arg7 : memref<32x1024xf32, #tpu.memory_space<vmem>>) target_semaphore(%arg10 : memref<!tpu.dma_semaphore, #tpu.memory_space<semaphore_mem>>)
    %add3A_14 = arith.constant 64 : i32
    %add3A_15 = arith.addi %mul3A_2, %add3A_14 : i32
    %dma_start3A_16 = arith.constant 0 : i32
    %dma_start3A_17 = tpu.memref_slice %arg2[%add3A_15, %dma_start3A_16] : memref<12288x1024xf32, #tpu.memory_space<hbm>> -> memref<32x1024xf32, #tpu.memory_space<hbm>>
    %dma_start3A_18 = arith.constant 0 : i32
    %dma_start3A_19 = tpu.memref_slice %arg2[%add3A_15, %dma_start3A_18] : memref<12288x1024xf32, #tpu.memory_space<hbm>> -> memref<32x1024xf32, #tpu.memory_space<hbm>>
    tpu.enqueue_dma source(%dma_start3A_19 : memref<32x1024xf32, #tpu.memory_space<hbm>>) target(%arg8 : memref<32x1024xf32, #tpu.memory_space<vmem>>) target_semaphore(%arg11 : memref<!tpu.dma_semaphore, #tpu.memory_space<semaphore_mem>>)
    %dma_wait3A = arith.constant 0 : i32
    %dma_wait3A_20 = tpu.memref_slice %arg2[%add3A_4, %dma_wait3A] : memref<12288x1024xf32, #tpu.memory_space<hbm>> -> memref<32x1024xf32, #tpu.memory_space<hbm>>
    %dma_wait3A_21 = arith.constant 0 : i32
    %dma_wait3A_22 = tpu.memref_slice %arg2[%add3A_4, %dma_wait3A_21] : memref<12288x1024xf32, #tpu.memory_space<hbm>> -> memref<32x1024xf32, #tpu.memory_space<hbm>>
    tpu.wait_dma2 semaphore(%arg9 : memref<!tpu.dma_semaphore, #tpu.memory_space<semaphore_mem>>) src(%dma_wait3A_22 : memref<32x1024xf32, #tpu.memory_space<hbm>>) dst(%arg6 : memref<32x1024xf32, #tpu.memory_space<vmem>>)
    %dma_start3A_23 = arith.constant 0 : i32
    %dma_start3A_24 = arith.constant 0 : i32
    %dma_start3A_25 = tpu.memref_slice %arg5[%dma_start3A_23, %dma_start3A_24] : memref<12x32xi32, #tpu.memory_space<vmem>> -> memref<1x32xi32, #tpu.memory_space<vmem>>
    %dma_start3A_26 = tpu.memref_squeeze %dma_start3A_25 : memref<1x32xi32, #tpu.memory_space<vmem>> -> memref<32xi32, #tpu.memory_space<vmem>>
    %dma_start3A_27 = arith.constant 0 : i32
    %dma_start3A_28 = arith.constant 0 : i32
    %dma_start3A_29 = tpu.memref_slice %arg4[%dma_start3A_27, %dma_start3A_28] : memref<20480x1024xf32, #tpu.memory_space<hbm>> -> memref<20480x1024xf32, #tpu.memory_space<hbm>>
    tpu.enqueue_indirect_dma source(%arg6 : memref<32x1024xf32, #tpu.memory_space<vmem>>) target(%dma_start3A_29 : memref<20480x1024xf32, #tpu.memory_space<hbm>>) offsets(%dma_start3A_26 : memref<32xi32, #tpu.memory_space<vmem>>) semaphore(%arg12 : memref<!tpu.dma_semaphore, #tpu.memory_space<semaphore_mem>>)
    %dma_wait3A_30 = arith.constant 0 : i32
    %dma_wait3A_31 = arith.constant 0 : i32
    %dma_wait3A_32 = tpu.memref_slice %arg5[%dma_wait3A_30, %dma_wait3A_31] : memref<12x32xi32, #tpu.memory_space<vmem>> -> memref<1x32xi32, #tpu.memory_space<vmem>>
    %dma_wait3A_33 = tpu.memref_squeeze %dma_wait3A_32 : memref<1x32xi32, #tpu.memory_space<vmem>> -> memref<32xi32, #tpu.memory_space<vmem>>
    %dma_wait3A_34 = arith.constant 0 : i32
    %dma_wait3A_35 = arith.constant 0 : i32
    %dma_wait3A_36 = tpu.memref_slice %arg4[%dma_wait3A_34, %dma_wait3A_35] : memref<20480x1024xf32, #tpu.memory_space<hbm>> -> memref<20480x1024xf32, #tpu.memory_space<hbm>>
    tpu.wait_indirect_dma semaphore(%arg12 : memref<!tpu.dma_semaphore, #tpu.memory_space<semaphore_mem>>) src(%arg6 : memref<32x1024xf32, #tpu.memory_space<vmem>>) dst(%dma_wait3A_36 : memref<20480x1024xf32, #tpu.memory_space<hbm>>)
    %add3A_37 = arith.constant 96 : i32
    %add3A_38 = arith.addi %mul3A_2, %add3A_37 : i32
    %dma_start3A_39 = arith.constant 0 : i32
    %dma_start3A_40 = tpu.memref_slice %arg2[%add3A_38, %dma_start3A_39] : memref<12288x1024xf32, #tpu.memory_space<hbm>> -> memref<32x1024xf32, #tpu.memory_space<hbm>>
    %dma_start3A_41 = arith.constant 0 : i32
    %dma_start3A_42 = tpu.memref_slice %arg2[%add3A_38, %dma_start3A_41] : memref<12288x1024xf32, #tpu.memory_space<hbm>> -> memref<32x1024xf32, #tpu.memory_space<hbm>>
    tpu.enqueue_dma source(%dma_start3A_42 : memref<32x1024xf32, #tpu.memory_space<hbm>>) target(%arg6 : memref<32x1024xf32, #tpu.memory_space<vmem>>) target_semaphore(%arg9 : memref<!tpu.dma_semaphore, #tpu.memory_space<semaphore_mem>>)
    %dma_wait3A_43 = arith.constant 0 : i32
    %dma_wait3A_44 = tpu.memref_slice %arg2[%add3A_9, %dma_wait3A_43] : memref<12288x1024xf32, #tpu.memory_space<hbm>> -> memref<32x1024xf32, #tpu.memory_space<hbm>>
    %dma_wait3A_45 = arith.constant 0 : i32
    %dma_wait3A_46 = tpu.memref_slice %arg2[%add3A_9, %dma_wait3A_45] : memref<12288x1024xf32, #tpu.memory_space<hbm>> -> memref<32x1024xf32, #tpu.memory_space<hbm>>
    tpu.wait_dma2 semaphore(%arg10 : memref<!tpu.dma_semaphore, #tpu.memory_space<semaphore_mem>>) src(%dma_wait3A_46 : memref<32x1024xf32, #tpu.memory_space<hbm>>) dst(%arg7 : memref<32x1024xf32, #tpu.memory_space<vmem>>)
    %dma_start3A_47 = arith.constant 1 : i32
    %dma_start3A_48 = arith.constant 0 : i32
    %dma_start3A_49 = tpu.memref_slice %arg5[%dma_start3A_47, %dma_start3A_48] : memref<12x32xi32, #tpu.memory_space<vmem>> -> memref<1x32xi32, #tpu.memory_space<vmem>>
    %dma_start3A_50 = tpu.memref_squeeze %dma_start3A_49 : memref<1x32xi32, #tpu.memory_space<vmem>> -> memref<32xi32, #tpu.memory_space<vmem>>
    %dma_start3A_51 = arith.constant 0 : i32
    %dma_start3A_52 = arith.constant 0 : i32
    %dma_start3A_53 = tpu.memref_slice %arg4[%dma_start3A_51, %dma_start3A_52] : memref<20480x1024xf32, #tpu.memory_space<hbm>> -> memref<20480x1024xf32, #tpu.memory_space<hbm>>
    tpu.enqueue_indirect_dma source(%arg7 : memref<32x1024xf32, #tpu.memory_space<vmem>>) target(%dma_start3A_53 : memref<20480x1024xf32, #tpu.memory_space<hbm>>) offsets(%dma_start3A_50 : memref<32xi32, #tpu.memory_space<vmem>>) semaphore(%arg13 : memref<!tpu.dma_semaphore, #tpu.memory_space<semaphore_mem>>)
    %dma_wait3A_54 = arith.constant 1 : i32
    %dma_wait3A_55 = arith.constant 0 : i32
    %dma_wait3A_56 = tpu.memref_slice %arg5[%dma_wait3A_54, %dma_wait3A_55] : memref<12x32xi32, #tpu.memory_space<vmem>> -> memref<1x32xi32, #tpu.memory_space<vmem>>
    %dma_wait3A_57 = tpu.memref_squeeze %dma_wait3A_56 : memref<1x32xi32, #tpu.memory_space<vmem>> -> memref<32xi32, #tpu.memory_space<vmem>>
    %dma_wait3A_58 = arith.constant 0 : i32
    %dma_wait3A_59 = arith.constant 0 : i32
    %dma_wait3A_60 = tpu.memref_slice %arg4[%dma_wait3A_58, %dma_wait3A_59] : memref<20480x1024xf32, #tpu.memory_space<hbm>> -> memref<20480x1024xf32, #tpu.memory_space<hbm>>
    tpu.wait_indirect_dma semaphore(%arg13 : memref<!tpu.dma_semaphore, #tpu.memory_space<semaphore_mem>>) src(%arg7 : memref<32x1024xf32, #tpu.memory_space<vmem>>) dst(%dma_wait3A_60 : memref<20480x1024xf32, #tpu.memory_space<hbm>>)
    %add3A_61 = arith.constant 128 : i32
    %add3A_62 = arith.addi %mul3A_2, %add3A_61 : i32
    %dma_start3A_63 = arith.constant 0 : i32
    %dma_start3A_64 = tpu.memref_slice %arg2[%add3A_62, %dma_start3A_63] : memref<12288x1024xf32, #tpu.memory_space<hbm>> -> memref<32x1024xf32, #tpu.memory_space<hbm>>
    %dma_start3A_65 = arith.constant 0 : i32
    %dma_start3A_66 = tpu.memref_slice %arg2[%add3A_62, %dma_start3A_65] : memref<12288x1024xf32, #tpu.memory_space<hbm>> -> memref<32x1024xf32, #tpu.memory_space<hbm>>
    tpu.enqueue_dma source(%dma_start3A_66 : memref<32x1024xf32, #tpu.memory_space<hbm>>) target(%arg7 : memref<32x1024xf32, #tpu.memory_space<vmem>>) target_semaphore(%arg10 : memref<!tpu.dma_semaphore, #tpu.memory_space<semaphore_mem>>)
    %dma_wait3A_67 = arith.constant 0 : i32
    %dma_wait3A_68 = tpu.memref_slice %arg2[%add3A_15, %dma_wait3A_67] : memref<12288x1024xf32, #tpu.memory_space<hbm>> -> memref<32x1024xf32, #tpu.memory_space<hbm>>
    %dma_wait3A_69 = arith.constant 0 : i32
    %dma_wait3A_70 = tpu.memref_slice %arg2[%add3A_15, %dma_wait3A_69] : memref<12288x1024xf32, #tpu.memory_space<hbm>> -> memref<32x1024xf32, #tpu.memory_space<hbm>>
    tpu.wait_dma2 semaphore(%arg11 : memref<!tpu.dma_semaphore, #tpu.memory_space<semaphore_mem>>) src(%dma_wait3A_70 : memref<32x1024xf32, #tpu.memory_space<hbm>>) dst(%arg8 : memref<32x1024xf32, #tpu.memory_space<vmem>>)
    %dma_start3A_71 = arith.constant 2 : i32
    %dma_start3A_72 = arith.constant 0 : i32
    %dma_start3A_73 = tpu.memref_slice %arg5[%dma_start3A_71, %dma_start3A_72] : memref<12x32xi32, #tpu.memory_space<vmem>> -> memref<1x32xi32, #tpu.memory_space<vmem>>
    %dma_start3A_74 = tpu.memref_squeeze %dma_start3A_73 : memref<1x32xi32, #tpu.memory_space<vmem>> -> memref<32xi32, #tpu.memory_space<vmem>>
    %dma_start3A_75 = arith.constant 0 : i32
    %dma_start3A_76 = arith.constant 0 : i32
    %dma_start3A_77 = tpu.memref_slice %arg4[%dma_start3A_75, %dma_start3A_76] : memref<20480x1024xf32, #tpu.memory_space<hbm>> -> memref<20480x1024xf32, #tpu.memory_space<hbm>>
    tpu.enqueue_indirect_dma source(%arg8 : memref<32x1024xf32, #tpu.memory_space<vmem>>) target(%dma_start3A_77 : memref<20480x1024xf32, #tpu.memory_space<hbm>>) offsets(%dma_start3A_74 : memref<32xi32, #tpu.memory_space<vmem>>) semaphore(%arg14 : memref<!tpu.dma_semaphore, #tpu.memory_space<semaphore_mem>>)
    %dma_wait3A_78 = arith.constant 2 : i32
    %dma_wait3A_79 = arith.constant 0 : i32
    %dma_wait3A_80 = tpu.memref_slice %arg5[%dma_wait3A_78, %dma_wait3A_79] : memref<12x32xi32, #tpu.memory_space<vmem>> -> memref<1x32xi32, #tpu.memory_space<vmem>>
    %dma_wait3A_81 = tpu.memref_squeeze %dma_wait3A_80 : memref<1x32xi32, #tpu.memory_space<vmem>> -> memref<32xi32, #tpu.memory_space<vmem>>
    %dma_wait3A_82 = arith.constant 0 : i32
    %dma_wait3A_83 = arith.constant 0 : i32
    %dma_wait3A_84 = tpu.memref_slice %arg4[%dma_wait3A_82, %dma_wait3A_83] : memref<20480x1024xf32, #tpu.memory_space<hbm>> -> memref<20480x1024xf32, #tpu.memory_space<hbm>>
    tpu.wait_indirect_dma semaphore(%arg14 : memref<!tpu.dma_semaphore, #tpu.memory_space<semaphore_mem>>) src(%arg8 : memref<32x1024xf32, #tpu.memory_space<vmem>>) dst(%dma_wait3A_84 : memref<20480x1024xf32, #tpu.memory_space<hbm>>)
    %add3A_85 = arith.constant 160 : i32
    %add3A_86 = arith.addi %mul3A_2, %add3A_85 : i32
    %dma_start3A_87 = arith.constant 0 : i32
    %dma_start3A_88 = tpu.memref_slice %arg2[%add3A_86, %dma_start3A_87] : memref<12288x1024xf32, #tpu.memory_space<hbm>> -> memref<32x1024xf32, #tpu.memory_space<hbm>>
    %dma_start3A_89 = arith.constant 0 : i32
    %dma_start3A_90 = tpu.memref_slice %arg2[%add3A_86, %dma_start3A_89] : memref<12288x1024xf32, #tpu.memory_space<hbm>> -> memref<32x1024xf32, #tpu.memory_space<hbm>>
    tpu.enqueue_dma source(%dma_start3A_90 : memref<32x1024xf32, #tpu.memory_space<hbm>>) target(%arg8 : memref<32x1024xf32, #tpu.memory_space<vmem>>) target_semaphore(%arg11 : memref<!tpu.dma_semaphore, #tpu.memory_space<semaphore_mem>>)
    %dma_wait3A_91 = arith.constant 0 : i32
    %dma_wait3A_92 = tpu.memref_slice %arg2[%add3A_38, %dma_wait3A_91] : memref<12288x1024xf32, #tpu.memory_space<hbm>> -> memref<32x1024xf32, #tpu.memory_space<hbm>>
    %dma_wait3A_93 = arith.constant 0 : i32
    %dma_wait3A_94 = tpu.memref_slice %arg2[%add3A_38, %dma_wait3A_93] : memref<12288x1024xf32, #tpu.memory_space<hbm>> -> memref<32x1024xf32, #tpu.memory_space<hbm>>
    tpu.wait_dma2 semaphore(%arg9 : memref<!tpu.dma_semaphore, #tpu.memory_space<semaphore_mem>>) src(%dma_wait3A_94 : memref<32x1024xf32, #tpu.memory_space<hbm>>) dst(%arg6 : memref<32x1024xf32, #tpu.memory_space<vmem>>)
    %dma_start3A_95 = arith.constant 3 : i32
    %dma_start3A_96 = arith.constant 0 : i32
    %dma_start3A_97 = tpu.memref_slice %arg5[%dma_start3A_95, %dma_start3A_96] : memref<12x32xi32, #tpu.memory_space<vmem>> -> memref<1x32xi32, #tpu.memory_space<vmem>>
    %dma_start3A_98 = tpu.memref_squeeze %dma_start3A_97 : memref<1x32xi32, #tpu.memory_space<vmem>> -> memref<32xi32, #tpu.memory_space<vmem>>
    %dma_start3A_99 = arith.constant 0 : i32
    %dma_start3A_100 = arith.constant 0 : i32
    %dma_start3A_101 = tpu.memref_slice %arg4[%dma_start3A_99, %dma_start3A_100] : memref<20480x1024xf32, #tpu.memory_space<hbm>> -> memref<20480x1024xf32, #tpu.memory_space<hbm>>
    tpu.enqueue_indirect_dma source(%arg6 : memref<32x1024xf32, #tpu.memory_space<vmem>>) target(%dma_start3A_101 : memref<20480x1024xf32, #tpu.memory_space<hbm>>) offsets(%dma_start3A_98 : memref<32xi32, #tpu.memory_space<vmem>>) semaphore(%arg12 : memref<!tpu.dma_semaphore, #tpu.memory_space<semaphore_mem>>)
    %dma_wait3A_102 = arith.constant 3 : i32
    %dma_wait3A_103 = arith.constant 0 : i32
    %dma_wait3A_104 = tpu.memref_slice %arg5[%dma_wait3A_102, %dma_wait3A_103] : memref<12x32xi32, #tpu.memory_space<vmem>> -> memref<1x32xi32, #tpu.memory_space<vmem>>
    %dma_wait3A_105 = tpu.memref_squeeze %dma_wait3A_104 : memref<1x32xi32, #tpu.memory_space<vmem>> -> memref<32xi32, #tpu.memory_space<vmem>>
    %dma_wait3A_106 = arith.constant 0 : i32
    %dma_wait3A_107 = arith.constant 0 : i32
    %dma_wait3A_108 = tpu.memref_slice %arg4[%dma_wait3A_106, %dma_wait3A_107] : memref<20480x1024xf32, #tpu.memory_space<hbm>> -> memref<20480x1024xf32, #tpu.memory_space<hbm>>
    tpu.wait_indirect_dma semaphore(%arg12 : memref<!tpu.dma_semaphore, #tpu.memory_space<semaphore_mem>>) src(%arg6 : memref<32x1024xf32, #tpu.memory_space<vmem>>) dst(%dma_wait3A_108 : memref<20480x1024xf32, #tpu.memory_space<hbm>>)
    %add3A_109 = arith.constant 192 : i32
    %add3A_110 = arith.addi %mul3A_2, %add3A_109 : i32
    %dma_start3A_111 = arith.constant 0 : i32
    %dma_start3A_112 = tpu.memref_slice %arg2[%add3A_110, %dma_start3A_111] : memref<12288x1024xf32, #tpu.memory_space<hbm>> -> memref<32x1024xf32, #tpu.memory_space<hbm>>
    %dma_start3A_113 = arith.constant 0 : i32
    %dma_start3A_114 = tpu.memref_slice %arg2[%add3A_110, %dma_start3A_113] : memref<12288x1024xf32, #tpu.memory_space<hbm>> -> memref<32x1024xf32, #tpu.memory_space<hbm>>
    tpu.enqueue_dma source(%dma_start3A_114 : memref<32x1024xf32, #tpu.memory_space<hbm>>) target(%arg6 : memref<32x1024xf32, #tpu.memory_space<vmem>>) target_semaphore(%arg9 : memref<!tpu.dma_semaphore, #tpu.memory_space<semaphore_mem>>)
    %dma_wait3A_115 = arith.constant 0 : i32
    %dma_wait3A_116 = tpu.memref_slice %arg2[%add3A_62, %dma_wait3A_115] : memref<12288x1024xf32, #tpu.memory_space<hbm>> -> memref<32x1024xf32, #tpu.memory_space<hbm>>
    %dma_wait3A_117 = arith.constant 0 : i32
    %dma_wait3A_118 = tpu.memref_slice %arg2[%add3A_62, %dma_wait3A_117] : memref<12288x1024xf32, #tpu.memory_space<hbm>> -> memref<32x1024xf32, #tpu.memory_space<hbm>>
    tpu.wait_dma2 semaphore(%arg10 : memref<!tpu.dma_semaphore, #tpu.memory_space<semaphore_mem>>) src(%dma_wait3A_118 : memref<32x1024xf32, #tpu.memory_space<hbm>>) dst(%arg7 : memref<32x1024xf32, #tpu.memory_space<vmem>>)
    %dma_start3A_119 = arith.constant 4 : i32
    %dma_start3A_120 = arith.constant 0 : i32
    %dma_start3A_121 = tpu.memref_slice %arg5[%dma_start3A_119, %dma_start3A_120] : memref<12x32xi32, #tpu.memory_space<vmem>> -> memref<1x32xi32, #tpu.memory_space<vmem>>
    %dma_start3A_122 = tpu.memref_squeeze %dma_start3A_121 : memref<1x32xi32, #tpu.memory_space<vmem>> -> memref<32xi32, #tpu.memory_space<vmem>>
    %dma_start3A_123 = arith.constant 0 : i32
    %dma_start3A_124 = arith.constant 0 : i32
    %dma_start3A_125 = tpu.memref_slice %arg4[%dma_start3A_123, %dma_start3A_124] : memref<20480x1024xf32, #tpu.memory_space<hbm>> -> memref<20480x1024xf32, #tpu.memory_space<hbm>>
    tpu.enqueue_indirect_dma source(%arg7 : memref<32x1024xf32, #tpu.memory_space<vmem>>) target(%dma_start3A_125 : memref<20480x1024xf32, #tpu.memory_space<hbm>>) offsets(%dma_start3A_122 : memref<32xi32, #tpu.memory_space<vmem>>) semaphore(%arg13 : memref<!tpu.dma_semaphore, #tpu.memory_space<semaphore_mem>>)
    %dma_wait3A_126 = arith.constant 4 : i32
    %dma_wait3A_127 = arith.constant 0 : i32
    %dma_wait3A_128 = tpu.memref_slice %arg5[%dma_wait3A_126, %dma_wait3A_127] : memref<12x32xi32, #tpu.memory_space<vmem>> -> memref<1x32xi32, #tpu.memory_space<vmem>>
    %dma_wait3A_129 = tpu.memref_squeeze %dma_wait3A_128 : memref<1x32xi32, #tpu.memory_space<vmem>> -> memref<32xi32, #tpu.memory_space<vmem>>
    %dma_wait3A_130 = arith.constant 0 : i32
    %dma_wait3A_131 = arith.constant 0 : i32
    %dma_wait3A_132 = tpu.memref_slice %arg4[%dma_wait3A_130, %dma_wait3A_131] : memref<20480x1024xf32, #tpu.memory_space<hbm>> -> memref<20480x1024xf32, #tpu.memory_space<hbm>>
    tpu.wait_indirect_dma semaphore(%arg13 : memref<!tpu.dma_semaphore, #tpu.memory_space<semaphore_mem>>) src(%arg7 : memref<32x1024xf32, #tpu.memory_space<vmem>>) dst(%dma_wait3A_132 : memref<20480x1024xf32, #tpu.memory_space<hbm>>)
    %add3A_133 = arith.constant 224 : i32
    %add3A_134 = arith.addi %mul3A_2, %add3A_133 : i32
    %dma_start3A_135 = arith.constant 0 : i32
    %dma_start3A_136 = tpu.memref_slice %arg2[%add3A_134, %dma_start3A_135] : memref<12288x1024xf32, #tpu.memory_space<hbm>> -> memref<32x1024xf32, #tpu.memory_space<hbm>>
    %dma_start3A_137 = arith.constant 0 : i32
    %dma_start3A_138 = tpu.memref_slice %arg2[%add3A_134, %dma_start3A_137] : memref<12288x1024xf32, #tpu.memory_space<hbm>> -> memref<32x1024xf32, #tpu.memory_space<hbm>>
    tpu.enqueue_dma source(%dma_start3A_138 : memref<32x1024xf32, #tpu.memory_space<hbm>>) target(%arg7 : memref<32x1024xf32, #tpu.memory_space<vmem>>) target_semaphore(%arg10 : memref<!tpu.dma_semaphore, #tpu.memory_space<semaphore_mem>>)
    %dma_wait3A_139 = arith.constant 0 : i32
    %dma_wait3A_140 = tpu.memref_slice %arg2[%add3A_86, %dma_wait3A_139] : memref<12288x1024xf32, #tpu.memory_space<hbm>> -> memref<32x1024xf32, #tpu.memory_space<hbm>>
    %dma_wait3A_141 = arith.constant 0 : i32
    %dma_wait3A_142 = tpu.memref_slice %arg2[%add3A_86, %dma_wait3A_141] : memref<12288x1024xf32, #tpu.memory_space<hbm>> -> memref<32x1024xf32, #tpu.memory_space<hbm>>
    tpu.wait_dma2 semaphore(%arg11 : memref<!tpu.dma_semaphore, #tpu.memory_space<semaphore_mem>>) src(%dma_wait3A_142 : memref<32x1024xf32, #tpu.memory_space<hbm>>) dst(%arg8 : memref<32x1024xf32, #tpu.memory_space<vmem>>)
    %dma_start3A_143 = arith.constant 5 : i32
    %dma_start3A_144 = arith.constant 0 : i32
    %dma_start3A_145 = tpu.memref_slice %arg5[%dma_start3A_143, %dma_start3A_144] : memref<12x32xi32, #tpu.memory_space<vmem>> -> memref<1x32xi32, #tpu.memory_space<vmem>>
    %dma_start3A_146 = tpu.memref_squeeze %dma_start3A_145 : memref<1x32xi32, #tpu.memory_space<vmem>> -> memref<32xi32, #tpu.memory_space<vmem>>
    %dma_start3A_147 = arith.constant 0 : i32
    %dma_start3A_148 = arith.constant 0 : i32
    %dma_start3A_149 = tpu.memref_slice %arg4[%dma_start3A_147, %dma_start3A_148] : memref<20480x1024xf32, #tpu.memory_space<hbm>> -> memref<20480x1024xf32, #tpu.memory_space<hbm>>
    tpu.enqueue_indirect_dma source(%arg8 : memref<32x1024xf32, #tpu.memory_space<vmem>>) target(%dma_start3A_149 : memref<20480x1024xf32, #tpu.memory_space<hbm>>) offsets(%dma_start3A_146 : memref<32xi32, #tpu.memory_space<vmem>>) semaphore(%arg14 : memref<!tpu.dma_semaphore, #tpu.memory_space<semaphore_mem>>)
    %dma_wait3A_150 = arith.constant 5 : i32
    %dma_wait3A_151 = arith.constant 0 : i32
    %dma_wait3A_152 = tpu.memref_slice %arg5[%dma_wait3A_150, %dma_wait3A_151] : memref<12x32xi32, #tpu.memory_space<vmem>> -> memref<1x32xi32, #tpu.memory_space<vmem>>
    %dma_wait3A_153 = tpu.memref_squeeze %dma_wait3A_152 : memref<1x32xi32, #tpu.memory_space<vmem>> -> memref<32xi32, #tpu.memory_space<vmem>>
    %dma_wait3A_154 = arith.constant 0 : i32
    %dma_wait3A_155 = arith.constant 0 : i32
    %dma_wait3A_156 = tpu.memref_slice %arg4[%dma_wait3A_154, %dma_wait3A_155] : memref<20480x1024xf32, #tpu.memory_space<hbm>> -> memref<20480x1024xf32, #tpu.memory_space<hbm>>
    tpu.wait_indirect_dma semaphore(%arg14 : memref<!tpu.dma_semaphore, #tpu.memory_space<semaphore_mem>>) src(%arg8 : memref<32x1024xf32, #tpu.memory_space<vmem>>) dst(%dma_wait3A_156 : memref<20480x1024xf32, #tpu.memory_space<hbm>>)
    %add3A_157 = arith.constant 256 : i32
    %add3A_158 = arith.addi %mul3A_2, %add3A_157 : i32
    %dma_start3A_159 = arith.constant 0 : i32
    %dma_start3A_160 = tpu.memref_slice %arg2[%add3A_158, %dma_start3A_159] : memref<12288x1024xf32, #tpu.memory_space<hbm>> -> memref<32x1024xf32, #tpu.memory_space<hbm>>
    %dma_start3A_161 = arith.constant 0 : i32
    %dma_start3A_162 = tpu.memref_slice %arg2[%add3A_158, %dma_start3A_161] : memref<12288x1024xf32, #tpu.memory_space<hbm>> -> memref<32x1024xf32, #tpu.memory_space<hbm>>
    tpu.enqueue_dma source(%dma_start3A_162 : memref<32x1024xf32, #tpu.memory_space<hbm>>) target(%arg8 : memref<32x1024xf32, #tpu.memory_space<vmem>>) target_semaphore(%arg11 : memref<!tpu.dma_semaphore, #tpu.memory_space<semaphore_mem>>)
    %dma_wait3A_163 = arith.constant 0 : i32
    %dma_wait3A_164 = tpu.memref_slice %arg2[%add3A_110, %dma_wait3A_163] : memref<12288x1024xf32, #tpu.memory_space<hbm>> -> memref<32x1024xf32, #tpu.memory_space<hbm>>
    %dma_wait3A_165 = arith.constant 0 : i32
    %dma_wait3A_166 = tpu.memref_slice %arg2[%add3A_110, %dma_wait3A_165] : memref<12288x1024xf32, #tpu.memory_space<hbm>> -> memref<32x1024xf32, #tpu.memory_space<hbm>>
    tpu.wait_dma2 semaphore(%arg9 : memref<!tpu.dma_semaphore, #tpu.memory_space<semaphore_mem>>) src(%dma_wait3A_166 : memref<32x1024xf32, #tpu.memory_space<hbm>>) dst(%arg6 : memref<32x1024xf32, #tpu.memory_space<vmem>>)
    %dma_start3A_167 = arith.constant 6 : i32
    %dma_start3A_168 = arith.constant 0 : i32
    %dma_start3A_169 = tpu.memref_slice %arg5[%dma_start3A_167, %dma_start3A_168] : memref<12x32xi32, #tpu.memory_space<vmem>> -> memref<1x32xi32, #tpu.memory_space<vmem>>
    %dma_start3A_170 = tpu.memref_squeeze %dma_start3A_169 : memref<1x32xi32, #tpu.memory_space<vmem>> -> memref<32xi32, #tpu.memory_space<vmem>>
    %dma_start3A_171 = arith.constant 0 : i32
    %dma_start3A_172 = arith.constant 0 : i32
    %dma_start3A_173 = tpu.memref_slice %arg4[%dma_start3A_171, %dma_start3A_172] : memref<20480x1024xf32, #tpu.memory_space<hbm>> -> memref<20480x1024xf32, #tpu.memory_space<hbm>>
    tpu.enqueue_indirect_dma source(%arg6 : memref<32x1024xf32, #tpu.memory_space<vmem>>) target(%dma_start3A_173 : memref<20480x1024xf32, #tpu.memory_space<hbm>>) offsets(%dma_start3A_170 : memref<32xi32, #tpu.memory_space<vmem>>) semaphore(%arg12 : memref<!tpu.dma_semaphore, #tpu.memory_space<semaphore_mem>>)
    %dma_wait3A_174 = arith.constant 6 : i32
    %dma_wait3A_175 = arith.constant 0 : i32
    %dma_wait3A_176 = tpu.memref_slice %arg5[%dma_wait3A_174, %dma_wait3A_175] : memref<12x32xi32, #tpu.memory_space<vmem>> -> memref<1x32xi32, #tpu.memory_space<vmem>>
    %dma_wait3A_177 = tpu.memref_squeeze %dma_wait3A_176 : memref<1x32xi32, #tpu.memory_space<vmem>> -> memref<32xi32, #tpu.memory_space<vmem>>
    %dma_wait3A_178 = arith.constant 0 : i32
    %dma_wait3A_179 = arith.constant 0 : i32
    %dma_wait3A_180 = tpu.memref_slice %arg4[%dma_wait3A_178, %dma_wait3A_179] : memref<20480x1024xf32, #tpu.memory_space<hbm>> -> memref<20480x1024xf32, #tpu.memory_space<hbm>>
    tpu.wait_indirect_dma semaphore(%arg12 : memref<!tpu.dma_semaphore, #tpu.memory_space<semaphore_mem>>) src(%arg6 : memref<32x1024xf32, #tpu.memory_space<vmem>>) dst(%dma_wait3A_180 : memref<20480x1024xf32, #tpu.memory_space<hbm>>)
    %add3A_181 = arith.constant 288 : i32
    %add3A_182 = arith.addi %mul3A_2, %add3A_181 : i32
    %dma_start3A_183 = arith.constant 0 : i32
    %dma_start3A_184 = tpu.memref_slice %arg2[%add3A_182, %dma_start3A_183] : memref<12288x1024xf32, #tpu.memory_space<hbm>> -> memref<32x1024xf32, #tpu.memory_space<hbm>>
    %dma_start3A_185 = arith.constant 0 : i32
    %dma_start3A_186 = tpu.memref_slice %arg2[%add3A_182, %dma_start3A_185] : memref<12288x1024xf32, #tpu.memory_space<hbm>> -> memref<32x1024xf32, #tpu.memory_space<hbm>>
    tpu.enqueue_dma source(%dma_start3A_186 : memref<32x1024xf32, #tpu.memory_space<hbm>>) target(%arg6 : memref<32x1024xf32, #tpu.memory_space<vmem>>) target_semaphore(%arg9 : memref<!tpu.dma_semaphore, #tpu.memory_space<semaphore_mem>>)
    %dma_wait3A_187 = arith.constant 0 : i32
    %dma_wait3A_188 = tpu.memref_slice %arg2[%add3A_134, %dma_wait3A_187] : memref<12288x1024xf32, #tpu.memory_space<hbm>> -> memref<32x1024xf32, #tpu.memory_space<hbm>>
    %dma_wait3A_189 = arith.constant 0 : i32
    %dma_wait3A_190 = tpu.memref_slice %arg2[%add3A_134, %dma_wait3A_189] : memref<12288x1024xf32, #tpu.memory_space<hbm>> -> memref<32x1024xf32, #tpu.memory_space<hbm>>
    tpu.wait_dma2 semaphore(%arg10 : memref<!tpu.dma_semaphore, #tpu.memory_space<semaphore_mem>>) src(%dma_wait3A_190 : memref<32x1024xf32, #tpu.memory_space<hbm>>) dst(%arg7 : memref<32x1024xf32, #tpu.memory_space<vmem>>)
    %dma_start3A_191 = arith.constant 7 : i32
    %dma_start3A_192 = arith.constant 0 : i32
    %dma_start3A_193 = tpu.memref_slice %arg5[%dma_start3A_191, %dma_start3A_192] : memref<12x32xi32, #tpu.memory_space<vmem>> -> memref<1x32xi32, #tpu.memory_space<vmem>>
    %dma_start3A_194 = tpu.memref_squeeze %dma_start3A_193 : memref<1x32xi32, #tpu.memory_space<vmem>> -> memref<32xi32, #tpu.memory_space<vmem>>
    %dma_start3A_195 = arith.constant 0 : i32
    %dma_start3A_196 = arith.constant 0 : i32
    %dma_start3A_197 = tpu.memref_slice %arg4[%dma_start3A_195, %dma_start3A_196] : memref<20480x1024xf32, #tpu.memory_space<hbm>> -> memref<20480x1024xf32, #tpu.memory_space<hbm>>
    tpu.enqueue_indirect_dma source(%arg7 : memref<32x1024xf32, #tpu.memory_space<vmem>>) target(%dma_start3A_197 : memref<20480x1024xf32, #tpu.memory_space<hbm>>) offsets(%dma_start3A_194 : memref<32xi32, #tpu.memory_space<vmem>>) semaphore(%arg13 : memref<!tpu.dma_semaphore, #tpu.memory_space<semaphore_mem>>)
    %dma_wait3A_198 = arith.constant 7 : i32
    %dma_wait3A_199 = arith.constant 0 : i32
    %dma_wait3A_200 = tpu.memref_slice %arg5[%dma_wait3A_198, %dma_wait3A_199] : memref<12x32xi32, #tpu.memory_space<vmem>> -> memref<1x32xi32, #tpu.memory_space<vmem>>
    %dma_wait3A_201 = tpu.memref_squeeze %dma_wait3A_200 : memref<1x32xi32, #tpu.memory_space<vmem>> -> memref<32xi32, #tpu.memory_space<vmem>>
    %dma_wait3A_202 = arith.constant 0 : i32
    %dma_wait3A_203 = arith.constant 0 : i32
    %dma_wait3A_204 = tpu.memref_slice %arg4[%dma_wait3A_202, %dma_wait3A_203] : memref<20480x1024xf32, #tpu.memory_space<hbm>> -> memref<20480x1024xf32, #tpu.memory_space<hbm>>
    tpu.wait_indirect_dma semaphore(%arg13 : memref<!tpu.dma_semaphore, #tpu.memory_space<semaphore_mem>>) src(%arg7 : memref<32x1024xf32, #tpu.memory_space<vmem>>) dst(%dma_wait3A_204 : memref<20480x1024xf32, #tpu.memory_space<hbm>>)
    %add3A_205 = arith.constant 320 : i32
    %add3A_206 = arith.addi %mul3A_2, %add3A_205 : i32
    %dma_start3A_207 = arith.constant 0 : i32
    %dma_start3A_208 = tpu.memref_slice %arg2[%add3A_206, %dma_start3A_207] : memref<12288x1024xf32, #tpu.memory_space<hbm>> -> memref<32x1024xf32, #tpu.memory_space<hbm>>
    %dma_start3A_209 = arith.constant 0 : i32
    %dma_start3A_210 = tpu.memref_slice %arg2[%add3A_206, %dma_start3A_209] : memref<12288x1024xf32, #tpu.memory_space<hbm>> -> memref<32x1024xf32, #tpu.memory_space<hbm>>
    tpu.enqueue_dma source(%dma_start3A_210 : memref<32x1024xf32, #tpu.memory_space<hbm>>) target(%arg7 : memref<32x1024xf32, #tpu.memory_space<vmem>>) target_semaphore(%arg10 : memref<!tpu.dma_semaphore, #tpu.memory_space<semaphore_mem>>)
    %dma_wait3A_211 = arith.constant 0 : i32
    %dma_wait3A_212 = tpu.memref_slice %arg2[%add3A_158, %dma_wait3A_211] : memref<12288x1024xf32, #tpu.memory_space<hbm>> -> memref<32x1024xf32, #tpu.memory_space<hbm>>
    %dma_wait3A_213 = arith.constant 0 : i32
    %dma_wait3A_214 = tpu.memref_slice %arg2[%add3A_158, %dma_wait3A_213] : memref<12288x1024xf32, #tpu.memory_space<hbm>> -> memref<32x1024xf32, #tpu.memory_space<hbm>>
    tpu.wait_dma2 semaphore(%arg11 : memref<!tpu.dma_semaphore, #tpu.memory_space<semaphore_mem>>) src(%dma_wait3A_214 : memref<32x1024xf32, #tpu.memory_space<hbm>>) dst(%arg8 : memref<32x1024xf32, #tpu.memory_space<vmem>>)
    %dma_start3A_215 = arith.constant 8 : i32
    %dma_start3A_216 = arith.constant 0 : i32
    %dma_start3A_217 = tpu.memref_slice %arg5[%dma_start3A_215, %dma_start3A_216] : memref<12x32xi32, #tpu.memory_space<vmem>> -> memref<1x32xi32, #tpu.memory_space<vmem>>
    %dma_start3A_218 = tpu.memref_squeeze %dma_start3A_217 : memref<1x32xi32, #tpu.memory_space<vmem>> -> memref<32xi32, #tpu.memory_space<vmem>>
    %dma_start3A_219 = arith.constant 0 : i32
    %dma_start3A_220 = arith.constant 0 : i32
    %dma_start3A_221 = tpu.memref_slice %arg4[%dma_start3A_219, %dma_start3A_220] : memref<20480x1024xf32, #tpu.memory_space<hbm>> -> memref<20480x1024xf32, #tpu.memory_space<hbm>>
    tpu.enqueue_indirect_dma source(%arg8 : memref<32x1024xf32, #tpu.memory_space<vmem>>) target(%dma_start3A_221 : memref<20480x1024xf32, #tpu.memory_space<hbm>>) offsets(%dma_start3A_218 : memref<32xi32, #tpu.memory_space<vmem>>) semaphore(%arg14 : memref<!tpu.dma_semaphore, #tpu.memory_space<semaphore_mem>>)
    %dma_wait3A_222 = arith.constant 8 : i32
    %dma_wait3A_223 = arith.constant 0 : i32
    %dma_wait3A_224 = tpu.memref_slice %arg5[%dma_wait3A_222, %dma_wait3A_223] : memref<12x32xi32, #tpu.memory_space<vmem>> -> memref<1x32xi32, #tpu.memory_space<vmem>>
    %dma_wait3A_225 = tpu.memref_squeeze %dma_wait3A_224 : memref<1x32xi32, #tpu.memory_space<vmem>> -> memref<32xi32, #tpu.memory_space<vmem>>
    %dma_wait3A_226 = arith.constant 0 : i32
    %dma_wait3A_227 = arith.constant 0 : i32
    %dma_wait3A_228 = tpu.memref_slice %arg4[%dma_wait3A_226, %dma_wait3A_227] : memref<20480x1024xf32, #tpu.memory_space<hbm>> -> memref<20480x1024xf32, #tpu.memory_space<hbm>>
    tpu.wait_indirect_dma semaphore(%arg14 : memref<!tpu.dma_semaphore, #tpu.memory_space<semaphore_mem>>) src(%arg8 : memref<32x1024xf32, #tpu.memory_space<vmem>>) dst(%dma_wait3A_228 : memref<20480x1024xf32, #tpu.memory_space<hbm>>)
    %add3A_229 = arith.constant 352 : i32
    %add3A_230 = arith.addi %mul3A_2, %add3A_229 : i32
    %dma_start3A_231 = arith.constant 0 : i32
    %dma_start3A_232 = tpu.memref_slice %arg2[%add3A_230, %dma_start3A_231] : memref<12288x1024xf32, #tpu.memory_space<hbm>> -> memref<32x1024xf32, #tpu.memory_space<hbm>>
    %dma_start3A_233 = arith.constant 0 : i32
    %dma_start3A_234 = tpu.memref_slice %arg2[%add3A_230, %dma_start3A_233] : memref<12288x1024xf32, #tpu.memory_space<hbm>> -> memref<32x1024xf32, #tpu.memory_space<hbm>>
    tpu.enqueue_dma source(%dma_start3A_234 : memref<32x1024xf32, #tpu.memory_space<hbm>>) target(%arg8 : memref<32x1024xf32, #tpu.memory_space<vmem>>) target_semaphore(%arg11 : memref<!tpu.dma_semaphore, #tpu.memory_space<semaphore_mem>>)
    %dma_wait3A_235 = arith.constant 0 : i32
    %dma_wait3A_236 = tpu.memref_slice %arg2[%add3A_182, %dma_wait3A_235] : memref<12288x1024xf32, #tpu.memory_space<hbm>> -> memref<32x1024xf32, #tpu.memory_space<hbm>>
    %dma_wait3A_237 = arith.constant 0 : i32
    %dma_wait3A_238 = tpu.memref_slice %arg2[%add3A_182, %dma_wait3A_237] : memref<12288x1024xf32, #tpu.memory_space<hbm>> -> memref<32x1024xf32, #tpu.memory_space<hbm>>
    tpu.wait_dma2 semaphore(%arg9 : memref<!tpu.dma_semaphore, #tpu.memory_space<semaphore_mem>>) src(%dma_wait3A_238 : memref<32x1024xf32, #tpu.memory_space<hbm>>) dst(%arg6 : memref<32x1024xf32, #tpu.memory_space<vmem>>)
    %dma_start3A_239 = arith.constant 9 : i32
    %dma_start3A_240 = arith.constant 0 : i32
    %dma_start3A_241 = tpu.memref_slice %arg5[%dma_start3A_239, %dma_start3A_240] : memref<12x32xi32, #tpu.memory_space<vmem>> -> memref<1x32xi32, #tpu.memory_space<vmem>>
    %dma_start3A_242 = tpu.memref_squeeze %dma_start3A_241 : memref<1x32xi32, #tpu.memory_space<vmem>> -> memref<32xi32, #tpu.memory_space<vmem>>
    %dma_start3A_243 = arith.constant 0 : i32
    %dma_start3A_244 = arith.constant 0 : i32
    %dma_start3A_245 = tpu.memref_slice %arg4[%dma_start3A_243, %dma_start3A_244] : memref<20480x1024xf32, #tpu.memory_space<hbm>> -> memref<20480x1024xf32, #tpu.memory_space<hbm>>
    tpu.enqueue_indirect_dma source(%arg6 : memref<32x1024xf32, #tpu.memory_space<vmem>>) target(%dma_start3A_245 : memref<20480x1024xf32, #tpu.memory_space<hbm>>) offsets(%dma_start3A_242 : memref<32xi32, #tpu.memory_space<vmem>>) semaphore(%arg12 : memref<!tpu.dma_semaphore, #tpu.memory_space<semaphore_mem>>)
    %dma_wait3A_246 = arith.constant 0 : i32
    %dma_wait3A_247 = tpu.memref_slice %arg2[%add3A_206, %dma_wait3A_246] : memref<12288x1024xf32, #tpu.memory_space<hbm>> -> memref<32x1024xf32, #tpu.memory_space<hbm>>
    %dma_wait3A_248 = arith.constant 0 : i32
    %dma_wait3A_249 = tpu.memref_slice %arg2[%add3A_206, %dma_wait3A_248] : memref<12288x1024xf32, #tpu.memory_space<hbm>> -> memref<32x1024xf32, #tpu.memory_space<hbm>>
    tpu.wait_dma2 semaphore(%arg10 : memref<!tpu.dma_semaphore, #tpu.memory_space<semaphore_mem>>) src(%dma_wait3A_249 : memref<32x1024xf32, #tpu.memory_space<hbm>>) dst(%arg7 : memref<32x1024xf32, #tpu.memory_space<vmem>>)
    %dma_start3A_250 = arith.constant 10 : i32
    %dma_start3A_251 = arith.constant 0 : i32
    %dma_start3A_252 = tpu.memref_slice %arg5[%dma_start3A_250, %dma_start3A_251] : memref<12x32xi32, #tpu.memory_space<vmem>> -> memref<1x32xi32, #tpu.memory_space<vmem>>
    %dma_start3A_253 = tpu.memref_squeeze %dma_start3A_252 : memref<1x32xi32, #tpu.memory_space<vmem>> -> memref<32xi32, #tpu.memory_space<vmem>>
    %dma_start3A_254 = arith.constant 0 : i32
    %dma_start3A_255 = arith.constant 0 : i32
    %dma_start3A_256 = tpu.memref_slice %arg4[%dma_start3A_254, %dma_start3A_255] : memref<20480x1024xf32, #tpu.memory_space<hbm>> -> memref<20480x1024xf32, #tpu.memory_space<hbm>>
    tpu.enqueue_indirect_dma source(%arg7 : memref<32x1024xf32, #tpu.memory_space<vmem>>) target(%dma_start3A_256 : memref<20480x1024xf32, #tpu.memory_space<hbm>>) offsets(%dma_start3A_253 : memref<32xi32, #tpu.memory_space<vmem>>) semaphore(%arg13 : memref<!tpu.dma_semaphore, #tpu.memory_space<semaphore_mem>>)
    %dma_wait3A_257 = arith.constant 0 : i32
    %dma_wait3A_258 = tpu.memref_slice %arg2[%add3A_230, %dma_wait3A_257] : memref<12288x1024xf32, #tpu.memory_space<hbm>> -> memref<32x1024xf32, #tpu.memory_space<hbm>>
    %dma_wait3A_259 = arith.constant 0 : i32
    %dma_wait3A_260 = tpu.memref_slice %arg2[%add3A_230, %dma_wait3A_259] : memref<12288x1024xf32, #tpu.memory_space<hbm>> -> memref<32x1024xf32, #tpu.memory_space<hbm>>
    tpu.wait_dma2 semaphore(%arg11 : memref<!tpu.dma_semaphore, #tpu.memory_space<semaphore_mem>>) src(%dma_wait3A_260 : memref<32x1024xf32, #tpu.memory_space<hbm>>) dst(%arg8 : memref<32x1024xf32, #tpu.memory_space<vmem>>)
    %dma_start3A_261 = arith.constant 11 : i32
    %dma_start3A_262 = arith.constant 0 : i32
    %dma_start3A_263 = tpu.memref_slice %arg5[%dma_start3A_261, %dma_start3A_262] : memref<12x32xi32, #tpu.memory_space<vmem>> -> memref<1x32xi32, #tpu.memory_space<vmem>>
    %dma_start3A_264 = tpu.memref_squeeze %dma_start3A_263 : memref<1x32xi32, #tpu.memory_space<vmem>> -> memref<32xi32, #tpu.memory_space<vmem>>
    %dma_start3A_265 = arith.constant 0 : i32
    %dma_start3A_266 = arith.constant 0 : i32
    %dma_start3A_267 = tpu.memref_slice %arg4[%dma_start3A_265, %dma_start3A_266] : memref<20480x1024xf32, #tpu.memory_space<hbm>> -> memref<20480x1024xf32, #tpu.memory_space<hbm>>
    tpu.enqueue_indirect_dma source(%arg8 : memref<32x1024xf32, #tpu.memory_space<vmem>>) target(%dma_start3A_267 : memref<20480x1024xf32, #tpu.memory_space<hbm>>) offsets(%dma_start3A_264 : memref<32xi32, #tpu.memory_space<vmem>>) semaphore(%arg14 : memref<!tpu.dma_semaphore, #tpu.memory_space<semaphore_mem>>)
    %dma_wait3A_268 = arith.constant 9 : i32
    %dma_wait3A_269 = arith.constant 0 : i32
    %dma_wait3A_270 = tpu.memref_slice %arg5[%dma_wait3A_268, %dma_wait3A_269] : memref<12x32xi32, #tpu.memory_space<vmem>> -> memref<1x32xi32, #tpu.memory_space<vmem>>
    %dma_wait3A_271 = tpu.memref_squeeze %dma_wait3A_270 : memref<1x32xi32, #tpu.memory_space<vmem>> -> memref<32xi32, #tpu.memory_space<vmem>>
    %dma_wait3A_272 = arith.constant 0 : i32
    %dma_wait3A_273 = arith.constant 0 : i32
    %dma_wait3A_274 = tpu.memref_slice %arg4[%dma_wait3A_272, %dma_wait3A_273] : memref<20480x1024xf32, #tpu.memory_space<hbm>> -> memref<20480x1024xf32, #tpu.memory_space<hbm>>
    tpu.wait_indirect_dma semaphore(%arg12 : memref<!tpu.dma_semaphore, #tpu.memory_space<semaphore_mem>>) src(%arg6 : memref<32x1024xf32, #tpu.memory_space<vmem>>) dst(%dma_wait3A_274 : memref<20480x1024xf32, #tpu.memory_space<hbm>>)
    %dma_wait3A_275 = arith.constant 10 : i32
    %dma_wait3A_276 = arith.constant 0 : i32
    %dma_wait3A_277 = tpu.memref_slice %arg5[%dma_wait3A_275, %dma_wait3A_276] : memref<12x32xi32, #tpu.memory_space<vmem>> -> memref<1x32xi32, #tpu.memory_space<vmem>>
    %dma_wait3A_278 = tpu.memref_squeeze %dma_wait3A_277 : memref<1x32xi32, #tpu.memory_space<vmem>> -> memref<32xi32, #tpu.memory_space<vmem>>
    %dma_wait3A_279 = arith.constant 0 : i32
    %dma_wait3A_280 = arith.constant 0 : i32
    %dma_wait3A_281 = tpu.memref_slice %arg4[%dma_wait3A_279, %dma_wait3A_280] : memref<20480x1024xf32, #tpu.memory_space<hbm>> -> memref<20480x1024xf32, #tpu.memory_space<hbm>>
    tpu.wait_indirect_dma semaphore(%arg13 : memref<!tpu.dma_semaphore, #tpu.memory_space<semaphore_mem>>) src(%arg7 : memref<32x1024xf32, #tpu.memory_space<vmem>>) dst(%dma_wait3A_281 : memref<20480x1024xf32, #tpu.memory_space<hbm>>)
    %dma_wait3A_282 = arith.constant 11 : i32
    %dma_wait3A_283 = arith.constant 0 : i32
    %dma_wait3A_284 = tpu.memref_slice %arg5[%dma_wait3A_282, %dma_wait3A_283] : memref<12x32xi32, #tpu.memory_space<vmem>> -> memref<1x32xi32, #tpu.memory_space<vmem>>
    %dma_wait3A_285 = tpu.memref_squeeze %dma_wait3A_284 : memref<1x32xi32, #tpu.memory_space<vmem>> -> memref<32xi32, #tpu.memory_space<vmem>>
    %dma_wait3A_286 = arith.constant 0 : i32
    %dma_wait3A_287 = arith.constant 0 : i32
    %dma_wait3A_288 = tpu.memref_slice %arg4[%dma_wait3A_286, %dma_wait3A_287] : memref<20480x1024xf32, #tpu.memory_space<hbm>> -> memref<20480x1024xf32, #tpu.memory_space<hbm>>
    tpu.wait_indirect_dma semaphore(%arg14 : memref<!tpu.dma_semaphore, #tpu.memory_space<semaphore_mem>>) src(%arg8 : memref<32x1024xf32, #tpu.memory_space<vmem>>) dst(%dma_wait3A_288 : memref<20480x1024xf32, #tpu.memory_space<hbm>>)
    return
  }
}

module attributes {stable_mosaic.version = 14 : i64} {
  func.func @_mm_body(%arg0: i32, %arg1: memref<24xi32, #tpu.memory_space<smem>>, %arg2: memref<512x1024xf32, #tpu.memory_space<vmem>>, %arg3: memref<1x1024x1024xf32, #tpu.memory_space<vmem>>, %arg4: memref<1x1x1024xf32, #tpu.memory_space<vmem>>, %arg5: memref<512x1024xf32, #tpu.memory_space<vmem>>) attributes {dimension_semantics = [#tpu.dimension_semantics<parallel>], iteration_bounds = array<i64: 24>, scalar_prefetch = 1 : i64, scratch_operands = 0 : i64, tpu.core_type = #tpu.core_type<tc>, window_params = [{transform_indices = @transform_0, window_bounds = array<i64: 512, 1024>}, {transform_indices = @transform_1, window_bounds = array<i64: 1, 1024, 1024>}, {transform_indices = @transform_2, window_bounds = array<i64: 1, 1, 1024>}, {transform_indices = @transform_3, window_bounds = array<i64: 512, 1024>}]} {
    %get3A = arith.constant 0 : index
    %get3A_0 = arith.constant 0 : index
    %get3A_1 = vector.load %arg2[%get3A, %get3A_0] : memref<512x1024xf32, #tpu.memory_space<vmem>>, vector<512x1024xf32>
    %get3A_2 = arith.constant 0 : index
    %get3A_3 = arith.constant 0 : index
    %get3A_4 = arith.constant 0 : index
    %get3A_5 = vector.load %arg3[%get3A_2, %get3A_3, %get3A_4] : memref<1x1024x1024xf32, #tpu.memory_space<vmem>>, vector<1x1024x1024xf32>
    %get3A_6 = vector.shape_cast %get3A_5 : vector<1x1024x1024xf32> to vector<1024x1024xf32>
    %dot_general3A = arith.constant dense<0.000000e+00> : vector<512x1024xf32>
    %dot_general3A_7 = tpu.matmul %get3A_1, %get3A_6, %dot_general3A {dimension_numbers = #tpu.dot_dimension_numbers<[1], [1], [0], [0], [0, 0, 1, 0], [], []>, transpose_lhs_hint = false} : vector<512x1024xf32>, vector<1024x1024xf32>, vector<512x1024xf32> -> vector<512x1024xf32>
    %get3A_8 = arith.constant 0 : index
    %get3A_9 = arith.constant 0 : index
    %get3A_10 = arith.constant 0 : index
    %get3A_11 = vector.load %arg4[%get3A_8, %get3A_9, %get3A_10] : memref<1x1x1024xf32, #tpu.memory_space<vmem>>, vector<1x1x1024xf32>
    %get3A_12 = vector.shape_cast %get3A_11 : vector<1x1x1024xf32> to vector<1024xf32>
    %broadcast_in_dim3A = vector.shape_cast %get3A_12 : vector<1024xf32> to vector<1x1024xf32>
    %add3A = vector.broadcast %broadcast_in_dim3A : vector<1x1024xf32> to vector<512x1024xf32>
    %add3A_13 = arith.addf %dot_general3A_7, %add3A : vector<512x1024xf32>
    %swap3A = arith.constant 0 : index
    %swap3A_14 = arith.constant 0 : index
    %swap3A_15 = vector.load %arg5[%swap3A, %swap3A_14] : memref<512x1024xf32, #tpu.memory_space<vmem>>, vector<512x1024xf32>
    tpu.vector_store %arg5[%swap3A, %swap3A_14], %add3A_13 {strides = array<i32>} : memref<512x1024xf32, #tpu.memory_space<vmem>>, vector<512x1024xf32>,
    return
  }
  func.func @transform_0(%arg0: i32, %arg1: memref<24xi32, #tpu.memory_space<smem>>) -> (i32, i32) {
    %c0_i32 = arith.constant 0 : i32
    %c0_i32_0 = arith.constant 0 : i32
    return %arg0, %c0_i32 : i32, i32
  }
  func.func @transform_1(%arg0: i32, %arg1: memref<24xi32, #tpu.memory_space<smem>>) -> (i32, i32, i32) {
    %get3A = arith.index_cast %arg0 : i32 to index
    %get3A_0 = memref.load %arg1[%get3A] : memref<24xi32, #tpu.memory_space<smem>>
    %c0_i32 = arith.constant 0 : i32
    %c0_i32_1 = arith.constant 0 : i32
    %c0_i32_2 = arith.constant 0 : i32
    return %get3A_0, %c0_i32, %c0_i32_1 : i32, i32, i32
  }
  func.func @transform_2(%arg0: i32, %arg1: memref<24xi32, #tpu.memory_space<smem>>) -> (i32, i32, i32) {
    %get3A = arith.index_cast %arg0 : i32 to index
    %get3A_0 = memref.load %arg1[%get3A] : memref<24xi32, #tpu.memory_space<smem>>
    %c0_i32 = arith.constant 0 : i32
    %c0_i32_1 = arith.constant 0 : i32
    %c0_i32_2 = arith.constant 0 : i32
    return %get3A_0, %c0_i32, %c0_i32_1 : i32, i32, i32
  }
  func.func @transform_3(%arg0: i32, %arg1: memref<24xi32, #tpu.memory_space<smem>>) -> (i32, i32) {
    %c0_i32 = arith.constant 0 : i32
    %c0_i32_0 = arith.constant 0 : i32
    return %arg0, %c0_i32 : i32, i32
  }
}

</mosaic_0001>

<sc_bundles>
// kernel: gather_offload_async_start
scs
__scs_entry_jumppad:
0x0: {  	(pc) =	sbr.rel $0x88, $3  }
0x1: {  	(tag) =	ssettag $0x0;
	lr =	simm.s32 $0x1  }
0x2: {  	[smem:$0x3F9D] =	sst lr;
	_ =	strace $0xD0000000  }
0x3: {  	_ = 	snop  }
0x4: {  	_ = 	snop  }
0x5: {  	_ = 	snop  }
0x6: {  	_ = 	snop  }
0x7: {  	_ = 	snop  }
__scs_overlays_trampoline_lowered:
0x8: {  	[smem:$0x3FAC] =	sst s0  }
0x9: {  	[smem:$0x3FAD] =	sst s1  }
0xa: {  	[smem:$0x3FAE] =	sst s2  }
0xb: {  	[smem:$0x3FAF] =	sst s3  }
0xc: {  	[smem:$0x3FB0] =	sst s4  }
0xd: {  	[smem:$0x3FB1] =	sst s5  }
0xe: {  	[smem:$0x3FB2] =	sst s6  }
0xf: {  	[smem:$0x3FB3] =	sst s7  }
0x10: {  	[smem:$0x3FB4] =	sst s8  }
0x11: {  	[smem:$0x3FB5] =	sst s9;
	s0 =	simm.s32 @!p0 $0x0  }
0x12: {  	s1 =	sld [smem:$0x3F9B];
	s0 =	simm.s32 @p0 $0x1  }
0x13: {  	[smem:$0x3FB6] =	sst s0;
	s0 =	simm.s32 @!p1 $0x0  }
0x14: {  	s2 =	sld [smem:$0x3F9A];
	s0 =	simm.s32 @p1 $0x1  }
0x15: {  	[smem:$0x3FB7] =	sst s0;
	s0 =	simm.s32 @!p2 $0x0  }
0x16: {  	s3 =	sld [smem:$0x3FDB];
	s0 =	simm.s32 @p2 $0x1  }
0x17: {  	s4 =	simm.s32 $0x1BF5;
	[smem:$0x3FB9] =	sst s0  }
0x18: {  	s0 =	sld [smem:$0x3F9C];
	_ =	swait.ge [sflag:s4], $0x0  }
0x19: {  	s7 =	sld [smem:$0x3F9D]  }
0x1a: {  	s8 =	sadd.s32 $0xFFFFE003, lr  }
0x1b: {  	s9 =	sadd.s32 $0xFFFFFEF7, lr;
	s5 =	simm.s32 $0xFFFFFFFF;
	p2 =	slt.u32 s8, $0xFFFFF086  }
0x1c: {  	p1 =	slt.u32 s9, $0xF7A;
	s5 =	simm.s32 @!p2 $0x0  }
0x1d: {  	s5 =	simm.s32 @p1 $0x1;
	p0 =	seq.s32 s7, s2  }
0x1e: {  	s7 =	smul.u32 @!p0 $0xF7A, s2;
	p2 =	seq.s32 @!p0 s5, $0x0  }
0x1f: {  	s9 =	smul.u32 $0xF7A, s1;
	s8 =	simm.s32 @!p0 $0x1BF5;
	p2 =	por !p2, p0  }
0x20: {  	[sflag:s8] =	ssyncset.s32 @!p0 $0xFFFFF086;
	s6 =	sadd.s32 @!p0 s3, s7;
	s7 =	simm.s32 @!p0 $0x108  }
0x21: {  	s3 =	sadd.s32 s3, s9;
	s6 =	sadd.s32 @!p0 $0x88, s6;
	s7 =	simm.s32 @p2 $0x1082  }
0x22: {  	[simem:s7], [sflag:s8] =	dma.local @!p0 [hbm:s6], $0xF7A  }
0x23: {  	s9 =	sor.u32 $0xD0000000, s2;
	s6 =	simm.s32 $0x108;
	_ =	swait.ge @!p0 [sflag:s8], $0x0  }
0x24: {  	s3 =	sadd.s32 $0x88, s3;
	s6 =	simm.s32 @!p1 $0x1082;
	[sflag:s4] =	ssyncset.s32 $0xFFFFF086  }
0x25: {  	[simem:s6], [sflag:s4] =	dma.local [hbm:s3], $0xF7A  }
0x26: {  	[smem:$0x3F9D] =	sst s1;
	(tag) =	ssettag s2;
	_ =	strace s9  }
0x27: {  	s1 =	sld [smem:$0x3FAD]  }
0x28: {  	s2 =	sld [smem:$0x3FAE]  }
0x29: {  	s4 =	sld [smem:$0x3FB0]  }
0x2a: {  	p0 =	seq.s32 s5, $0x0;
	s5 =	sld [smem:$0x3FB1]  }
0x2b: {  	s6 =	sld [smem:$0x3FB2]  }
0x2c: {  	s7 =	sld [smem:$0x3FB3]  }
0x2d: {  	s3 =	simm.s32 $0x108;
	s8 =	sld [smem:$0x3FB4]  }
0x2e: {  	s3 =	simm.s32 @!p0 $0x1082;
	s9 =	sld [smem:$0x3FB5]  }
0x2f: {  	lr =	sadd.s32 s0, s3;
	s0 =	sld [smem:$0x3FAC]  }
0x30: {  	s3 =	sld [smem:$0x3FAF]  }
0x31: {  	[smem:$0x3FB8] =	sst s10  }
0x32: {  	s10 =	sld [smem:$0x3FB6];
	_ =	sdelay $0x3  }
0x33: {  	p0 =	seq.s32 s10, $0x1;
	s10 =	sld [smem:$0x3FB8];
	_ =	sdelay $0x3  }
0x34: {  	[smem:$0x3FB8] =	sst s10  }
0x35: {  	s10 =	sld [smem:$0x3FB7];
	_ =	sdelay $0x3  }
0x36: {  	p1 =	seq.s32 s10, $0x1;
	s10 =	sld [smem:$0x3FB8];
	_ =	sdelay $0x3  }
0x37: {  	[smem:$0x3FB8] =	sst s10  }
0x38: {  	s10 =	sld [smem:$0x3FB9]  }
0x39: {  	_ = 	snop;
	(pc) =	sbr.ind lr, $3  }
0x3a: {  	_ = 	snop  }
0x3b: {  	_ = 	snop  }
0x3c: {  	p2 =	seq.s32 s10, $0x1;
	s10 =	sld [smem:$0x3FB8]  }
0x3d: {  	_ =	shalt  }
0x3e: {  	_ =	shalt  }
0x3f: {  	_ =	shalt  }
0x40: {  	_ =	shalt  }
0x41: {  	_ =	shalt  }
0x42: {  	_ =	shalt  }
0x43: {  	_ =	shalt  }
0x44: {  	_ =	shalt  }
0x45: {  	_ =	shalt  }
0x46: {  	_ =	shalt  }
0x47: {  	_ =	shalt  }
0x48: {  	_ =	shalt  }
0x49: {  	_ =	shalt  }
0x4a: {  	_ =	shalt  }
0x4b: {  	_ =	shalt  }
0x4c: {  	_ =	shalt  }
0x4d: {  	_ =	shalt  }
0x4e: {  	_ =	shalt  }
0x4f: {  	_ =	shalt  }
0x50: {  	_ =	shalt  }
0x51: {  	_ =	shalt  }
0x52: {  	_ =	shalt  }
0x53: {  	_ =	shalt  }
0x54: {  	_ =	shalt  }
0x55: {  	_ =	shalt  }
0x56: {  	_ =	shalt  }
0x57: {  	_ =	shalt  }
0x58: {  	_ =	shalt  }
0x59: {  	_ =	shalt  }
0x5a: {  	_ =	shalt  }
0x5b: {  	_ =	shalt  }
0x5c: {  	_ =	shalt  }
0x5d: {  	_ =	shalt  }
0x5e: {  	_ =	shalt  }
0x5f: {  	_ =	shalt  }
0x60: {  	_ =	shalt  }
0x61: {  	_ =	shalt  }
0x62: {  	_ =	shalt  }
0x63: {  	_ =	shalt  }
0x64: {  	_ =	shalt  }
0x65: {  	_ =	shalt  }
0x66: {  	_ =	shalt  }
0x67: {  	_ =	shalt  }
0x68: {  	_ =	shalt  }
0x69: {  	_ =	shalt  }
0x6a: {  	_ =	shalt  }
0x6b: {  	_ =	shalt  }
0x6c: {  	_ =	shalt  }
0x6d: {  	_ =	shalt  }
0x6e: {  	_ =	shalt  }
0x6f: {  	_ =	shalt  }
0x70: {  	_ =	shalt  }
0x71: {  	_ =	shalt  }
0x72: {  	_ =	shalt  }
0x73: {  	_ =	shalt  }
0x74: {  	_ =	shalt  }
0x75: {  	_ =	shalt  }
0x76: {  	_ =	shalt  }
0x77: {  	_ =	shalt  }
0x78: {  	_ =	shalt  }
0x79: {  	_ =	shalt  }
0x7a: {  	_ =	shalt  }
0x7b: {  	_ =	shalt  }
0x7c: {  	_ =	shalt  }
0x7d: {  	_ =	shalt  }
0x7e: {  	_ =	shalt  }
0x7f: {  	_ =	shalt  }
0x80: {  	_ =	shalt  }
0x81: {  	_ =	shalt  }
0x82: {  	_ =	shalt  }
0x83: {  	_ =	shalt  }
0x84: {  	_ =	shalt  }
0x85: {  	_ =	shalt  }
0x86: {  	_ =	shalt  }
0x87: {  	_ =	shalt  }
.Lfunc_end0:
.L_simem_size_0:
called_computation.1_lowered:
.L_overlay_start_0:
0x88: {  	s2 =	sld [smem:$0x3FD9]  }
0x89: {  	s3 =	sld [smem:$0x3FFE];
	_ =	sdelay $0x1  }
0x8a: {  	s1 =	srdreg.scid  }
0x8b: {  	s0 =	sand.u32 $0x1, s1  }
0x8c: {  	s16 =	sshll.u32 s0, $0xA;
	s2 =	sadd.s32 s3, s2  }
0x8d: {  	s2 =	sadd.s32 s2, s16  }
0x8e: {  	[smem:$0x3FC4] =	sst s2  }
0x8f: {  	_ = 	snop  }
0x90: {  	(tm) =	ssettm $0x1  }
0x91: {  	s17 =	sld [smem:$0x3FFB];
	_ =	sdelay $0x3  }
0x92: {  	_ =	strace s17  }
0x93: {  	s2 =	sld [smem:$0x3FFC];
	_ =	sdelay $0x3  }
0x94: {  	_ =	strace s2  }
0x95: {  	s2 =	sld [smem:$0x3FFD];
	_ =	sdelay $0x3  }
0x96: {  	_ =	strace s2  }
0x97: {  	_ =	strace $0x8FFFFFFF  }
0x98: {  	s18 =	sld [smem:$0x3FDB];
	_ =	sdelay $0x1  }
0x99: {  	s19 =	simm.s32 $_scs_section_size  }
0x9a: {  	s4 =	simm.s32 $_size__tile_overlayer_lowered;
	s5 =	simm.s32 $_tile_overlayer_lowered  }
0x9b: {  	s22 =	simm.s32 $0x1BFF;
	s21 =	sshll.u32 s5, $0x1;
	s2 =	sadd.s32 s19, s18  }
0x9c: {  	s6 =	simm.s32 $0x0;
	s20 =	sshll.u32 s4, $0x1;
	s4 =	sadd.s32 s21, s2  }
0x9d: {  	[timem:s6], [sflag:s22] =	dma.local [hbm:s4], s20  }
0x9e: {  	_ =	swait.ge [sflag:s22], s20  }
0x9f: {  	s3 =	ssub.s32 $0x0, s20;
	[sflag:s22] =	ssyncset.done $0x0  }
0xa0: {  	[sflag:s22] =	ssyncadd.s32 s3;
	_ =	sdelay $0x1  }
0xa1: {  	s23 =	simm.s32 $0x1B8B  }
0xa2: {  	_ =	swait.ge [sflag:s23], $0x1  }
0xa3: {  	[sflag:s23] =	ssyncset.done $0x0  }
0xa4: {  	s25 =	simm.s32 $0x1B8E;
	s24 =	sld [smem:$0x3FFE];
	[sflag:s23] =	ssyncadd.s32 $0xFFFFFFFF  }
0xa5: {  	s26 =	simm.s32 $execute0_lowered;
	[smem:$0x3FD2] =	sst s25  }
0xa6: {  	s4 =	sshll.u32 s26, $0x1;
	_ =	strace $0x80000046;
	[dreg:$0x1] =	wrdreg $0xFFFFFFFF  }
0xa7: {  	s28 =	simm.s32 $_size_execute0_lowered;
	s2 =	sadd.s32 s2, s4;
	[dreg:$0x0] =	wrdreg $0x0  }
0xa8: {  	s4 =	sshll.u32 s28, $0x1;
	[dreg:$0x2] =	wrdreg s2  }
0xa9: {  	[dreg:$0x3] =	wrdreg s4  }
0xaa: {  	[dreg:$0x4] =	wrdreg $0xC0  }
0xab: {  	_ =	task [dreg:s6], $0x5FFFF  }
0xac: {  	[dreg:$0x1] =	wrdreg $0xFFFFFFFF  }
0xad: {  	[dreg:$0x0] =	wrdreg $0x60  }
0xae: {  	[dreg:$0x2] =	wrdreg s24  }
0xaf: {  	[dreg:$0x3] =	wrdreg $0xA  }
0xb0: {  	_ =	task.clear_ibuf [dreg:s6], $0x4FFFF;
	_ =	strace $0x90000046  }
0xb1: {  	s29 =	simm.s32 $0xA;
	_ =	strace $0x80000048  }
0xb2: {  	_ =	swait.ge [sflag:s29], $0x1  }
0xb3: {  	[sflag:s29] =	ssyncadd.s32 $0xFFFFFFFF  }
0xb4: {  	_ =	strace $0x90000048  }
0xb5: {  	_ =	sfence  }
0xb6: {  	s30 =	sld [smem:$0x0];
	_ =	sdelay $0x2  }
0xb7: {  	s31 =	sshll.u32 s1, $0xD;
	s1 =	sshrl.u32 s1, $0x2  }
0xb8: {  	s3 =	sand.u32 $0x4000, s31;
	s1 =	sadd.s32 s1, s30  }
0xb9: {  	s0 =	sor.u32 s3, s0;
	s1 =	sshll.u32 s1, $0x11  }
0xba: {  	s0 =	sor.u32 s1, s0  }
0xbb: {  	s0 =	sadd.s32 $0x8F2B, s0  }
0xbc: {  	[sflag:s0] =	ssyncadd.remote.s32 $0x1  }
0xbd: {  	_ =	sfence.sel $0xFFFF  }
0xbe: {  	[dreg:$0x0] =	wrdreg $0xFFFFFFFF;
	(pc) =	sbr.abs _section_cstart, $3  }
0xbf: {  	[dreg:$0x1] =	wrdreg $0xFFFFFFFF  }
0xc0: {  	_ =	task.clear_ibuf [dreg:s6], $0x2FFFF;
	_ =	strace $0x9FFFFFFF  }
0xc1: {  	(tm) =	ssettm $0x7FFFFFFF  }
tec
execute0_lowered:
.L_overlay_start_1:
0x0: {  	(tag) =	ssettag $0x1  }
0x1: {  	s1 =	srdreg.scid  }
0x2: {  	s0 =	stileid.u32;
	s2 =	rddreg [dreg:$0x0];
	s6 =	simm.s32 $0x1  }
0x3: {  	s9 =	simm.s32 $0x1;
	s10 =	simm.s32 $0x3;
	s1 =	sshll.u32 s1, $0x7  }
0x4: {  	s13 =	simm.s32 $0x0;
	s3 =	sshll.u32 s0, $0x8;
	s4 =	sand.u32 $0x80, s1  }
0x5: {  	s12 =	simm.s32 $0x0;
	s5 =	sadd.s32 $0x20400, s2;
	s3 =	sor.u32 s3, s4  }
0x6: {  	s1 =	rddreg [dreg:$0x1];
	_ =	strace $0x80000047;
	s8 =	ssub.s32 $0x2000, s3  }
.Ltmp0:
0x7: {  	s4 =	sadd.s32 $0x20000, s2;
	s7 =	sand.u32 $0xF80, s8;
	(pc) =	sbr.rel .LBB2_1-.Ltmp0, $4  }
0x8: {  	[sflag:s6] =	ssyncpa.u1 $0x0;
	s11 =	smov.u32 s3;
	p0 =	sne.s32 s7, $0x0  }
0x9: {  	s8 =	sshrl.u32 s8, $0xC;
	s7 =	simm.s32 $0x2;
	s9 =	simm.s32 @!p0 $0x0  }
0xa: {  	[sflag:s7] =	ssyncpa.u1 $0x0;
	p0 =	por $0x0, $0x0;
	s8 =	sadd.s32 s9, s8  }
0xb: {  	vm0 =	vmmov $0xffff;
	[sflag:s10] =	ssyncpa.u1 $0x0;
	s10 =	simm.s32 $0x0;
	s9 =	sadd.s32 $0x1, s8  }
.LBB2_4:
0xc: {  	v5 =	vshrl.u32 v1, $0xD;
	v6 =	vshll.u32 v1, $0x7  }
0xd: {  	vm1 =	veq.s32 v1, $0x80000000;
	v58 =	vand.u32 $0x7, v5;
	v59 =	vand.u32 $0xFFF80, v6  }
0xe: {  	v1 =	vsel vm1, $0xFFFFFFFF, v58;
	v5 =	vsel vm1, $0xFFFFFF80, v59  }
0xf: {  	v3 =	vor.u32 v4, v3;
	v60 =	vand.u32 $0xFFFFFC00, v5;
	v61 =	vand.u32 $0xFFFFFC00, v1  }
0x10: {  	v2 =	vor.u32 v2, v3;
	v63 =	vand.u32 $0x380, v5;
	v62 =	vadd.s32 v61, v60  }
0x11: {  	v1 =	vand.u32 $0x7F, v1;
	v3 =	vor.u32 v63, v62  }
0x12: {  	v1 =	vor.u32 v1, v3  }
0x13: {  	[tilespmem:s15], [sflag:$0x1] =	stream.indirect_vreg.gather [hbm4b:s2+s10], $0x1, v0, vm0, $0x4038;
	[tilespmem:$0x200] =	vst v63  }
0x14: {  	(ifvalue) =	ssetifvalue $0x7FFFFFFF  }
0x15: {  	[tilespmem:s16], [sflag:$0x1] =	stream.indirect_vreg.gather [hbm4b:s2+s10], $0x1, v2, vm0, $0x4038;
	[tilespmem:$0x200] =	vst v63  }
0x16: {  	s29 =	sadd.s32 $0x10, s16;
	(ifvalue) =	ssetifvalue $0x7FFFFFFF  }
0x17: {  	[tilespmem:s29], [sflag:$0x1] =	stream.indirect_vreg.gather [hbm4b:s2+s10], $0x1, v1, vm0, $0x4038;
	[tilespmem:$0x200] =	vst v63  }
0x18: {  	_ =	swait.ge [sflag:s6], $0x80  }
0x19: {  	s30 =	sshrl.u32 s13, $0x3;
	[sflag:s6] =	ssyncset.done $0x0  }
0x1a: {  	s31 =	sand.u32 $0x7, s13;
	s15 =	sadd.s32 s5, s30;
	[sflag:s6] =	ssyncadd.s32 $0xFFFFFF80  }
0x1b: {  	[hbm4b:s15+s31] =	stream.linear.scatter [tilespmem:s14], [sflag:$0x3], $0x80, $0x38;
	[tilespmem:$0x200] =	vst v63  }
.LBB2_5:
0x1c: {  	s15 =	sadd.s32 $0x1000, s11  }
0x1d: {  	p2 =	sgt.s32 s15, $0x1FFF  }
0x1e: {  	s15 =	smov.u32 @p2 s3;
	p2 =	sne.s32 s12, s9  }
.Ltmp1:
0x1f: {  	p1 =	slt.u32 s12, $0x2;
	(pc) =	sbr.rel @!p2 .LBB2_6-.Ltmp1, $4  }
0x20: {  	s14 =	simm.s32 @!p1 $0x3  }
0x21: {  	s16 =	sadd.s32 $0x1, s12;
	_ =	swait.ge @!p1 [sflag:s14], $0x80  }
0x22: {  	s13 =	smov.u32 s11;
	p0 =	por !p0, !p0;
	[sflag:s14] =	ssyncset.done @!p1 $0x0  }
0x23: {  	s12 =	smov.u32 s16;
	s11 =	smov.u32 s15;
	[sflag:s14] =	ssyncadd.s32 @!p1 $0xFFFFFF80  }
.LBB2_1:
0x24: {  	p1 =	sge.u32 s12, s8  }
0x25: {  	s14 =	sxor.u32 @!p1 $0xFFFFFFFF, s12  }
0x26: {  	s31 =	sadd.s32 $0xFFFFFFFF, s12;
	s15 =	sshrl.u32 @!p1 s11, $0x3;
	s14 =	sshll.u32 @!p1 s14, $0x7  }
0x27: {  	s16 =	sand.u32 @!p1 $0x7, s11;
	s15 =	sadd.s32 @!p1 s4, s15;
	s14 =	sand.u32 @!p1 $0x80, s14  }
0x28: {  	[tilespmem:s14], [sflag:$0x2] =	stream.linear.gather @!p1 [hbm4b:s15+s16], $0x80, $0x38;
	[tilespmem:$0x200] =	vst v63  }
0x29: {  	p1 =	sge.u32 s31, s8  }
.Ltmp2:
0x2a: {  	_ = 	snop;
	(pc) =	sbr.rel @p1 .LBB2_5-.Ltmp2, $1  }
0x2b: {  	_ =	sdelay $0x3  }
0x2c: {  	s14 =	simm.s32 $0x1  }
0x2d: {  	_ =	swait.ge [sflag:s7], $0x80;
	s14 =	simm.s32 @!p0 $0x0  }
0x2e: {  	[sflag:s7] =	ssyncset.done $0x0;
	s14 =	sshll.u32 s14, $0x7  }
0x2f: {  	[sflag:s7] =	ssyncadd.s32 $0xFFFFFF80;
	(ifvalue) =	ssetifvalue $0x7FFFFFFF;
	v0 =	vld.msk [tilespmem:s14+$0x0 ss:$0x1], $0xffff;
	_ =	sdelay $0x4  }
0x30: {  	s15 =	sadd.s32 $0x10, s14;
	v2 =	vshrl.u32 v0, $0xD;
	v3 =	vshll.u32 v0, $0x7  }
0x31: {  	v1 =	vld.msk [tilespmem:s15+$0x0 ss:$0x1], $0xffff;
	vm1 =	veq.s32 v0, $0x80000000;
	v0 =	vand.u32 $0x7, v2;
	v2 =	vand.u32 $0xFFF80, v3  }
0x32: {  	v0 =	vsel vm1, $0xFFFFFFFF, v0;
	v2 =	vsel vm1, $0xFFFFFF80, v2  }
0x33: {  	v3 =	vand.u32 $0xFFFFFC00, v2;
	v4 =	vand.u32 $0xFFFFFC00, v0  }
0x34: {  	v2 =	vand.u32 $0x380, v2;
	v3 =	vadd.s32 v4, v3  }
0x35: {  	v0 =	vand.u32 $0x7F, v0;
	v2 =	vor.u32 v2, v3  }
0x36: {  	v5 =	vshll.u32 v1, $0x7;
	v4 =	vshrl.u32 v1, $0xD;
	v0 =	vor.u32 v0, v2  }
0x37: {  	s16 =	sshll.u32 s12, $0x7;
	vm1 =	veq.s32 v1, $0x80000000;
	v1 =	vand.u32 $0x7, v4;
	v4 =	vand.u32 $0xFFF80, v5  }
0x38: {  	s16 =	sand.u32 $0x80, s16;
	s18 =	sadd.s32 $0x10, s15;
	v3 =	vsel vm1, $0xFFFFFFFF, v1;
	v4 =	vsel vm1, $0xFFFFFF80, v4  }
0x39: {  	s17 =	simm.s32 $0x20;
	s15 =	sor.u32 $0x100, s14;
	s14 =	sor.u32 $0x100, s16;
	v1 =	vld.msk [tilespmem:s18+$0x0 ss:$0x1], $0xffff;
	v5 =	vand.u32 $0xFFFFFC00, v4;
	v6 =	vand.u32 $0xFFFFFC00, v3  }
0x3a: {  	s16 =	sadd.s32 $0x10, s15;
	s18 =	sadd.s32 $0x10, s18;
	(ifvalue) =	ssetifvalue $0x7FFFFFFF;
	v2 =	vand.u32 $0x7F, v3;
	v4 =	vand.u32 $0x380, v4;
	v3 =	vadd.s32 v6, v5  }
.LBB2_3:
0x3b: {  	[tilespmem:s15], [sflag:$0x1] =	stream.indirect_vreg.gather [hbm4b:s2+s10], $0x1, v0, vm0, $0x4038;
	[tilespmem:$0x200] =	vst v63  }
0x3c: {  	s17 =	sadd.s32 $0x10, s17  }
0x3d: {  	v3 =	vor.u32 v4, v3;
	p1 =	slt.u32 s17, $0x70  }
.Ltmp3:
0x3e: {  	v4 =	vshrl.u32 v1, $0xD;
	v5 =	vshll.u32 v1, $0x7;
	s15 =	smov.u32 s16;
	v0 =	vor.u32 v2, v3;
	v2 =	vmovc v1;
	v1 =	vld.msk [tilespmem:s18+$0x0 ss:$0x1], $0xffff;
	(pc) =	sbr.rel @p1 .LBB2_3-.Ltmp3, $4  }
0x3f: {  	v3 =	vand.u32 $0xFFF80, v5;
	vm1 =	veq.s32 v2, $0x80000000;
	v2 =	vand.u32 $0x7, v4  }
0x40: {  	v4 =	vsel vm1, $0xFFFFFFFF, v2;
	v5 =	vsel vm1, $0xFFFFFF80, v3  }
0x41: {  	v2 =	vand.u32 $0x7F, v4;
	v3 =	vand.u32 $0xFFFFFC00, v5;
	v4 =	vand.u32 $0xFFFFFC00, v4  }
0x42: {  	s16 =	sadd.s32 $0x10, s16;
	s18 =	sadd.s32 $0x10, s18;
	v3 =	vadd.s32 v4, v3;
	v4 =	vand.u32 $0x380, v5;
	(ifvalue) =	ssetifvalue $0x7FFFFFFF  }
.Ltmp4:
0x43: {  	_ = 	snop;
	(pc) =	sbr.rel .LBB2_4-.Ltmp4, $1  }
0x44: {  	_ =	sdelay $0x3  }
.LBB2_6:
0x45: {  	_ =	sfence.sel $0x180000  }
0x46: {  	s2 =	simm.s32 $0x2;
	[bflag:$0x0] =	sbarrier.arrive $0xFFFF  }
0x47: {  	s30 =	simm.s32 $0x3;
	[sflag:s2] =	ssyncpa.u1 $0x1  }
0x48: {  	s31 =	simm.s32 $0x1;
	[sflag:s30] =	ssyncpa.u1 $0x1  }
0x49: {  	[sflag:s31] =	ssyncpa.u1 $0x1  }
0x4a: {  	p0 =	sne.s32 s0, $0x0;
	_ =	strace $0x90000047  }
0x4b: {  	s0 =	sadd.s32 @!p0 $0x100000, s1;
	[bflag:$0x2] =	sbarrier.arrive $0xFFFF  }
0x4c: {  	[sflag:s0] =	ssyncadd.tile.s32 @!p0 $0x1;
	_ =	shalt  }
.Lfunc_end2:
_tile_overlayer_lowered:
.L_overlay_start_2:
0x4d: {  	(tag) =	ssettag $0x2  }
0x4e: {  	s0 =	rddreg [dreg:$0x0];
	s2 =	stileid.u32  }
0x4f: {  	s1 =	rddreg [dreg:$0x1];
	p0 =	sne.s32 s2, $0x0  }
0x50: {  	s3 =	rddreg [dreg:$0x2];
	[bflag:$0x3] =	sbarrier.arrive $0xFFFF;
	s2 =	simm.s32 @!p0 $0x1C01  }
0x51: {  	[timem:s3], [sflag:s2] =	dma.local @!p0 [hbm:s0], s1  }
0x52: {  	s0 =	simm.s32 @!p0 $0x1  }
0x53: {  	_ =	swait.ge @!p0 [sflag:s0], s1  }
0x54: {  	s1 =	ssub.s32 @!p0 $0x0, s1;
	[sflag:s0] =	ssyncset.done @!p0 $0x0  }
0x55: {  	[sflag:s0] =	ssyncadd.s32 @!p0 s1  }
0x56: {  	[bflag:$0x3] =	sbarrier.arrive $0xFFFF  }
0x57: {  	_ =	shalt  }

// kernel: kernel.5.cloned.1.call-start
scs
__scs_entry_jumppad:
0x0: {  	(pc) =	sbr.rel $0x88, $3  }
0x1: {  	(tag) =	ssettag $0x0;
	lr =	simm.s32 $0x1  }
0x2: {  	[smem:$0x3F9D] =	sst lr;
	_ =	strace $0xD0000000  }
0x3: {  	_ = 	snop  }
0x4: {  	_ = 	snop  }
0x5: {  	_ = 	snop  }
0x6: {  	_ = 	snop  }
0x7: {  	_ = 	snop  }
__scs_overlays_trampoline_lowered:
0x8: {  	[smem:$0x3FAC] =	sst s0  }
0x9: {  	[smem:$0x3FAD] =	sst s1  }
0xa: {  	[smem:$0x3FAE] =	sst s2  }
0xb: {  	[smem:$0x3FAF] =	sst s3  }
0xc: {  	[smem:$0x3FB0] =	sst s4  }
0xd: {  	[smem:$0x3FB1] =	sst s5  }
0xe: {  	[smem:$0x3FB2] =	sst s6  }
0xf: {  	[smem:$0x3FB3] =	sst s7  }
0x10: {  	[smem:$0x3FB4] =	sst s8  }
0x11: {  	[smem:$0x3FB5] =	sst s9;
	s0 =	simm.s32 @!p0 $0x0  }
0x12: {  	s1 =	sld [smem:$0x3F9B];
	s0 =	simm.s32 @p0 $0x1  }
0x13: {  	[smem:$0x3FB6] =	sst s0;
	s0 =	simm.s32 @!p1 $0x0  }
0x14: {  	s2 =	sld [smem:$0x3F9A];
	s0 =	simm.s32 @p1 $0x1  }
0x15: {  	[smem:$0x3FB7] =	sst s0;
	s0 =	simm.s32 @!p2 $0x0  }
0x16: {  	s3 =	sld [smem:$0x3FDB];
	s0 =	simm.s32 @p2 $0x1  }
0x17: {  	s4 =	simm.s32 $0x1BF5;
	[smem:$0x3FB9] =	sst s0  }
0x18: {  	s0 =	sld [smem:$0x3F9C];
	_ =	swait.ge [sflag:s4], $0x0  }
0x19: {  	s7 =	sld [smem:$0x3F9D]  }
0x1a: {  	s8 =	sadd.s32 $0xFFFFE003, lr  }
0x1b: {  	s9 =	sadd.s32 $0xFFFFFEF7, lr;
	s5 =	simm.s32 $0xFFFFFFFF;
	p2 =	slt.u32 s8, $0xFFFFF086  }
0x1c: {  	p1 =	slt.u32 s9, $0xF7A;
	s5 =	simm.s32 @!p2 $0x0  }
0x1d: {  	s5 =	simm.s32 @p1 $0x1;
	p0 =	seq.s32 s7, s2  }
0x1e: {  	s7 =	smul.u32 @!p0 $0xF7A, s2;
	p2 =	seq.s32 @!p0 s5, $0x0  }
0x1f: {  	s9 =	smul.u32 $0xF7A, s1;
	s8 =	simm.s32 @!p0 $0x1BF5;
	p2 =	por !p2, p0  }
0x20: {  	[sflag:s8] =	ssyncset.s32 @!p0 $0xFFFFF086;
	s6 =	sadd.s32 @!p0 s3, s7;
	s7 =	simm.s32 @!p0 $0x108  }
0x21: {  	s3 =	sadd.s32 s3, s9;
	s6 =	sadd.s32 @!p0 $0x88, s6;
	s7 =	simm.s32 @p2 $0x1082  }
0x22: {  	[simem:s7], [sflag:s8] =	dma.local @!p0 [hbm:s6], $0xF7A  }
0x23: {  	s9 =	sor.u32 $0xD0000000, s2;
	s6 =	simm.s32 $0x108;
	_ =	swait.ge @!p0 [sflag:s8], $0x0  }
0x24: {  	s3 =	sadd.s32 $0x88, s3;
	s6 =	simm.s32 @!p1 $0x1082;
	[sflag:s4] =	ssyncset.s32 $0xFFFFF086  }
0x25: {  	[simem:s6], [sflag:s4] =	dma.local [hbm:s3], $0xF7A  }
0x26: {  	[smem:$0x3F9D] =	sst s1;
	(tag) =	ssettag s2;
	_ =	strace s9  }
0x27: {  	s1 =	sld [smem:$0x3FAD]  }
0x28: {  	s2 =	sld [smem:$0x3FAE]  }
0x29: {  	s4 =	sld [smem:$0x3FB0]  }
0x2a: {  	p0 =	seq.s32 s5, $0x0;
	s5 =	sld [smem:$0x3FB1]  }
0x2b: {  	s6 =	sld [smem:$0x3FB2]  }
0x2c: {  	s7 =	sld [smem:$0x3FB3]  }
0x2d: {  	s3 =	simm.s32 $0x108;
	s8 =	sld [smem:$0x3FB4]  }
0x2e: {  	s3 =	simm.s32 @!p0 $0x1082;
	s9 =	sld [smem:$0x3FB5]  }
0x2f: {  	lr =	sadd.s32 s0, s3;
	s0 =	sld [smem:$0x3FAC]  }
0x30: {  	s3 =	sld [smem:$0x3FAF]  }
0x31: {  	[smem:$0x3FB8] =	sst s10  }
0x32: {  	s10 =	sld [smem:$0x3FB6];
	_ =	sdelay $0x3  }
0x33: {  	p0 =	seq.s32 s10, $0x1;
	s10 =	sld [smem:$0x3FB8];
	_ =	sdelay $0x3  }
0x34: {  	[smem:$0x3FB8] =	sst s10  }
0x35: {  	s10 =	sld [smem:$0x3FB7];
	_ =	sdelay $0x3  }
0x36: {  	p1 =	seq.s32 s10, $0x1;
	s10 =	sld [smem:$0x3FB8];
	_ =	sdelay $0x3  }
0x37: {  	[smem:$0x3FB8] =	sst s10  }
0x38: {  	s10 =	sld [smem:$0x3FB9]  }
0x39: {  	_ = 	snop;
	(pc) =	sbr.ind lr, $3  }
0x3a: {  	_ = 	snop  }
0x3b: {  	_ = 	snop  }
0x3c: {  	p2 =	seq.s32 s10, $0x1;
	s10 =	sld [smem:$0x3FB8]  }
0x3d: {  	_ =	shalt  }
0x3e: {  	_ =	shalt  }
0x3f: {  	_ =	shalt  }
0x40: {  	_ =	shalt  }
0x41: {  	_ =	shalt  }
0x42: {  	_ =	shalt  }
0x43: {  	_ =	shalt  }
0x44: {  	_ =	shalt  }
0x45: {  	_ =	shalt  }
0x46: {  	_ =	shalt  }
0x47: {  	_ =	shalt  }
0x48: {  	_ =	shalt  }
0x49: {  	_ =	shalt  }
0x4a: {  	_ =	shalt  }
0x4b: {  	_ =	shalt  }
0x4c: {  	_ =	shalt  }
0x4d: {  	_ =	shalt  }
0x4e: {  	_ =	shalt  }
0x4f: {  	_ =	shalt  }
0x50: {  	_ =	shalt  }
0x51: {  	_ =	shalt  }
0x52: {  	_ =	shalt  }
0x53: {  	_ =	shalt  }
0x54: {  	_ =	shalt  }
0x55: {  	_ =	shalt  }
0x56: {  	_ =	shalt  }
0x57: {  	_ =	shalt  }
0x58: {  	_ =	shalt  }
0x59: {  	_ =	shalt  }
0x5a: {  	_ =	shalt  }
0x5b: {  	_ =	shalt  }
0x5c: {  	_ =	shalt  }
0x5d: {  	_ =	shalt  }
0x5e: {  	_ =	shalt  }
0x5f: {  	_ =	shalt  }
0x60: {  	_ =	shalt  }
0x61: {  	_ =	shalt  }
0x62: {  	_ =	shalt  }
0x63: {  	_ =	shalt  }
0x64: {  	_ =	shalt  }
0x65: {  	_ =	shalt  }
0x66: {  	_ =	shalt  }
0x67: {  	_ =	shalt  }
0x68: {  	_ =	shalt  }
0x69: {  	_ =	shalt  }
0x6a: {  	_ =	shalt  }
0x6b: {  	_ =	shalt  }
0x6c: {  	_ =	shalt  }
0x6d: {  	_ =	shalt  }
0x6e: {  	_ =	shalt  }
0x6f: {  	_ =	shalt  }
0x70: {  	_ =	shalt  }
0x71: {  	_ =	shalt  }
0x72: {  	_ =	shalt  }
0x73: {  	_ =	shalt  }
0x74: {  	_ =	shalt  }
0x75: {  	_ =	shalt  }
0x76: {  	_ =	shalt  }
0x77: {  	_ =	shalt  }
0x78: {  	_ =	shalt  }
0x79: {  	_ =	shalt  }
0x7a: {  	_ =	shalt  }
0x7b: {  	_ =	shalt  }
0x7c: {  	_ =	shalt  }
0x7d: {  	_ =	shalt  }
0x7e: {  	_ =	shalt  }
0x7f: {  	_ =	shalt  }
0x80: {  	_ =	shalt  }
0x81: {  	_ =	shalt  }
0x82: {  	_ =	shalt  }
0x83: {  	_ =	shalt  }
0x84: {  	_ =	shalt  }
0x85: {  	_ =	shalt  }
0x86: {  	_ =	shalt  }
0x87: {  	_ =	shalt  }
.Lfunc_end0:
.L_simem_size_0:
called_computation.2_lowered:
.L_overlay_start_0:
0x88: {  	s2 =	sld [smem:$0x3FD9]  }
0x89: {  	s3 =	sld [smem:$0x3FFE];
	_ =	sdelay $0x1  }
0x8a: {  	s1 =	srdreg.scid  }
0x8b: {  	s0 =	sand.u32 $0x1, s1  }
0x8c: {  	s17 =	sshll.u32 s0, $0xA;
	s2 =	sadd.s32 s3, s2  }
0x8d: {  	s2 =	sadd.s32 s2, s17  }
0x8e: {  	[smem:$0x3FC4] =	sst s2  }
0x8f: {  	_ = 	snop  }
0x90: {  	s18 =	sld [smem:$0x3FC9];
	(tm) =	ssettm $0x1  }
0x91: {  	s19 =	sld [smem:$0x3FFB];
	_ =	sdelay $0x3  }
0x92: {  	_ =	strace s19  }
0x93: {  	s2 =	sld [smem:$0x3FFC];
	_ =	sdelay $0x3  }
0x94: {  	_ =	strace s2  }
0x95: {  	s2 =	sld [smem:$0x3FFD];
	_ =	sdelay $0x3  }
0x96: {  	_ =	strace s2  }
0x97: {  	_ =	strace $0x8FFFFFFF  }
0x98: {  	s20 =	sld [smem:$0x3FDB];
	_ =	sdelay $0x1  }
0x99: {  	s4 =	simm.s32 $_scs_section_size  }
0x9a: {  	s5 =	simm.s32 $_size__tile_overlayer_lowered;
	s6 =	simm.s32 $_tile_overlayer_lowered  }
0x9b: {  	s7 =	simm.s32 $0x1BFF;
	s21 =	sshll.u32 s6, $0x1;
	s4 =	sadd.s32 s4, s20  }
0x9c: {  	s22 =	simm.s32 $0x0;
	s5 =	sshll.u32 s5, $0x1;
	s6 =	sadd.s32 s21, s4  }
0x9d: {  	[timem:s22], [sflag:s7] =	dma.local [hbm:s6], s5  }
0x9e: {  	_ =	swait.ge [sflag:s7], s5  }
0x9f: {  	s5 =	ssub.s32 $0x0, s5;
	[sflag:s7] =	ssyncset.done $0x0  }
0xa0: {  	[sflag:s7] =	ssyncadd.s32 s5;
	_ =	sdelay $0x1  }
0xa1: {  	s23 =	simm.s32 $0x1B8B  }
0xa2: {  	_ =	swait.ge [sflag:s23], $0x1  }
0xa3: {  	[sflag:s23] =	ssyncset.done $0x0  }
0xa4: {  	[sflag:s23] =	ssyncadd.s32 $0xFFFFFFFF  }
0xa5: {  	s5 =	sld [smem:$0x0]  }
0xa6: {  	s6 =	sand.u32 $0xFFFFFFFE, s1  }
0xa7: {  	p0 =	sne.s32 s1, s6  }
0xa8: {  	s6 =	sshll.u32 @p0 s6, $0xE  }
0xa9: {  	s6 =	sadd.s32 @p0 $0x11B8D, s6;
	s7 =	sshll.u32 @p0 s5, $0x11  }
0xaa: {  	s6 =	sor.u32 @p0 s7, s6  }
0xab: {  	[sflag:s6] =	ssyncadd.remote.s32 @p0 $0x1;
	_ =	sdelay $0x1  }
0xac: {  	s6 =	simm.s32 @p0 $0x1B8D  }
0xad: {  	_ =	swait.eq @p0 [sflag:s6], $0x1  }
0xae: {  	[sflag:s6] =	ssyncadd.s32 @p0 $0xFFFFFFFF  }
0xaf: {  	s7 =	sshll.u32 @!p0 s1, $0xE  }
0xb0: {  	s7 =	sor.u32 @!p0 $0x4000, s7;
	s6 =	simm.s32 @!p0 $0x1B8D  }
0xb1: {  	s5 =	sshll.u32 @!p0 s5, $0x11;
	s7 =	sadd.s32 @!p0 $0x11B8D, s7;
	_ =	swait.eq @!p0 [sflag:s6], $0x1  }
0xb2: {  	s5 =	sor.u32 @!p0 s5, s7;
	[sflag:s6] =	ssyncadd.s32 @!p0 $0xFFFFFFFF  }
0xb3: {  	s25 =	simm.s32 $0x1B8E;
	s24 =	sld [smem:$0x3FFE];
	[sflag:s5] =	ssyncadd.remote.s32 @!p0 $0x1  }
0xb4: {  	s26 =	simm.s32 $execute0_lowered;
	[smem:$0x3FD2] =	sst s25  }
0xb5: {  	s6 =	sshll.u32 s26, $0x1;
	_ =	strace $0x8000004C;
	[dreg:$0x1] =	wrdreg $0xFFFFFFFF  }
0xb6: {  	s28 =	simm.s32 $_size_execute0_lowered;
	s4 =	sadd.s32 s4, s6;
	[dreg:$0x0] =	wrdreg $0x0  }
0xb7: {  	s6 =	sshll.u32 s28, $0x1;
	[dreg:$0x2] =	wrdreg s4  }
0xb8: {  	[dreg:$0x3] =	wrdreg s6  }
0xb9: {  	[dreg:$0x4] =	wrdreg $0xC0  }
0xba: {  	_ =	task [dreg:s22], $0x5FFFF  }
0xbb: {  	[dreg:$0x1] =	wrdreg $0xFFFFFFFF  }
0xbc: {  	[dreg:$0x0] =	wrdreg $0x60  }
0xbd: {  	[dreg:$0x2] =	wrdreg s18  }
0xbe: {  	[dreg:$0x3] =	wrdreg s24  }
0xbf: {  	[dreg:$0x4] =	wrdreg $0xA  }
0xc0: {  	_ =	task.clear_ibuf [dreg:s22], $0x5FFFF;
	_ =	strace $0x9000004C  }
0xc1: {  	s29 =	simm.s32 $0xA;
	_ =	strace $0x8000004E  }
0xc2: {  	_ =	swait.ge [sflag:s29], $0x1  }
0xc3: {  	[sflag:s29] =	ssyncadd.s32 $0xFFFFFFFF  }
0xc4: {  	_ =	strace $0x9000004E  }
0xc5: {  	_ =	sfence  }
0xc6: {  	s30 =	sld [smem:$0x0];
	_ =	sdelay $0x2  }
0xc7: {  	s31 =	sshll.u32 s1, $0xD;
	s1 =	sshrl.u32 s1, $0x2  }
0xc8: {  	s4 =	sand.u32 $0x4000, s31;
	s1 =	sadd.s32 s1, s30  }
0xc9: {  	s0 =	sor.u32 s4, s0;
	s1 =	sshll.u32 s1, $0x11  }
0xca: {  	s0 =	sor.u32 s1, s0  }
0xcb: {  	s0 =	sadd.s32 $0x8F2B, s0  }
0xcc: {  	[sflag:s0] =	ssyncadd.remote.s32 $0x1  }
0xcd: {  	_ =	sfence.sel $0xFFFF  }
0xce: {  	[dreg:$0x0] =	wrdreg $0xFFFFFFFF;
	(pc) =	sbr.abs _section_cstart, $3  }
0xcf: {  	[dreg:$0x1] =	wrdreg $0xFFFFFFFF  }
0xd0: {  	_ =	task.clear_ibuf [dreg:s22], $0x2FFFF;
	_ =	strace $0x9FFFFFFF  }
0xd1: {  	(tm) =	ssettm $0x7FFFFFFF  }
tec
execute0_lowered:
.L_overlay_start_1:
0x0: {  	(tag) =	ssettag $0x1  }
0x1: {  	s0 =	srdreg.scid;
	s1 =	rddreg [dreg:$0x0]  }
0x2: {  	s2 =	stileid.u32;
	s3 =	rddreg [dreg:$0x1]  }
0x3: {  	s30 =	simm.s32 $0x4;
	s31 =	simm.s32 $0x2;
	s11 =	simm.s32 $0x400  }
0x4: {  	s10 =	simm.s32 $0x10400;
	s28 =	simm.s32 $0x3;
	s9 =	simm.s32 $0x11400  }
0x5: {  	s12 =	simm.s32 $0x11C00;
	s14 =	simm.s32 $0x12400;
	s15 =	simm.s32 $0x12C00  }
0x6: {  	s16 =	simm.s32 $0x13400;
	s17 =	simm.s32 $0x13C00;
	s18 =	simm.s32 $0x14400  }
0x7: {  	s19 =	simm.s32 $0x14C00;
	s0 =	sand.u32 $0x1, s0;
	s2 =	sshll.u32 s2, $0x1  }
0x8: {  	s20 =	simm.s32 $0x15400;
	s13 =	simm.s32 $0x6;
	s4 =	sor.u32 s0, s2  }
0x9: {  	s2 =	simm.s32 $0x0;
	s5 =	sshll.u32 s4, $0x7;
	s4 =	sshll.u32 s4, $0xF  }
0xa: {  	[smem:$0x7FF] =	sst s2;
	s5 =	sadd.s32 s5, s3;
	s8 =	sadd.s32 s1, s4  }
0xb: {  	_ =	strace $0x8000004D;
	s5 =	sadd.s32 $0x20000, s5;
	[dreg:$0xb] =	wrdreg s8  }
0xc: {  	s6 =	sadd.s32 $0x21200, s3;
	s1 =	sadd.s32 $0x1000, s8;
	[dreg:$0x3] =	wrdreg s5  }
0xd: {  	s7 =	sadd.s32 $0x21300, s3;
	s21 =	sadd.s32 $0x2000, s8;
	[dreg:$0x4] =	wrdreg s1  }
0xe: {  	s0 =	ssub.s32 $0x2, s0;
	s23 =	sadd.s32 $0x3000, s8;
	[dreg:$0x5] =	wrdreg s21  }
0xf: {  	s22 =	sshrl.u32 s0, $0x1;
	s24 =	sadd.s32 $0x4000, s8;
	[dreg:$0x6] =	wrdreg s23  }
0x10: {  	s4 =	sadd.s32 $0x21000, s3;
	s25 =	sadd.s32 $0x5000, s8;
	[dreg:$0x7] =	wrdreg s24  }
0x11: {  	s0 =	ssub.s32 s0, s22;
	s26 =	sadd.s32 $0x6000, s8;
	[dreg:$0x8] =	wrdreg s25  }
0x12: {  	s22 =	simm.s32 $0x16400;
	s29 =	sadd.s32 $0x7000, s8;
	[dreg:$0x9] =	wrdreg s26  }
0x13: {  	v2 =	vlaneseq.u32;
	s8 =	smax.u32 s0, $0x1;
	s5 =	sadd.s32 $0x21100, s3;
	[dreg:$0xa] =	wrdreg s29  }
0x14: {  	vm0 =	vmmov $0xffff;
	v1 =	vshrl.u32 v2, $0x3;
	s3 =	simm.s32 $0x1;
	s25 =	simm.s32 $0x5;
	s21 =	simm.s32 $0x15C00  }
0x15: {  	v0 =	vand.u32 $0x7, v2;
	v2 =	vor.u32 $0x8, v2;
	v1 =	vmul.u32 $0x8, v1;
	s23 =	simm.s32 $0x16C00;
	s24 =	simm.s32 $0x17400;
	s26 =	simm.s32 $0x17C00  }
.LBB2_1:
0x16: {  	s29 =	rddreg [dreg:$0x3];
	s1 =	simm.s32 $0x7  }
0x17: {  	[tilespmem:s2], [sflag:$0x7] =	stream.linear.gather [hbm4b:s29+s2], $0x400, $0x38;
	[tilespmem:$0x18400] =	vst v63  }
0x18: {  	_ =	swait.ge [sflag:s1], $0x400  }
0x19: {  	[sflag:s1] =	ssyncset.done $0x0  }
0x1a: {  	s0 =	rddreg [dreg:$0xb];
	[sflag:s1] =	ssyncadd.s32 $0xFFFFFC00  }
0x1b: {  	[tilespmem:s11], [sflag:$0x1] =	stream.linear.gather [hbm4b:s0+s2], $0x8000, $0x38;
	[tilespmem:$0x18400] =	vst v63  }
0x1c: {  	s29 =	rddreg [dreg:$0x4];
	s0 =	simm.s32 $0x8400  }
0x1d: {  	[tilespmem:s0], [sflag:$0x2] =	stream.linear.gather [hbm4b:s29+s2], $0x8000, $0x38;
	[tilespmem:$0x18400] =	vst v63  }
0x1e: {  	s1 =	rddreg [dreg:$0x5]  }
0x1f: {  	[tilespmem:s10], [sflag:$0x3] =	stream.linear.gather [hbm4b:s1+s2], $0x8000, $0x38;
	[tilespmem:$0x18400] =	vst v63  }
0x20: {  	_ =	swait.ge [sflag:s3], $0x8000  }
0x21: {  	[sflag:s3] =	ssyncset.done $0x0  }
0x22: {  	[sflag:s3] =	ssyncadd.s32 $0xFFFF8000  }
0x23: {  	v3 =	vld [tilespmem:$0x0];
	_ =	sdelay $0x4  }
0x24: {  	v4 =	vshll.u32 v3, $0x3  }
0x25: {  	v3 =	vand.u32 $0x7, v3;
	v4 =	vand.u32 $0xFFFFFFC0, v4  }
0x26: {  	v3 =	vor.u32 v3, v4  }
0x27: {  	v4 =	vperm.xlane v3, v0;
	_ =	sdelay $0x1  }
0x28: {  	v4 =	vadd.s32 v1, v4;
	_ =	sdelay $0x4  }
0x29: {  	[hbm4b:s4+s2] =	stream.indirect_vreg.scatter [tilespmem:s11], [sflag:$0x4], $0x80, v4, vm0, $0xb8;
	[tilespmem:$0x18400] =	vst v63  }
0x2a: {  	s29 =	simm.s32 $0xC00;
	v3 =	vperm.xlane v3, v2  }
0x2b: {  	[hbm4b:s5+s2] =	stream.indirect_vreg.scatter [tilespmem:s29], [sflag:$0x4], $0x80, v4, vm0, $0xb8;
	[tilespmem:$0x18400] =	vst v63  }
0x2c: {  	v3 =	vadd.s32 v1, v3;
	s29 =	simm.s32 $0x1400  }
0x2d: {  	[hbm4b:s6+s2] =	stream.indirect_vreg.scatter [tilespmem:s29], [sflag:$0x4], $0x80, v4, vm0, $0xb8;
	[tilespmem:$0x18400] =	vst v63  }
0x2e: {  	s29 =	simm.s32 $0x1C00  }
0x2f: {  	[hbm4b:s7+s2] =	stream.indirect_vreg.scatter [tilespmem:s29], [sflag:$0x4], $0x80, v4, vm0, $0xb8;
	[tilespmem:$0x18400] =	vst v63  }
0x30: {  	s29 =	simm.s32 $0x2400  }
0x31: {  	[hbm4b:s4+s2] =	stream.indirect_vreg.scatter [tilespmem:s29], [sflag:$0x4], $0x80, v3, vm0, $0xb8;
	[tilespmem:$0x18400] =	vst v63  }
0x32: {  	s29 =	simm.s32 $0x2C00  }
0x33: {  	[hbm4b:s5+s2] =	stream.indirect_vreg.scatter [tilespmem:s29], [sflag:$0x4], $0x80, v3, vm0, $0xb8;
	[tilespmem:$0x18400] =	vst v63  }
0x34: {  	s29 =	simm.s32 $0x3400  }
0x35: {  	[hbm4b:s6+s2] =	stream.indirect_vreg.scatter [tilespmem:s29], [sflag:$0x4], $0x80, v3, vm0, $0xb8;
	[tilespmem:$0x18400] =	vst v63  }
0x36: {  	s29 =	simm.s32 $0x3C00  }
0x37: {  	[hbm4b:s7+s2] =	stream.indirect_vreg.scatter [tilespmem:s29], [sflag:$0x4], $0x80, v3, vm0, $0xb8;
	[tilespmem:$0x18400] =	vst v63  }
0x38: {  	v3 =	vld [tilespmem:$0x10];
	_ =	sdelay $0x4  }
0x39: {  	v49 =	vshll.u32 v3, $0x3  }
0x3a: {  	v3 =	vand.u32 $0x7, v3;
	v4 =	vand.u32 $0xFFFFFFC0, v49  }
0x3b: {  	v3 =	vor.u32 v3, v4  }
0x3c: {  	v4 =	vperm.xlane v3, v0;
	_ =	sdelay $0x1  }
0x3d: {  	v4 =	vadd.s32 v1, v4;
	_ =	sdelay $0x3  }
0x3e: {  	s29 =	simm.s32 $0x4400  }
0x3f: {  	[hbm4b:s4+s2] =	stream.indirect_vreg.scatter [tilespmem:s29], [sflag:$0x4], $0x80, v4, vm0, $0xb8;
	[tilespmem:$0x18400] =	vst v63  }
0x40: {  	v3 =	vperm.xlane v3, v2;
	s29 =	simm.s32 $0x4C00  }
0x41: {  	[hbm4b:s5+s2] =	stream.indirect_vreg.scatter [tilespmem:s29], [sflag:$0x4], $0x80, v4, vm0, $0xb8;
	[tilespmem:$0x18400] =	vst v63  }
0x42: {  	v3 =	vadd.s32 v1, v3;
	s29 =	simm.s32 $0x5400  }
0x43: {  	[hbm4b:s6+s2] =	stream.indirect_vreg.scatter [tilespmem:s29], [sflag:$0x4], $0x80, v4, vm0, $0xb8;
	[tilespmem:$0x18400] =	vst v63  }
0x44: {  	s29 =	simm.s32 $0x5C00  }
0x45: {  	[hbm4b:s7+s2] =	stream.indirect_vreg.scatter [tilespmem:s29], [sflag:$0x4], $0x80, v4, vm0, $0xb8;
	[tilespmem:$0x18400] =	vst v63  }
0x46: {  	s29 =	simm.s32 $0x6400  }
0x47: {  	[hbm4b:s4+s2] =	stream.indirect_vreg.scatter [tilespmem:s29], [sflag:$0x4], $0x80, v3, vm0, $0xb8;
	[tilespmem:$0x18400] =	vst v63  }
0x48: {  	s29 =	simm.s32 $0x6C00  }
0x49: {  	[hbm4b:s5+s2] =	stream.indirect_vreg.scatter [tilespmem:s29], [sflag:$0x4], $0x80, v3, vm0, $0xb8;
	[tilespmem:$0x18400] =	vst v63  }
0x4a: {  	s29 =	simm.s32 $0x7400  }
0x4b: {  	[hbm4b:s6+s2] =	stream.indirect_vreg.scatter [tilespmem:s29], [sflag:$0x4], $0x80, v3, vm0, $0xb8;
	[tilespmem:$0x18400] =	vst v63  }
0x4c: {  	s29 =	simm.s32 $0x7C00  }
0x4d: {  	[hbm4b:s7+s2] =	stream.indirect_vreg.scatter [tilespmem:s29], [sflag:$0x4], $0x80, v3, vm0, $0xb8;
	[tilespmem:$0x18400] =	vst v63  }
0x4e: {  	_ =	swait.ge [sflag:s30], $0x8000  }
0x4f: {  	[sflag:s30] =	ssyncset.done $0x0  }
0x50: {  	s29 =	rddreg [dreg:$0x6];
	[sflag:s30] =	ssyncadd.s32 $0xFFFF8000  }
0x51: {  	[tilespmem:s11], [sflag:$0x1] =	stream.linear.gather [hbm4b:s29+s2], $0x8000, $0x38;
	[tilespmem:$0x18400] =	vst v63  }
0x52: {  	_ =	swait.ge [sflag:s31], $0x8000  }
0x53: {  	[sflag:s31] =	ssyncset.done $0x0  }
0x54: {  	[sflag:s31] =	ssyncadd.s32 $0xFFFF8000  }
0x55: {  	v3 =	vld [tilespmem:$0x80];
	_ =	sdelay $0x4  }
0x56: {  	v50 =	vshll.u32 v3, $0x3  }
0x57: {  	v3 =	vand.u32 $0x7, v3;
	v4 =	vand.u32 $0xFFFFFFC0, v50  }
0x58: {  	v3 =	vor.u32 v3, v4  }
0x59: {  	v4 =	vperm.xlane v3, v0;
	_ =	sdelay $0x1  }
0x5a: {  	v4 =	vadd.s32 v1, v4;
	_ =	sdelay $0x4  }
0x5b: {  	[hbm4b:s4+s2] =	stream.indirect_vreg.scatter [tilespmem:s0], [sflag:$0x5], $0x80, v4, vm0, $0xb8;
	[tilespmem:$0x18400] =	vst v63  }
0x5c: {  	s29 =	simm.s32 $0x8C00;
	v3 =	vperm.xlane v3, v2  }
0x5d: {  	[hbm4b:s5+s2] =	stream.indirect_vreg.scatter [tilespmem:s29], [sflag:$0x5], $0x80, v4, vm0, $0xb8;
	[tilespmem:$0x18400] =	vst v63  }
0x5e: {  	v3 =	vadd.s32 v1, v3;
	s29 =	simm.s32 $0x9400  }
0x5f: {  	[hbm4b:s6+s2] =	stream.indirect_vreg.scatter [tilespmem:s29], [sflag:$0x5], $0x80, v4, vm0, $0xb8;
	[tilespmem:$0x18400] =	vst v63  }
0x60: {  	s29 =	simm.s32 $0x9C00  }
0x61: {  	[hbm4b:s7+s2] =	stream.indirect_vreg.scatter [tilespmem:s29], [sflag:$0x5], $0x80, v4, vm0, $0xb8;
	[tilespmem:$0x18400] =	vst v63  }
0x62: {  	s29 =	simm.s32 $0xA400  }
0x63: {  	[hbm4b:s4+s2] =	stream.indirect_vreg.scatter [tilespmem:s29], [sflag:$0x5], $0x80, v3, vm0, $0xb8;
	[tilespmem:$0x18400] =	vst v63  }
0x64: {  	s29 =	simm.s32 $0xAC00  }
0x65: {  	[hbm4b:s5+s2] =	stream.indirect_vreg.scatter [tilespmem:s29], [sflag:$0x5], $0x80, v3, vm0, $0xb8;
	[tilespmem:$0x18400] =	vst v63  }
0x66: {  	s29 =	simm.s32 $0xB400  }
0x67: {  	[hbm4b:s6+s2] =	stream.indirect_vreg.scatter [tilespmem:s29], [sflag:$0x5], $0x80, v3, vm0, $0xb8;
	[tilespmem:$0x18400] =	vst v63  }
0x68: {  	s29 =	simm.s32 $0xBC00  }
0x69: {  	[hbm4b:s7+s2] =	stream.indirect_vreg.scatter [tilespmem:s29], [sflag:$0x5], $0x80, v3, vm0, $0xb8;
	[tilespmem:$0x18400] =	vst v63  }
0x6a: {  	v3 =	vld [tilespmem:$0x90];
	_ =	sdelay $0x4  }
0x6b: {  	v51 =	vshll.u32 v3, $0x3  }
0x6c: {  	v3 =	vand.u32 $0x7, v3;
	v4 =	vand.u32 $0xFFFFFFC0, v51  }
0x6d: {  	v3 =	vor.u32 v3, v4  }
0x6e: {  	v4 =	vperm.xlane v3, v0;
	_ =	sdelay $0x1  }
0x6f: {  	v4 =	vadd.s32 v1, v4;
	_ =	sdelay $0x3  }
0x70: {  	s29 =	simm.s32 $0xC400  }
0x71: {  	[hbm4b:s4+s2] =	stream.indirect_vreg.scatter [tilespmem:s29], [sflag:$0x5], $0x80, v4, vm0, $0xb8;
	[tilespmem:$0x18400] =	vst v63  }
0x72: {  	v3 =	vperm.xlane v3, v2;
	s29 =	simm.s32 $0xCC00  }
0x73: {  	[hbm4b:s5+s2] =	stream.indirect_vreg.scatter [tilespmem:s29], [sflag:$0x5], $0x80, v4, vm0, $0xb8;
	[tilespmem:$0x18400] =	vst v63  }
0x74: {  	v3 =	vadd.s32 v1, v3;
	s29 =	simm.s32 $0xD400  }
0x75: {  	[hbm4b:s6+s2] =	stream.indirect_vreg.scatter [tilespmem:s29], [sflag:$0x5], $0x80, v4, vm0, $0xb8;
	[tilespmem:$0x18400] =	vst v63  }
0x76: {  	s29 =	simm.s32 $0xDC00  }
0x77: {  	[hbm4b:s7+s2] =	stream.indirect_vreg.scatter [tilespmem:s29], [sflag:$0x5], $0x80, v4, vm0, $0xb8;
	[tilespmem:$0x18400] =	vst v63  }
0x78: {  	s29 =	simm.s32 $0xE400  }
0x79: {  	[hbm4b:s4+s2] =	stream.indirect_vreg.scatter [tilespmem:s29], [sflag:$0x5], $0x80, v3, vm0, $0xb8;
	[tilespmem:$0x18400] =	vst v63  }
0x7a: {  	s29 =	simm.s32 $0xEC00  }
0x7b: {  	[hbm4b:s5+s2] =	stream.indirect_vreg.scatter [tilespmem:s29], [sflag:$0x5], $0x80, v3, vm0, $0xb8;
	[tilespmem:$0x18400] =	vst v63  }
0x7c: {  	s29 =	simm.s32 $0xF400  }
0x7d: {  	[hbm4b:s6+s2] =	stream.indirect_vreg.scatter [tilespmem:s29], [sflag:$0x5], $0x80, v3, vm0, $0xb8;
	[tilespmem:$0x18400] =	vst v63  }
0x7e: {  	s29 =	simm.s32 $0xFC00  }
0x7f: {  	[hbm4b:s7+s2] =	stream.indirect_vreg.scatter [tilespmem:s29], [sflag:$0x5], $0x80, v3, vm0, $0xb8;
	[tilespmem:$0x18400] =	vst v63  }
0x80: {  	_ =	swait.ge [sflag:s25], $0x8000  }
0x81: {  	[sflag:s25] =	ssyncset.done $0x0  }
0x82: {  	s29 =	rddreg [dreg:$0x7];
	[sflag:s25] =	ssyncadd.s32 $0xFFFF8000  }
0x83: {  	[tilespmem:s0], [sflag:$0x2] =	stream.linear.gather [hbm4b:s29+s2], $0x8000, $0x38;
	[tilespmem:$0x18400] =	vst v63  }
0x84: {  	_ =	swait.ge [sflag:s28], $0x8000  }
0x85: {  	[sflag:s28] =	ssyncset.done $0x0  }
0x86: {  	[sflag:s28] =	ssyncadd.s32 $0xFFFF8000  }
0x87: {  	v3 =	vld [tilespmem:$0x100];
	_ =	sdelay $0x4  }
0x88: {  	v52 =	vshll.u32 v3, $0x3  }
0x89: {  	v3 =	vand.u32 $0x7, v3;
	v4 =	vand.u32 $0xFFFFFFC0, v52  }
0x8a: {  	v3 =	vor.u32 v3, v4  }
0x8b: {  	v4 =	vperm.xlane v3, v0;
	_ =	sdelay $0x1  }
0x8c: {  	v4 =	vadd.s32 v1, v4;
	_ =	sdelay $0x4  }
0x8d: {  	[hbm4b:s4+s2] =	stream.indirect_vreg.scatter [tilespmem:s10], [sflag:$0x6], $0x80, v4, vm0, $0xb8;
	[tilespmem:$0x18400] =	vst v63  }
0x8e: {  	s29 =	simm.s32 $0x10C00;
	v3 =	vperm.xlane v3, v2  }
0x8f: {  	[hbm4b:s5+s2] =	stream.indirect_vreg.scatter [tilespmem:s29], [sflag:$0x6], $0x80, v4, vm0, $0xb8;
	[tilespmem:$0x18400] =	vst v63  }
0x90: {  	v3 =	vadd.s32 v1, v3  }
0x91: {  	[hbm4b:s6+s2] =	stream.indirect_vreg.scatter [tilespmem:s9], [sflag:$0x6], $0x80, v4, vm0, $0xb8;
	[tilespmem:$0x18400] =	vst v63  }
0x92: {  	_ = 	snop  }
0x93: {  	[hbm4b:s7+s2] =	stream.indirect_vreg.scatter [tilespmem:s12], [sflag:$0x6], $0x80, v4, vm0, $0xb8;
	[tilespmem:$0x18400] =	vst v63  }
0x94: {  	_ = 	snop  }
0x95: {  	[hbm4b:s4+s2] =	stream.indirect_vreg.scatter [tilespmem:s14], [sflag:$0x6], $0x80, v3, vm0, $0xb8;
	[tilespmem:$0x18400] =	vst v63  }
0x96: {  	_ = 	snop  }
0x97: {  	[hbm4b:s5+s2] =	stream.indirect_vreg.scatter [tilespmem:s15], [sflag:$0x6], $0x80, v3, vm0, $0xb8;
	[tilespmem:$0x18400] =	vst v63  }
0x98: {  	_ = 	snop  }
0x99: {  	[hbm4b:s6+s2] =	stream.indirect_vreg.scatter [tilespmem:s16], [sflag:$0x6], $0x80, v3, vm0, $0xb8;
	[tilespmem:$0x18400] =	vst v63  }
0x9a: {  	_ = 	snop  }
0x9b: {  	[hbm4b:s7+s2] =	stream.indirect_vreg.scatter [tilespmem:s17], [sflag:$0x6], $0x80, v3, vm0, $0xb8;
	[tilespmem:$0x18400] =	vst v63  }
0x9c: {  	v3 =	vld [tilespmem:$0x110];
	_ =	sdelay $0x4  }
0x9d: {  	v53 =	vshll.u32 v3, $0x3  }
0x9e: {  	v3 =	vand.u32 $0x7, v3;
	v4 =	vand.u32 $0xFFFFFFC0, v53  }
0x9f: {  	v3 =	vor.u32 v3, v4  }
0xa0: {  	v4 =	vperm.xlane v3, v0;
	_ =	sdelay $0x1  }
0xa1: {  	v4 =	vadd.s32 v1, v4;
	_ =	sdelay $0x4  }
0xa2: {  	[hbm4b:s4+s2] =	stream.indirect_vreg.scatter [tilespmem:s18], [sflag:$0x6], $0x80, v4, vm0, $0xb8;
	[tilespmem:$0x18400] =	vst v63  }
0xa3: {  	v3 =	vperm.xlane v3, v2  }
0xa4: {  	[hbm4b:s5+s2] =	stream.indirect_vreg.scatter [tilespmem:s19], [sflag:$0x6], $0x80, v4, vm0, $0xb8;
	[tilespmem:$0x18400] =	vst v63  }
0xa5: {  	v3 =	vadd.s32 v1, v3  }
0xa6: {  	[hbm4b:s6+s2] =	stream.indirect_vreg.scatter [tilespmem:s20], [sflag:$0x6], $0x80, v4, vm0, $0xb8;
	[tilespmem:$0x18400] =	vst v63  }
0xa7: {  	_ = 	snop  }
0xa8: {  	[hbm4b:s7+s2] =	stream.indirect_vreg.scatter [tilespmem:s21], [sflag:$0x6], $0x80, v4, vm0, $0xb8;
	[tilespmem:$0x18400] =	vst v63  }
0xa9: {  	_ = 	snop  }
0xaa: {  	[hbm4b:s4+s2] =	stream.indirect_vreg.scatter [tilespmem:s22], [sflag:$0x6], $0x80, v3, vm0, $0xb8;
	[tilespmem:$0x18400] =	vst v63  }
0xab: {  	_ = 	snop  }
0xac: {  	[hbm4b:s5+s2] =	stream.indirect_vreg.scatter [tilespmem:s23], [sflag:$0x6], $0x80, v3, vm0, $0xb8;
	[tilespmem:$0x18400] =	vst v63  }
0xad: {  	_ = 	snop  }
0xae: {  	[hbm4b:s6+s2] =	stream.indirect_vreg.scatter [tilespmem:s24], [sflag:$0x6], $0x80, v3, vm0, $0xb8;
	[tilespmem:$0x18400] =	vst v63  }
0xaf: {  	_ = 	snop  }
0xb0: {  	[hbm4b:s7+s2] =	stream.indirect_vreg.scatter [tilespmem:s26], [sflag:$0x6], $0x80, v3, vm0, $0xb8;
	[tilespmem:$0x18400] =	vst v63  }
0xb1: {  	_ =	swait.ge [sflag:s13], $0x8000  }
0xb2: {  	[sflag:s13] =	ssyncset.done $0x0  }
0xb3: {  	s1 =	rddreg [dreg:$0x8];
	[sflag:s13] =	ssyncadd.s32 $0xFFFF8000  }
0xb4: {  	[tilespmem:s10], [sflag:$0x3] =	stream.linear.gather [hbm4b:s1+s2], $0x8000, $0x38;
	[tilespmem:$0x18400] =	vst v63  }
0xb5: {  	_ =	swait.ge [sflag:s3], $0x8000  }
0xb6: {  	[sflag:s3] =	ssyncset.done $0x0  }
0xb7: {  	[sflag:s3] =	ssyncadd.s32 $0xFFFF8000  }
0xb8: {  	v3 =	vld [tilespmem:$0x180];
	_ =	sdelay $0x4  }
0xb9: {  	v54 =	vshll.u32 v3, $0x3  }
0xba: {  	v3 =	vand.u32 $0x7, v3;
	v4 =	vand.u32 $0xFFFFFFC0, v54  }
0xbb: {  	v3 =	vor.u32 v3, v4  }
0xbc: {  	v4 =	vperm.xlane v3, v0;
	_ =	sdelay $0x1  }
0xbd: {  	v4 =	vadd.s32 v1, v4;
	_ =	sdelay $0x4  }
0xbe: {  	[hbm4b:s4+s2] =	stream.indirect_vreg.scatter [tilespmem:s11], [sflag:$0x4], $0x80, v4, vm0, $0xb8;
	[tilespmem:$0x18400] =	vst v63  }
0xbf: {  	s1 =	simm.s32 $0xC00;
	v3 =	vperm.xlane v3, v2  }
0xc0: {  	[hbm4b:s5+s2] =	stream.indirect_vreg.scatter [tilespmem:s1], [sflag:$0x4], $0x80, v4, vm0, $0xb8;
	[tilespmem:$0x18400] =	vst v63  }
0xc1: {  	v3 =	vadd.s32 v1, v3;
	s1 =	simm.s32 $0x1400  }
0xc2: {  	[hbm4b:s6+s2] =	stream.indirect_vreg.scatter [tilespmem:s1], [sflag:$0x4], $0x80, v4, vm0, $0xb8;
	[tilespmem:$0x18400] =	vst v63  }
0xc3: {  	s1 =	simm.s32 $0x1C00  }
0xc4: {  	[hbm4b:s7+s2] =	stream.indirect_vreg.scatter [tilespmem:s1], [sflag:$0x4], $0x80, v4, vm0, $0xb8;
	[tilespmem:$0x18400] =	vst v63  }
0xc5: {  	s1 =	simm.s32 $0x2400  }
0xc6: {  	[hbm4b:s4+s2] =	stream.indirect_vreg.scatter [tilespmem:s1], [sflag:$0x4], $0x80, v3, vm0, $0xb8;
	[tilespmem:$0x18400] =	vst v63  }
0xc7: {  	s1 =	simm.s32 $0x2C00  }
0xc8: {  	[hbm4b:s5+s2] =	stream.indirect_vreg.scatter [tilespmem:s1], [sflag:$0x4], $0x80, v3, vm0, $0xb8;
	[tilespmem:$0x18400] =	vst v63  }
0xc9: {  	s1 =	simm.s32 $0x3400  }
0xca: {  	[hbm4b:s6+s2] =	stream.indirect_vreg.scatter [tilespmem:s1], [sflag:$0x4], $0x80, v3, vm0, $0xb8;
	[tilespmem:$0x18400] =	vst v63  }
0xcb: {  	s1 =	simm.s32 $0x3C00  }
0xcc: {  	[hbm4b:s7+s2] =	stream.indirect_vreg.scatter [tilespmem:s1], [sflag:$0x4], $0x80, v3, vm0, $0xb8;
	[tilespmem:$0x18400] =	vst v63  }
0xcd: {  	v3 =	vld [tilespmem:$0x190];
	_ =	sdelay $0x4  }
0xce: {  	v55 =	vshll.u32 v3, $0x3  }
0xcf: {  	v3 =	vand.u32 $0x7, v3;
	v4 =	vand.u32 $0xFFFFFFC0, v55  }
0xd0: {  	v3 =	vor.u32 v3, v4  }
0xd1: {  	v4 =	vperm.xlane v3, v0;
	_ =	sdelay $0x1  }
0xd2: {  	v4 =	vadd.s32 v1, v4;
	_ =	sdelay $0x3  }
0xd3: {  	s1 =	simm.s32 $0x4400  }
0xd4: {  	[hbm4b:s4+s2] =	stream.indirect_vreg.scatter [tilespmem:s1], [sflag:$0x4], $0x80, v4, vm0, $0xb8;
	[tilespmem:$0x18400] =	vst v63  }
0xd5: {  	v3 =	vperm.xlane v3, v2;
	s1 =	simm.s32 $0x4C00  }
0xd6: {  	[hbm4b:s5+s2] =	stream.indirect_vreg.scatter [tilespmem:s1], [sflag:$0x4], $0x80, v4, vm0, $0xb8;
	[tilespmem:$0x18400] =	vst v63  }
0xd7: {  	v3 =	vadd.s32 v1, v3;
	s1 =	simm.s32 $0x5400  }
0xd8: {  	[hbm4b:s6+s2] =	stream.indirect_vreg.scatter [tilespmem:s1], [sflag:$0x4], $0x80, v4, vm0, $0xb8;
	[tilespmem:$0x18400] =	vst v63  }
0xd9: {  	s1 =	simm.s32 $0x5C00  }
0xda: {  	[hbm4b:s7+s2] =	stream.indirect_vreg.scatter [tilespmem:s1], [sflag:$0x4], $0x80, v4, vm0, $0xb8;
	[tilespmem:$0x18400] =	vst v63  }
0xdb: {  	s1 =	simm.s32 $0x6400  }
0xdc: {  	[hbm4b:s4+s2] =	stream.indirect_vreg.scatter [tilespmem:s1], [sflag:$0x4], $0x80, v3, vm0, $0xb8;
	[tilespmem:$0x18400] =	vst v63  }
0xdd: {  	s1 =	simm.s32 $0x6C00  }
0xde: {  	[hbm4b:s5+s2] =	stream.indirect_vreg.scatter [tilespmem:s1], [sflag:$0x4], $0x80, v3, vm0, $0xb8;
	[tilespmem:$0x18400] =	vst v63  }
0xdf: {  	s1 =	simm.s32 $0x7400  }
0xe0: {  	[hbm4b:s6+s2] =	stream.indirect_vreg.scatter [tilespmem:s1], [sflag:$0x4], $0x80, v3, vm0, $0xb8;
	[tilespmem:$0x18400] =	vst v63  }
0xe1: {  	s1 =	simm.s32 $0x7C00  }
0xe2: {  	[hbm4b:s7+s2] =	stream.indirect_vreg.scatter [tilespmem:s1], [sflag:$0x4], $0x80, v3, vm0, $0xb8;
	[tilespmem:$0x18400] =	vst v63  }
0xe3: {  	_ =	swait.ge [sflag:s30], $0x8000  }
0xe4: {  	[sflag:s30] =	ssyncset.done $0x0  }
0xe5: {  	s1 =	rddreg [dreg:$0x9];
	[sflag:s30] =	ssyncadd.s32 $0xFFFF8000  }
0xe6: {  	[tilespmem:s11], [sflag:$0x1] =	stream.linear.gather [hbm4b:s1+s2], $0x8000, $0x38;
	[tilespmem:$0x18400] =	vst v63  }
0xe7: {  	_ =	swait.ge [sflag:s31], $0x8000  }
0xe8: {  	[sflag:s31] =	ssyncset.done $0x0  }
0xe9: {  	[sflag:s31] =	ssyncadd.s32 $0xFFFF8000  }
0xea: {  	v3 =	vld [tilespmem:$0x200];
	_ =	sdelay $0x4  }
0xeb: {  	v56 =	vshll.u32 v3, $0x3  }
0xec: {  	v3 =	vand.u32 $0x7, v3;
	v4 =	vand.u32 $0xFFFFFFC0, v56  }
0xed: {  	v3 =	vor.u32 v3, v4  }
0xee: {  	v4 =	vperm.xlane v3, v0;
	_ =	sdelay $0x1  }
0xef: {  	v4 =	vadd.s32 v1, v4;
	_ =	sdelay $0x4  }
0xf0: {  	[hbm4b:s4+s2] =	stream.indirect_vreg.scatter [tilespmem:s0], [sflag:$0x5], $0x80, v4, vm0, $0xb8;
	[tilespmem:$0x18400] =	vst v63  }
0xf1: {  	s1 =	simm.s32 $0x8C00;
	v3 =	vperm.xlane v3, v2  }
0xf2: {  	[hbm4b:s5+s2] =	stream.indirect_vreg.scatter [tilespmem:s1], [sflag:$0x5], $0x80, v4, vm0, $0xb8;
	[tilespmem:$0x18400] =	vst v63  }
0xf3: {  	v3 =	vadd.s32 v1, v3;
	s1 =	simm.s32 $0x9400  }
0xf4: {  	[hbm4b:s6+s2] =	stream.indirect_vreg.scatter [tilespmem:s1], [sflag:$0x5], $0x80, v4, vm0, $0xb8;
	[tilespmem:$0x18400] =	vst v63  }
0xf5: {  	s1 =	simm.s32 $0x9C00  }
0xf6: {  	[hbm4b:s7+s2] =	stream.indirect_vreg.scatter [tilespmem:s1], [sflag:$0x5], $0x80, v4, vm0, $0xb8;
	[tilespmem:$0x18400] =	vst v63  }
0xf7: {  	s1 =	simm.s32 $0xA400  }
0xf8: {  	[hbm4b:s4+s2] =	stream.indirect_vreg.scatter [tilespmem:s1], [sflag:$0x5], $0x80, v3, vm0, $0xb8;
	[tilespmem:$0x18400] =	vst v63  }
0xf9: {  	s1 =	simm.s32 $0xAC00  }
0xfa: {  	[hbm4b:s5+s2] =	stream.indirect_vreg.scatter [tilespmem:s1], [sflag:$0x5], $0x80, v3, vm0, $0xb8;
	[tilespmem:$0x18400] =	vst v63  }
0xfb: {  	s1 =	simm.s32 $0xB400  }
0xfc: {  	[hbm4b:s6+s2] =	stream.indirect_vreg.scatter [tilespmem:s1], [sflag:$0x5], $0x80, v3, vm0, $0xb8;
	[tilespmem:$0x18400] =	vst v63  }
0xfd: {  	s1 =	simm.s32 $0xBC00  }
0xfe: {  	[hbm4b:s7+s2] =	stream.indirect_vreg.scatter [tilespmem:s1], [sflag:$0x5], $0x80, v3, vm0, $0xb8;
	[tilespmem:$0x18400] =	vst v63  }
0xff: {  	v3 =	vld [tilespmem:$0x210];
	_ =	sdelay $0x4  }
0x100: {  	v57 =	vshll.u32 v3, $0x3  }
0x101: {  	v3 =	vand.u32 $0x7, v3;
	v4 =	vand.u32 $0xFFFFFFC0, v57  }
0x102: {  	v3 =	vor.u32 v3, v4  }
0x103: {  	v4 =	vperm.xlane v3, v0;
	_ =	sdelay $0x1  }
0x104: {  	v4 =	vadd.s32 v1, v4;
	_ =	sdelay $0x3  }
0x105: {  	s1 =	simm.s32 $0xC400  }
0x106: {  	[hbm4b:s4+s2] =	stream.indirect_vreg.scatter [tilespmem:s1], [sflag:$0x5], $0x80, v4, vm0, $0xb8;
	[tilespmem:$0x18400] =	vst v63  }
0x107: {  	v3 =	vperm.xlane v3, v2;
	s1 =	simm.s32 $0xCC00  }
0x108: {  	[hbm4b:s5+s2] =	stream.indirect_vreg.scatter [tilespmem:s1], [sflag:$0x5], $0x80, v4, vm0, $0xb8;
	[tilespmem:$0x18400] =	vst v63  }
0x109: {  	v3 =	vadd.s32 v1, v3;
	s1 =	simm.s32 $0xD400  }
0x10a: {  	[hbm4b:s6+s2] =	stream.indirect_vreg.scatter [tilespmem:s1], [sflag:$0x5], $0x80, v4, vm0, $0xb8;
	[tilespmem:$0x18400] =	vst v63  }
0x10b: {  	s1 =	simm.s32 $0xDC00  }
0x10c: {  	[hbm4b:s7+s2] =	stream.indirect_vreg.scatter [tilespmem:s1], [sflag:$0x5], $0x80, v4, vm0, $0xb8;
	[tilespmem:$0x18400] =	vst v63  }
0x10d: {  	s1 =	simm.s32 $0xE400  }
0x10e: {  	[hbm4b:s4+s2] =	stream.indirect_vreg.scatter [tilespmem:s1], [sflag:$0x5], $0x80, v3, vm0, $0xb8;
	[tilespmem:$0x18400] =	vst v63  }
0x10f: {  	s1 =	simm.s32 $0xEC00  }
0x110: {  	[hbm4b:s5+s2] =	stream.indirect_vreg.scatter [tilespmem:s1], [sflag:$0x5], $0x80, v3, vm0, $0xb8;
	[tilespmem:$0x18400] =	vst v63  }
0x111: {  	s1 =	simm.s32 $0xF400  }
0x112: {  	[hbm4b:s6+s2] =	stream.indirect_vreg.scatter [tilespmem:s1], [sflag:$0x5], $0x80, v3, vm0, $0xb8;
	[tilespmem:$0x18400] =	vst v63  }
0x113: {  	s1 =	simm.s32 $0xFC00  }
0x114: {  	[hbm4b:s7+s2] =	stream.indirect_vreg.scatter [tilespmem:s1], [sflag:$0x5], $0x80, v3, vm0, $0xb8;
	[tilespmem:$0x18400] =	vst v63  }
0x115: {  	_ =	swait.ge [sflag:s25], $0x8000  }
0x116: {  	[sflag:s25] =	ssyncset.done $0x0  }
0x117: {  	s1 =	rddreg [dreg:$0xa];
	[sflag:s25] =	ssyncadd.s32 $0xFFFF8000  }
0x118: {  	[tilespmem:s0], [sflag:$0x2] =	stream.linear.gather [hbm4b:s1+s2], $0x8000, $0x38;
	[tilespmem:$0x18400] =	vst v63  }
0x119: {  	_ =	swait.ge [sflag:s28], $0x8000  }
0x11a: {  	[sflag:s28] =	ssyncset.done $0x0  }
0x11b: {  	[sflag:s28] =	ssyncadd.s32 $0xFFFF8000  }
0x11c: {  	v3 =	vld [tilespmem:$0x280];
	_ =	sdelay $0x4  }
0x11d: {  	v58 =	vshll.u32 v3, $0x3  }
0x11e: {  	v3 =	vand.u32 $0x7, v3;
	v4 =	vand.u32 $0xFFFFFFC0, v58  }
0x11f: {  	v3 =	vor.u32 v3, v4  }
0x120: {  	v4 =	vperm.xlane v3, v0;
	_ =	sdelay $0x1  }
0x121: {  	v4 =	vadd.s32 v1, v4;
	_ =	sdelay $0x4  }
0x122: {  	[hbm4b:s4+s2] =	stream.indirect_vreg.scatter [tilespmem:s10], [sflag:$0x6], $0x80, v4, vm0, $0xb8;
	[tilespmem:$0x18400] =	vst v63  }
0x123: {  	v3 =	vperm.xlane v3, v2  }
0x124: {  	[hbm4b:s5+s2] =	stream.indirect_vreg.scatter [tilespmem:s29], [sflag:$0x6], $0x80, v4, vm0, $0xb8;
	[tilespmem:$0x18400] =	vst v63  }
0x125: {  	v3 =	vadd.s32 v1, v3  }
0x126: {  	[hbm4b:s6+s2] =	stream.indirect_vreg.scatter [tilespmem:s9], [sflag:$0x6], $0x80, v4, vm0, $0xb8;
	[tilespmem:$0x18400] =	vst v63  }
0x127: {  	_ = 	snop  }
0x128: {  	[hbm4b:s7+s2] =	stream.indirect_vreg.scatter [tilespmem:s12], [sflag:$0x6], $0x80, v4, vm0, $0xb8;
	[tilespmem:$0x18400] =	vst v63  }
0x129: {  	_ = 	snop  }
0x12a: {  	[hbm4b:s4+s2] =	stream.indirect_vreg.scatter [tilespmem:s14], [sflag:$0x6], $0x80, v3, vm0, $0xb8;
	[tilespmem:$0x18400] =	vst v63  }
0x12b: {  	_ = 	snop  }
0x12c: {  	[hbm4b:s5+s2] =	stream.indirect_vreg.scatter [tilespmem:s15], [sflag:$0x6], $0x80, v3, vm0, $0xb8;
	[tilespmem:$0x18400] =	vst v63  }
0x12d: {  	_ = 	snop  }
0x12e: {  	[hbm4b:s6+s2] =	stream.indirect_vreg.scatter [tilespmem:s16], [sflag:$0x6], $0x80, v3, vm0, $0xb8;
	[tilespmem:$0x18400] =	vst v63  }
0x12f: {  	_ = 	snop  }
0x130: {  	[hbm4b:s7+s2] =	stream.indirect_vreg.scatter [tilespmem:s17], [sflag:$0x6], $0x80, v3, vm0, $0xb8;
	[tilespmem:$0x18400] =	vst v63  }
0x131: {  	v3 =	vld [tilespmem:$0x290];
	_ =	sdelay $0x4  }
0x132: {  	v59 =	vshll.u32 v3, $0x3  }
0x133: {  	v3 =	vand.u32 $0x7, v3;
	v4 =	vand.u32 $0xFFFFFFC0, v59  }
0x134: {  	v3 =	vor.u32 v3, v4  }
0x135: {  	v4 =	vperm.xlane v3, v0;
	_ =	sdelay $0x1  }
0x136: {  	v4 =	vadd.s32 v1, v4;
	_ =	sdelay $0x4  }
0x137: {  	[hbm4b:s4+s2] =	stream.indirect_vreg.scatter [tilespmem:s18], [sflag:$0x6], $0x80, v4, vm0, $0xb8;
	[tilespmem:$0x18400] =	vst v63  }
0x138: {  	v3 =	vperm.xlane v3, v2  }
0x139: {  	[hbm4b:s5+s2] =	stream.indirect_vreg.scatter [tilespmem:s19], [sflag:$0x6], $0x80, v4, vm0, $0xb8;
	[tilespmem:$0x18400] =	vst v63  }
0x13a: {  	v3 =	vadd.s32 v1, v3  }
0x13b: {  	[hbm4b:s6+s2] =	stream.indirect_vreg.scatter [tilespmem:s20], [sflag:$0x6], $0x80, v4, vm0, $0xb8;
	[tilespmem:$0x18400] =	vst v63  }
0x13c: {  	_ = 	snop  }
0x13d: {  	[hbm4b:s7+s2] =	stream.indirect_vreg.scatter [tilespmem:s21], [sflag:$0x6], $0x80, v4, vm0, $0xb8;
	[tilespmem:$0x18400] =	vst v63  }
0x13e: {  	_ = 	snop  }
0x13f: {  	[hbm4b:s4+s2] =	stream.indirect_vreg.scatter [tilespmem:s22], [sflag:$0x6], $0x80, v3, vm0, $0xb8;
	[tilespmem:$0x18400] =	vst v63  }
0x140: {  	_ = 	snop  }
0x141: {  	[hbm4b:s5+s2] =	stream.indirect_vreg.scatter [tilespmem:s23], [sflag:$0x6], $0x80, v3, vm0, $0xb8;
	[tilespmem:$0x18400] =	vst v63  }
0x142: {  	_ = 	snop  }
0x143: {  	[hbm4b:s6+s2] =	stream.indirect_vreg.scatter [tilespmem:s24], [sflag:$0x6], $0x80, v3, vm0, $0xb8;
	[tilespmem:$0x18400] =	vst v63  }
0x144: {  	_ = 	snop  }
0x145: {  	[hbm4b:s7+s2] =	stream.indirect_vreg.scatter [tilespmem:s26], [sflag:$0x6], $0x80, v3, vm0, $0xb8;
	[tilespmem:$0x18400] =	vst v63  }
0x146: {  	_ =	swait.ge [sflag:s3], $0x8000  }
0x147: {  	[sflag:s3] =	ssyncset.done $0x0  }
0x148: {  	[sflag:s3] =	ssyncadd.s32 $0xFFFF8000  }
0x149: {  	v3 =	vld [tilespmem:$0x300];
	_ =	sdelay $0x4  }
0x14a: {  	v60 =	vshll.u32 v3, $0x3  }
0x14b: {  	v3 =	vand.u32 $0x7, v3;
	v4 =	vand.u32 $0xFFFFFFC0, v60  }
0x14c: {  	v3 =	vor.u32 v3, v4  }
0x14d: {  	v4 =	vperm.xlane v3, v0;
	_ =	sdelay $0x1  }
0x14e: {  	v4 =	vadd.s32 v1, v4;
	_ =	sdelay $0x4  }
0x14f: {  	[hbm4b:s4+s2] =	stream.indirect_vreg.scatter [tilespmem:s11], [sflag:$0x4], $0x80, v4, vm0, $0xb8;
	[tilespmem:$0x18400] =	vst v63  }
0x150: {  	s29 =	simm.s32 $0xC00;
	v3 =	vperm.xlane v3, v2  }
0x151: {  	[hbm4b:s5+s2] =	stream.indirect_vreg.scatter [tilespmem:s29], [sflag:$0x4], $0x80, v4, vm0, $0xb8;
	[tilespmem:$0x18400] =	vst v63  }
0x152: {  	v3 =	vadd.s32 v1, v3;
	s29 =	simm.s32 $0x1400  }
0x153: {  	[hbm4b:s6+s2] =	stream.indirect_vreg.scatter [tilespmem:s29], [sflag:$0x4], $0x80, v4, vm0, $0xb8;
	[tilespmem:$0x18400] =	vst v63  }
0x154: {  	s29 =	simm.s32 $0x1C00  }
0x155: {  	[hbm4b:s7+s2] =	stream.indirect_vreg.scatter [tilespmem:s29], [sflag:$0x4], $0x80, v4, vm0, $0xb8;
	[tilespmem:$0x18400] =	vst v63  }
0x156: {  	s29 =	simm.s32 $0x2400  }
0x157: {  	[hbm4b:s4+s2] =	stream.indirect_vreg.scatter [tilespmem:s29], [sflag:$0x4], $0x80, v3, vm0, $0xb8;
	[tilespmem:$0x18400] =	vst v63  }
0x158: {  	s29 =	simm.s32 $0x2C00  }
0x159: {  	[hbm4b:s5+s2] =	stream.indirect_vreg.scatter [tilespmem:s29], [sflag:$0x4], $0x80, v3, vm0, $0xb8;
	[tilespmem:$0x18400] =	vst v63  }
0x15a: {  	s29 =	simm.s32 $0x3400  }
0x15b: {  	[hbm4b:s6+s2] =	stream.indirect_vreg.scatter [tilespmem:s29], [sflag:$0x4], $0x80, v3, vm0, $0xb8;
	[tilespmem:$0x18400] =	vst v63  }
0x15c: {  	s29 =	simm.s32 $0x3C00  }
0x15d: {  	[hbm4b:s7+s2] =	stream.indirect_vreg.scatter [tilespmem:s29], [sflag:$0x4], $0x80, v3, vm0, $0xb8;
	[tilespmem:$0x18400] =	vst v63  }
0x15e: {  	v3 =	vld [tilespmem:$0x310];
	_ =	sdelay $0x4  }
0x15f: {  	v61 =	vshll.u32 v3, $0x3  }
0x160: {  	v3 =	vand.u32 $0x7, v3;
	v4 =	vand.u32 $0xFFFFFFC0, v61  }
0x161: {  	v3 =	vor.u32 v3, v4  }
0x162: {  	v4 =	vperm.xlane v3, v0;
	_ =	sdelay $0x1  }
0x163: {  	v4 =	vadd.s32 v1, v4;
	_ =	sdelay $0x3  }
0x164: {  	s29 =	simm.s32 $0x4400  }
0x165: {  	[hbm4b:s4+s2] =	stream.indirect_vreg.scatter [tilespmem:s29], [sflag:$0x4], $0x80, v4, vm0, $0xb8;
	[tilespmem:$0x18400] =	vst v63  }
0x166: {  	v3 =	vperm.xlane v3, v2;
	s29 =	simm.s32 $0x4C00  }
0x167: {  	[hbm4b:s5+s2] =	stream.indirect_vreg.scatter [tilespmem:s29], [sflag:$0x4], $0x80, v4, vm0, $0xb8;
	[tilespmem:$0x18400] =	vst v63  }
0x168: {  	v3 =	vadd.s32 v1, v3;
	s29 =	simm.s32 $0x5400  }
0x169: {  	[hbm4b:s6+s2] =	stream.indirect_vreg.scatter [tilespmem:s29], [sflag:$0x4], $0x80, v4, vm0, $0xb8;
	[tilespmem:$0x18400] =	vst v63  }
0x16a: {  	s29 =	simm.s32 $0x5C00  }
0x16b: {  	[hbm4b:s7+s2] =	stream.indirect_vreg.scatter [tilespmem:s29], [sflag:$0x4], $0x80, v4, vm0, $0xb8;
	[tilespmem:$0x18400] =	vst v63  }
0x16c: {  	s29 =	simm.s32 $0x6400  }
0x16d: {  	[hbm4b:s4+s2] =	stream.indirect_vreg.scatter [tilespmem:s29], [sflag:$0x4], $0x80, v3, vm0, $0xb8;
	[tilespmem:$0x18400] =	vst v63  }
0x16e: {  	s29 =	simm.s32 $0x6C00  }
0x16f: {  	[hbm4b:s5+s2] =	stream.indirect_vreg.scatter [tilespmem:s29], [sflag:$0x4], $0x80, v3, vm0, $0xb8;
	[tilespmem:$0x18400] =	vst v63  }
0x170: {  	s29 =	simm.s32 $0x7400  }
0x171: {  	[hbm4b:s6+s2] =	stream.indirect_vreg.scatter [tilespmem:s29], [sflag:$0x4], $0x80, v3, vm0, $0xb8;
	[tilespmem:$0x18400] =	vst v63  }
0x172: {  	s29 =	simm.s32 $0x7C00  }
0x173: {  	[hbm4b:s7+s2] =	stream.indirect_vreg.scatter [tilespmem:s29], [sflag:$0x4], $0x80, v3, vm0, $0xb8;
	[tilespmem:$0x18400] =	vst v63  }
0x174: {  	_ =	swait.ge [sflag:s31], $0x8000  }
0x175: {  	[sflag:s31] =	ssyncset.done $0x0  }
0x176: {  	[sflag:s31] =	ssyncadd.s32 $0xFFFF8000  }
0x177: {  	v3 =	vld [tilespmem:$0x380];
	_ =	sdelay $0x4  }
0x178: {  	v62 =	vshll.u32 v3, $0x3  }
0x179: {  	v3 =	vand.u32 $0x7, v3;
	v4 =	vand.u32 $0xFFFFFFC0, v62  }
0x17a: {  	v3 =	vor.u32 v3, v4  }
0x17b: {  	v4 =	vperm.xlane v3, v0;
	_ =	sdelay $0x1  }
0x17c: {  	v4 =	vadd.s32 v1, v4;
	_ =	sdelay $0x4  }
0x17d: {  	[hbm4b:s4+s2] =	stream.indirect_vreg.scatter [tilespmem:s0], [sflag:$0x5], $0x80, v4, vm0, $0xb8;
	[tilespmem:$0x18400] =	vst v63  }
0x17e: {  	s29 =	simm.s32 $0x8C00;
	v3 =	vperm.xlane v3, v2  }
0x17f: {  	[hbm4b:s5+s2] =	stream.indirect_vreg.scatter [tilespmem:s29], [sflag:$0x5], $0x80, v4, vm0, $0xb8;
	[tilespmem:$0x18400] =	vst v63  }
0x180: {  	s1 =	simm.s32 $0x9400;
	v3 =	vadd.s32 v1, v3  }
0x181: {  	[hbm4b:s6+s2] =	stream.indirect_vreg.scatter [tilespmem:s1], [sflag:$0x5], $0x80, v4, vm0, $0xb8;
	[tilespmem:$0x18400] =	vst v63  }
0x182: {  	s29 =	simm.s32 $0x9C00  }
0x183: {  	[hbm4b:s7+s2] =	stream.indirect_vreg.scatter [tilespmem:s29], [sflag:$0x5], $0x80, v4, vm0, $0xb8;
	[tilespmem:$0x18400] =	vst v63  }
0x184: {  	s1 =	simm.s32 $0xA400  }
0x185: {  	[hbm4b:s4+s2] =	stream.indirect_vreg.scatter [tilespmem:s1], [sflag:$0x5], $0x80, v3, vm0, $0xb8;
	[tilespmem:$0x18400] =	vst v63  }
0x186: {  	s29 =	simm.s32 $0xAC00  }
0x187: {  	[hbm4b:s5+s2] =	stream.indirect_vreg.scatter [tilespmem:s29], [sflag:$0x5], $0x80, v3, vm0, $0xb8;
	[tilespmem:$0x18400] =	vst v63  }
0x188: {  	s1 =	simm.s32 $0xB400  }
0x189: {  	[hbm4b:s6+s2] =	stream.indirect_vreg.scatter [tilespmem:s1], [sflag:$0x5], $0x80, v3, vm0, $0xb8;
	[tilespmem:$0x18400] =	vst v63  }
0x18a: {  	s29 =	simm.s32 $0xBC00  }
0x18b: {  	[hbm4b:s7+s2] =	stream.indirect_vreg.scatter [tilespmem:s29], [sflag:$0x5], $0x80, v3, vm0, $0xb8;
	[tilespmem:$0x18400] =	vst v63  }
0x18c: {  	v3 =	vld [tilespmem:$0x390];
	_ =	sdelay $0x4  }
0x18d: {  	v63 =	vshll.u32 v3, $0x3  }
0x18e: {  	v3 =	vand.u32 $0x7, v3;
	v4 =	vand.u32 $0xFFFFFFC0, v63  }
0x18f: {  	v3 =	vor.u32 v3, v4  }
0x190: {  	v4 =	vperm.xlane v3, v0;
	_ =	sdelay $0x1  }
0x191: {  	v4 =	vadd.s32 v1, v4;
	_ =	sdelay $0x3  }
0x192: {  	s1 =	simm.s32 $0xC400  }
0x193: {  	[hbm4b:s4+s2] =	stream.indirect_vreg.scatter [tilespmem:s1], [sflag:$0x5], $0x80, v4, vm0, $0xb8;
	[tilespmem:$0x18400] =	vst v63  }
0x194: {  	s29 =	simm.s32 $0xCC00;
	v3 =	vperm.xlane v3, v2  }
0x195: {  	[hbm4b:s5+s2] =	stream.indirect_vreg.scatter [tilespmem:s29], [sflag:$0x5], $0x80, v4, vm0, $0xb8;
	[tilespmem:$0x18400] =	vst v63  }
0x196: {  	v3 =	vadd.s32 v1, v3;
	s1 =	simm.s32 $0xD400  }
0x197: {  	[hbm4b:s6+s2] =	stream.indirect_vreg.scatter [tilespmem:s1], [sflag:$0x5], $0x80, v4, vm0, $0xb8;
	[tilespmem:$0x18400] =	vst v63  }
0x198: {  	s29 =	simm.s32 $0xDC00  }
0x199: {  	[hbm4b:s7+s2] =	stream.indirect_vreg.scatter [tilespmem:s29], [sflag:$0x5], $0x80, v4, vm0, $0xb8;
	[tilespmem:$0x18400] =	vst v63  }
0x19a: {  	s1 =	simm.s32 $0xE400  }
0x19b: {  	[hbm4b:s4+s2] =	stream.indirect_vreg.scatter [tilespmem:s1], [sflag:$0x5], $0x80, v3, vm0, $0xb8;
	[tilespmem:$0x18400] =	vst v63  }
0x19c: {  	s29 =	simm.s32 $0xEC00  }
0x19d: {  	[hbm4b:s5+s2] =	stream.indirect_vreg.scatter [tilespmem:s29], [sflag:$0x5], $0x80, v3, vm0, $0xb8;
	[tilespmem:$0x18400] =	vst v63  }
0x19e: {  	s1 =	simm.s32 $0xF400  }
0x19f: {  	[hbm4b:s6+s2] =	stream.indirect_vreg.scatter [tilespmem:s1], [sflag:$0x5], $0x80, v3, vm0, $0xb8;
	[tilespmem:$0x18400] =	vst v63  }
0x1a0: {  	s29 =	simm.s32 $0xFC00  }
0x1a1: {  	[hbm4b:s7+s2] =	stream.indirect_vreg.scatter [tilespmem:s29], [sflag:$0x5], $0x80, v3, vm0, $0xb8;
	[tilespmem:$0x18400] =	vst v63  }
0x1a2: {  	_ =	swait.ge [sflag:s13], $0x8000  }
0x1a3: {  	[sflag:s13] =	ssyncset.done $0x0  }
0x1a4: {  	[sflag:s13] =	ssyncadd.s32 $0xFFFF8000  }
0x1a5: {  	p0 =	sne.s32 s8, $0x1;
	_ =	swait.ge [sflag:s30], $0x8000  }
.Ltmp0:
0x1a6: {  	[sflag:s30] =	ssyncset.done $0x0;
	(pc) =	sbr.rel @p0 .LBB2_1-.Ltmp0, $4  }
0x1a7: {  	[sflag:s30] =	ssyncadd.s32 $0xFFFF8000  }
0x1a8: {  	_ =	swait.ge [sflag:s25], $0x8000  }
0x1a9: {  	[sflag:s25] =	ssyncset.done $0x0  }
0x1aa: {  	s8 =	sadd.s32 $0xFFFFFFFF, s8;
	[sflag:s25] =	ssyncadd.s32 $0xFFFF8000  }
0x1ab: {  	_ =	sfence.sel $0x180000  }
0x1ac: {  	[bflag:$0x0] =	sbarrier.arrive $0xFFFF  }
0x1ad: {  	_ =	strace $0x9000004D  }
0x1ae: {  	s0 =	stileid.u32;
	[bflag:$0x2] =	sbarrier.arrive $0xFFFF  }
0x1af: {  	p0 =	sne.s32 s0, $0x0;
	s0 =	rddreg [dreg:$0x2]  }
0x1b0: {  	s0 =	sadd.s32 @!p0 $0x100000, s0  }
0x1b1: {  	[sflag:s0] =	ssyncadd.tile.s32 @!p0 $0x1;
	_ =	shalt  }
.Lfunc_end2:
_tile_overlayer_lowered:
.L_overlay_start_2:
0x1b2: {  	(tag) =	ssettag $0x2  }
0x1b3: {  	s0 =	rddreg [dreg:$0x0];
	s2 =	stileid.u32  }
0x1b4: {  	s1 =	rddreg [dreg:$0x1];
	p0 =	sne.s32 s2, $0x0  }
0x1b5: {  	s3 =	rddreg [dreg:$0x2];
	[bflag:$0x3] =	sbarrier.arrive $0xFFFF;
	s2 =	simm.s32 @!p0 $0x1C07  }
0x1b6: {  	[timem:s3], [sflag:s2] =	dma.local @!p0 [hbm:s0], s1  }
0x1b7: {  	s0 =	simm.s32 @!p0 $0x7  }
0x1b8: {  	_ =	swait.ge @!p0 [sflag:s0], s1  }
0x1b9: {  	s1 =	ssub.s32 @!p0 $0x0, s1;
	[sflag:s0] =	ssyncset.done @!p0 $0x0  }
0x1ba: {  	[sflag:s0] =	ssyncadd.s32 @!p0 s1  }
0x1bb: {  	[bflag:$0x3] =	sbarrier.arrive $0xFFFF  }
0x1bc: {  	_ =	shalt  }

// kernel: kernel.8.cloned.1.call-start
scs
__scs_entry_jumppad:
0x0: {  	(pc) =	sbr.rel $0x88, $3  }
0x1: {  	(tag) =	ssettag $0x0;
	lr =	simm.s32 $0x1  }
0x2: {  	[smem:$0x3F9D] =	sst lr;
	_ =	strace $0xD0000000  }
0x3: {  	_ = 	snop  }
0x4: {  	_ = 	snop  }
0x5: {  	_ = 	snop  }
0x6: {  	_ = 	snop  }
0x7: {  	_ = 	snop  }
__scs_overlays_trampoline_lowered:
0x8: {  	[smem:$0x3FAC] =	sst s0  }
0x9: {  	[smem:$0x3FAD] =	sst s1  }
0xa: {  	[smem:$0x3FAE] =	sst s2  }
0xb: {  	[smem:$0x3FAF] =	sst s3  }
0xc: {  	[smem:$0x3FB0] =	sst s4  }
0xd: {  	[smem:$0x3FB1] =	sst s5  }
0xe: {  	[smem:$0x3FB2] =	sst s6  }
0xf: {  	[smem:$0x3FB3] =	sst s7  }
0x10: {  	[smem:$0x3FB4] =	sst s8  }
0x11: {  	[smem:$0x3FB5] =	sst s9;
	s0 =	simm.s32 @!p0 $0x0  }
0x12: {  	s1 =	sld [smem:$0x3F9B];
	s0 =	simm.s32 @p0 $0x1  }
0x13: {  	[smem:$0x3FB6] =	sst s0;
	s0 =	simm.s32 @!p1 $0x0  }
0x14: {  	s2 =	sld [smem:$0x3F9A];
	s0 =	simm.s32 @p1 $0x1  }
0x15: {  	[smem:$0x3FB7] =	sst s0;
	s0 =	simm.s32 @!p2 $0x0  }
0x16: {  	s3 =	sld [smem:$0x3FDB];
	s0 =	simm.s32 @p2 $0x1  }
0x17: {  	s4 =	simm.s32 $0x1BF5;
	[smem:$0x3FB9] =	sst s0  }
0x18: {  	s0 =	sld [smem:$0x3F9C];
	_ =	swait.ge [sflag:s4], $0x0  }
0x19: {  	s7 =	sld [smem:$0x3F9D]  }
0x1a: {  	s8 =	sadd.s32 $0xFFFFE003, lr  }
0x1b: {  	s9 =	sadd.s32 $0xFFFFFEF7, lr;
	s5 =	simm.s32 $0xFFFFFFFF;
	p2 =	slt.u32 s8, $0xFFFFF086  }
0x1c: {  	p1 =	slt.u32 s9, $0xF7A;
	s5 =	simm.s32 @!p2 $0x0  }
0x1d: {  	s5 =	simm.s32 @p1 $0x1;
	p0 =	seq.s32 s7, s2  }
0x1e: {  	s7 =	smul.u32 @!p0 $0xF7A, s2;
	p2 =	seq.s32 @!p0 s5, $0x0  }
0x1f: {  	s9 =	smul.u32 $0xF7A, s1;
	s8 =	simm.s32 @!p0 $0x1BF5;
	p2 =	por !p2, p0  }
0x20: {  	[sflag:s8] =	ssyncset.s32 @!p0 $0xFFFFF086;
	s6 =	sadd.s32 @!p0 s3, s7;
	s7 =	simm.s32 @!p0 $0x108  }
0x21: {  	s3 =	sadd.s32 s3, s9;
	s6 =	sadd.s32 @!p0 $0x88, s6;
	s7 =	simm.s32 @p2 $0x1082  }
0x22: {  	[simem:s7], [sflag:s8] =	dma.local @!p0 [hbm:s6], $0xF7A  }
0x23: {  	s9 =	sor.u32 $0xD0000000, s2;
	s6 =	simm.s32 $0x108;
	_ =	swait.ge @!p0 [sflag:s8], $0x0  }
0x24: {  	s3 =	sadd.s32 $0x88, s3;
	s6 =	simm.s32 @!p1 $0x1082;
	[sflag:s4] =	ssyncset.s32 $0xFFFFF086  }
0x25: {  	[simem:s6], [sflag:s4] =	dma.local [hbm:s3], $0xF7A  }
0x26: {  	[smem:$0x3F9D] =	sst s1;
	(tag) =	ssettag s2;
	_ =	strace s9  }
0x27: {  	s1 =	sld [smem:$0x3FAD]  }
0x28: {  	s2 =	sld [smem:$0x3FAE]  }
0x29: {  	s4 =	sld [smem:$0x3FB0]  }
0x2a: {  	p0 =	seq.s32 s5, $0x0;
	s5 =	sld [smem:$0x3FB1]  }
0x2b: {  	s6 =	sld [smem:$0x3FB2]  }
0x2c: {  	s7 =	sld [smem:$0x3FB3]  }
0x2d: {  	s3 =	simm.s32 $0x108;
	s8 =	sld [smem:$0x3FB4]  }
0x2e: {  	s3 =	simm.s32 @!p0 $0x1082;
	s9 =	sld [smem:$0x3FB5]  }
0x2f: {  	lr =	sadd.s32 s0, s3;
	s0 =	sld [smem:$0x3FAC]  }
0x30: {  	s3 =	sld [smem:$0x3FAF]  }
0x31: {  	[smem:$0x3FB8] =	sst s10  }
0x32: {  	s10 =	sld [smem:$0x3FB6];
	_ =	sdelay $0x3  }
0x33: {  	p0 =	seq.s32 s10, $0x1;
	s10 =	sld [smem:$0x3FB8];
	_ =	sdelay $0x3  }
0x34: {  	[smem:$0x3FB8] =	sst s10  }
0x35: {  	s10 =	sld [smem:$0x3FB7];
	_ =	sdelay $0x3  }
0x36: {  	p1 =	seq.s32 s10, $0x1;
	s10 =	sld [smem:$0x3FB8];
	_ =	sdelay $0x3  }
0x37: {  	[smem:$0x3FB8] =	sst s10  }
0x38: {  	s10 =	sld [smem:$0x3FB9]  }
0x39: {  	_ = 	snop;
	(pc) =	sbr.ind lr, $3  }
0x3a: {  	_ = 	snop  }
0x3b: {  	_ = 	snop  }
0x3c: {  	p2 =	seq.s32 s10, $0x1;
	s10 =	sld [smem:$0x3FB8]  }
0x3d: {  	_ =	shalt  }
0x3e: {  	_ =	shalt  }
0x3f: {  	_ =	shalt  }
0x40: {  	_ =	shalt  }
0x41: {  	_ =	shalt  }
0x42: {  	_ =	shalt  }
0x43: {  	_ =	shalt  }
0x44: {  	_ =	shalt  }
0x45: {  	_ =	shalt  }
0x46: {  	_ =	shalt  }
0x47: {  	_ =	shalt  }
0x48: {  	_ =	shalt  }
0x49: {  	_ =	shalt  }
0x4a: {  	_ =	shalt  }
0x4b: {  	_ =	shalt  }
0x4c: {  	_ =	shalt  }
0x4d: {  	_ =	shalt  }
0x4e: {  	_ =	shalt  }
0x4f: {  	_ =	shalt  }
0x50: {  	_ =	shalt  }
0x51: {  	_ =	shalt  }
0x52: {  	_ =	shalt  }
0x53: {  	_ =	shalt  }
0x54: {  	_ =	shalt  }
0x55: {  	_ =	shalt  }
0x56: {  	_ =	shalt  }
0x57: {  	_ =	shalt  }
0x58: {  	_ =	shalt  }
0x59: {  	_ =	shalt  }
0x5a: {  	_ =	shalt  }
0x5b: {  	_ =	shalt  }
0x5c: {  	_ =	shalt  }
0x5d: {  	_ =	shalt  }
0x5e: {  	_ =	shalt  }
0x5f: {  	_ =	shalt  }
0x60: {  	_ =	shalt  }
0x61: {  	_ =	shalt  }
0x62: {  	_ =	shalt  }
0x63: {  	_ =	shalt  }
0x64: {  	_ =	shalt  }
0x65: {  	_ =	shalt  }
0x66: {  	_ =	shalt  }
0x67: {  	_ =	shalt  }
0x68: {  	_ =	shalt  }
0x69: {  	_ =	shalt  }
0x6a: {  	_ =	shalt  }
0x6b: {  	_ =	shalt  }
0x6c: {  	_ =	shalt  }
0x6d: {  	_ =	shalt  }
0x6e: {  	_ =	shalt  }
0x6f: {  	_ =	shalt  }
0x70: {  	_ =	shalt  }
0x71: {  	_ =	shalt  }
0x72: {  	_ =	shalt  }
0x73: {  	_ =	shalt  }
0x74: {  	_ =	shalt  }
0x75: {  	_ =	shalt  }
0x76: {  	_ =	shalt  }
0x77: {  	_ =	shalt  }
0x78: {  	_ =	shalt  }
0x79: {  	_ =	shalt  }
0x7a: {  	_ =	shalt  }
0x7b: {  	_ =	shalt  }
0x7c: {  	_ =	shalt  }
0x7d: {  	_ =	shalt  }
0x7e: {  	_ =	shalt  }
0x7f: {  	_ =	shalt  }
0x80: {  	_ =	shalt  }
0x81: {  	_ =	shalt  }
0x82: {  	_ =	shalt  }
0x83: {  	_ =	shalt  }
0x84: {  	_ =	shalt  }
0x85: {  	_ =	shalt  }
0x86: {  	_ =	shalt  }
0x87: {  	_ =	shalt  }
.Lfunc_end0:
.L_simem_size_0:
called_computation.3_lowered:
.L_overlay_start_0:
0x88: {  	s2 =	sld [smem:$0x3FD9]  }
0x89: {  	s3 =	sld [smem:$0x3FFE];
	_ =	sdelay $0x1  }
0x8a: {  	s1 =	srdreg.scid  }
0x8b: {  	s0 =	sand.u32 $0x1, s1  }
0x8c: {  	s16 =	sshll.u32 s0, $0xA;
	s2 =	sadd.s32 s3, s2  }
0x8d: {  	s2 =	sadd.s32 s2, s16  }
0x8e: {  	[smem:$0x3FC4] =	sst s2  }
0x8f: {  	_ = 	snop  }
0x90: {  	(tm) =	ssettm $0x1  }
0x91: {  	s17 =	sld [smem:$0x3FFB];
	_ =	sdelay $0x3  }
0x92: {  	_ =	strace s17  }
0x93: {  	s2 =	sld [smem:$0x3FFC];
	_ =	sdelay $0x3  }
0x94: {  	_ =	strace s2  }
0x95: {  	s2 =	sld [smem:$0x3FFD];
	_ =	sdelay $0x3  }
0x96: {  	_ =	strace s2  }
0x97: {  	_ =	strace $0x8FFFFFFF  }
0x98: {  	s18 =	sld [smem:$0x3FDB];
	_ =	sdelay $0x1  }
0x99: {  	s19 =	simm.s32 $_scs_section_size  }
0x9a: {  	s4 =	simm.s32 $_size__tile_overlayer_lowered;
	s5 =	simm.s32 $_tile_overlayer_lowered  }
0x9b: {  	s22 =	simm.s32 $0x1BFF;
	s21 =	sshll.u32 s5, $0x1;
	s2 =	sadd.s32 s19, s18  }
0x9c: {  	s6 =	simm.s32 $0x0;
	s20 =	sshll.u32 s4, $0x1;
	s4 =	sadd.s32 s21, s2  }
0x9d: {  	[timem:s6], [sflag:s22] =	dma.local [hbm:s4], s20  }
0x9e: {  	_ =	swait.ge [sflag:s22], s20  }
0x9f: {  	s3 =	ssub.s32 $0x0, s20;
	[sflag:s22] =	ssyncset.done $0x0  }
0xa0: {  	[sflag:s22] =	ssyncadd.s32 s3;
	_ =	sdelay $0x1  }
0xa1: {  	s23 =	simm.s32 $0x1B8B  }
0xa2: {  	_ =	swait.ge [sflag:s23], $0x1  }
0xa3: {  	[sflag:s23] =	ssyncset.done $0x0  }
0xa4: {  	s25 =	simm.s32 $0x1B8E;
	s24 =	sld [smem:$0x3FFE];
	[sflag:s23] =	ssyncadd.s32 $0xFFFFFFFF  }
0xa5: {  	s26 =	simm.s32 $execute0_lowered;
	[smem:$0x3FD2] =	sst s25  }
0xa6: {  	s4 =	sshll.u32 s26, $0x1;
	_ =	strace $0x8000004F;
	[dreg:$0x1] =	wrdreg $0xFFFFFFFF  }
0xa7: {  	s28 =	simm.s32 $_size_execute0_lowered;
	s2 =	sadd.s32 s2, s4;
	[dreg:$0x0] =	wrdreg $0x0  }
0xa8: {  	s4 =	sshll.u32 s28, $0x1;
	[dreg:$0x2] =	wrdreg s2  }
0xa9: {  	[dreg:$0x3] =	wrdreg s4  }
0xaa: {  	[dreg:$0x4] =	wrdreg $0xC0  }
0xab: {  	_ =	task [dreg:s6], $0x5FFFF  }
0xac: {  	[dreg:$0x1] =	wrdreg $0xFFFFFFFF  }
0xad: {  	[dreg:$0x0] =	wrdreg $0x60  }
0xae: {  	[dreg:$0x2] =	wrdreg s24  }
0xaf: {  	[dreg:$0x3] =	wrdreg $0x9  }
0xb0: {  	_ =	task.clear_ibuf [dreg:s6], $0x4FFFF;
	_ =	strace $0x9000004F  }
0xb1: {  	s29 =	simm.s32 $0x9;
	_ =	strace $0x80000051  }
0xb2: {  	_ =	swait.ge [sflag:s29], $0x1  }
0xb3: {  	[sflag:s29] =	ssyncadd.s32 $0xFFFFFFFF  }
0xb4: {  	_ =	strace $0x90000051  }
0xb5: {  	_ =	sfence  }
0xb6: {  	s30 =	sld [smem:$0x0];
	_ =	sdelay $0x2  }
0xb7: {  	s31 =	sshll.u32 s1, $0xD;
	s1 =	sshrl.u32 s1, $0x2  }
0xb8: {  	s3 =	sand.u32 $0x4000, s31;
	s1 =	sadd.s32 s1, s30  }
0xb9: {  	s0 =	sor.u32 s3, s0;
	s1 =	sshll.u32 s1, $0x11  }
0xba: {  	s0 =	sor.u32 s1, s0  }
0xbb: {  	s0 =	sadd.s32 $0x8F2B, s0  }
0xbc: {  	[sflag:s0] =	ssyncadd.remote.s32 $0x1  }
0xbd: {  	_ =	sfence.sel $0xFFFF  }
0xbe: {  	[dreg:$0x0] =	wrdreg $0xFFFFFFFF;
	(pc) =	sbr.abs _section_cstart, $3  }
0xbf: {  	[dreg:$0x1] =	wrdreg $0xFFFFFFFF  }
0xc0: {  	_ =	task.clear_ibuf [dreg:s6], $0x2FFFF;
	_ =	strace $0x9FFFFFFF  }
0xc1: {  	(tm) =	ssettm $0x7FFFFFFF  }
tec
execute0_lowered:
.L_overlay_start_1:
0x0: {  	(tag) =	ssettag $0x1  }
0x1: {  	s0 =	srdreg.scid;
	s2 =	stileid.u32  }
0x2: {  	s0 =	sand.u32 $0x1, s0;
	s3 =	sshll.u32 s2, $0x1  }
0x3: {  	s1 =	rddreg [dreg:$0x0];
	s2 =	simm.s32 $0x0;
	s3 =	sor.u32 s0, s3  }
0x4: {  	[smem:$0x7FF] =	sst s2;
	s4 =	smul.u32 $0xC000, s3;
	s6 =	sshll.u32 s3, $0x8  }
0x5: {  	s5 =	sadd.s32 $0x1A1000, s1;
	_ =	strace $0x80000050;
	s6 =	sadd.s32 s1, s6  }
0x6: {  	s3 =	smul.u32 $0x60000, s3;
	s7 =	sadd.s32 s5, s4;
	[dreg:$0x2] =	wrdreg s6  }
0x7: {  	s12 =	simm.s32 $0x1;
	s4 =	sadd.s32 $0x1000, s7;
	[dreg:$0xe] =	wrdreg s7  }
0x8: {  	s3 =	sshrl.u32 s3, $0x3;
	s20 =	sadd.s32 $0x2000, s7;
	[dreg:$0x3] =	wrdreg s4  }
0x9: {  	s21 =	sadd.s32 $0x3000, s7;
	s3 =	sadd.s32 s5, s3;
	[dreg:$0x4] =	wrdreg s20  }
0xa: {  	s30 =	simm.s32 $0x4;
	[dreg:$0x5] =	wrdreg s21;
	s5 =	sadd.s32 $0x4000, s3  }
0xb: {  	s31 =	simm.s32 $0x2;
	s22 =	sadd.s32 $0x5000, s3;
	[dreg:$0x6] =	wrdreg s5  }
0xc: {  	s0 =	ssub.s32 $0x2, s0;
	s23 =	sadd.s32 $0x6000, s3;
	[dreg:$0x7] =	wrdreg s22  }
0xd: {  	s24 =	sshrl.u32 s0, $0x1;
	s25 =	sadd.s32 $0x7000, s3;
	[dreg:$0x8] =	wrdreg s23  }
0xe: {  	s0 =	ssub.s32 s0, s24;
	s26 =	sadd.s32 $0x8000, s3;
	[dreg:$0x9] =	wrdreg s25  }
0xf: {  	s6 =	sadd.s32 $0x321200, s1;
	s28 =	sadd.s32 $0x9000, s3;
	[dreg:$0xa] =	wrdreg s26  }
0x10: {  	s7 =	sadd.s32 $0x321300, s1;
	s8 =	sadd.s32 $0xA000, s3;
	[dreg:$0xb] =	wrdreg s28  }
0x11: {  	v2 =	vlaneseq.u32;
	s4 =	sadd.s32 $0x321000, s1;
	s29 =	sadd.s32 $0xB000, s3;
	[dreg:$0xc] =	wrdreg s8  }
0x12: {  	vm0 =	vmmov $0xffff;
	v1 =	vshrl.u32 v2, $0x3;
	s5 =	sadd.s32 $0x321100, s1;
	[dreg:$0xd] =	wrdreg s29;
	s8 =	smax.u32 s0, $0x1  }
0x13: {  	v0 =	vand.u32 $0x7, v2;
	v2 =	vor.u32 $0x8, v2;
	v1 =	vmul.u32 $0x8, v1;
	s25 =	simm.s32 $0x5;
	s26 =	simm.s32 $0x3;
	s23 =	simm.s32 $0x6  }
.LBB2_1:
0x14: {  	s24 =	rddreg [dreg:$0x2];
	s28 =	simm.s32 $0x7  }
0x15: {  	[tilespmem:s2], [sflag:$0x7] =	stream.linear.gather [hbm4b:s24+s2], $0x600, $0x38;
	[tilespmem:$0x18800] =	vst v63  }
0x16: {  	_ =	swait.ge [sflag:s28], $0x600  }
0x17: {  	[sflag:s28] =	ssyncset.done $0x0  }
0x18: {  	s11 =	simm.s32 $0x800;
	[sflag:s28] =	ssyncadd.s32 $0xFFFFFA00;
	s28 =	rddreg [dreg:$0xe]  }
0x19: {  	[tilespmem:s11], [sflag:$0x1] =	stream.linear.gather [hbm4b:s28+s2], $0x8000, $0x38;
	[tilespmem:$0x18800] =	vst v63  }
0x1a: {  	s0 =	simm.s32 $0x8800;
	s29 =	rddreg [dreg:$0x3]  }
0x1b: {  	[tilespmem:s0], [sflag:$0x2] =	stream.linear.gather [hbm4b:s29+s2], $0x8000, $0x38;
	[tilespmem:$0x18800] =	vst v63  }
0x1c: {  	s3 =	simm.s32 $0x10800;
	s1 =	rddreg [dreg:$0x4]  }
0x1d: {  	[tilespmem:s3], [sflag:$0x3] =	stream.linear.gather [hbm4b:s1+s2], $0x8000, $0x38;
	[tilespmem:$0x18800] =	vst v63  }
0x1e: {  	_ =	swait.ge [sflag:s12], $0x8000  }
0x1f: {  	[sflag:s12] =	ssyncset.done $0x0  }
0x20: {  	[sflag:s12] =	ssyncadd.s32 $0xFFFF8000  }
0x21: {  	v3 =	vld [tilespmem:$0x0];
	_ =	sdelay $0x4  }
0x22: {  	v4 =	vshll.u32 v3, $0x3  }
0x23: {  	v3 =	vand.u32 $0x7, v3;
	v4 =	vand.u32 $0xFFFFFFC0, v4  }
0x24: {  	v3 =	vor.u32 v3, v4  }
0x25: {  	v4 =	vperm.xlane v3, v0;
	_ =	sdelay $0x1  }
0x26: {  	v4 =	vadd.s32 v1, v4;
	_ =	sdelay $0x4  }
0x27: {  	[hbm4b:s4+s2] =	stream.indirect_vreg.scatter [tilespmem:s11], [sflag:$0x4], $0x80, v4, vm0, $0xb8;
	[tilespmem:$0x18800] =	vst v63  }
0x28: {  	s9 =	simm.s32 $0x1000;
	v3 =	vperm.xlane v3, v2  }
0x29: {  	[hbm4b:s5+s2] =	stream.indirect_vreg.scatter [tilespmem:s9], [sflag:$0x4], $0x80, v4, vm0, $0xb8;
	[tilespmem:$0x18800] =	vst v63  }
0x2a: {  	s10 =	simm.s32 $0x1800;
	v3 =	vadd.s32 v1, v3  }
0x2b: {  	[hbm4b:s6+s2] =	stream.indirect_vreg.scatter [tilespmem:s10], [sflag:$0x4], $0x80, v4, vm0, $0xb8;
	[tilespmem:$0x18800] =	vst v63  }
0x2c: {  	s13 =	simm.s32 $0x2000  }
0x2d: {  	[hbm4b:s7+s2] =	stream.indirect_vreg.scatter [tilespmem:s13], [sflag:$0x4], $0x80, v4, vm0, $0xb8;
	[tilespmem:$0x18800] =	vst v63  }
0x2e: {  	s14 =	simm.s32 $0x2800  }
0x2f: {  	[hbm4b:s4+s2] =	stream.indirect_vreg.scatter [tilespmem:s14], [sflag:$0x4], $0x80, v3, vm0, $0xb8;
	[tilespmem:$0x18800] =	vst v63  }
0x30: {  	s15 =	simm.s32 $0x3000  }
0x31: {  	[hbm4b:s5+s2] =	stream.indirect_vreg.scatter [tilespmem:s15], [sflag:$0x4], $0x80, v3, vm0, $0xb8;
	[tilespmem:$0x18800] =	vst v63  }
0x32: {  	s16 =	simm.s32 $0x3800  }
0x33: {  	[hbm4b:s6+s2] =	stream.indirect_vreg.scatter [tilespmem:s16], [sflag:$0x4], $0x80, v3, vm0, $0xb8;
	[tilespmem:$0x18800] =	vst v63  }
0x34: {  	s17 =	simm.s32 $0x4000  }
0x35: {  	[hbm4b:s7+s2] =	stream.indirect_vreg.scatter [tilespmem:s17], [sflag:$0x4], $0x80, v3, vm0, $0xb8;
	[tilespmem:$0x18800] =	vst v63  }
0x36: {  	v3 =	vld [tilespmem:$0x10];
	_ =	sdelay $0x4  }
0x37: {  	v41 =	vshll.u32 v3, $0x3  }
0x38: {  	v3 =	vand.u32 $0x7, v3;
	v4 =	vand.u32 $0xFFFFFFC0, v41  }
0x39: {  	v3 =	vor.u32 v3, v4  }
0x3a: {  	v4 =	vperm.xlane v3, v0;
	_ =	sdelay $0x1  }
0x3b: {  	v4 =	vadd.s32 v1, v4;
	_ =	sdelay $0x3  }
0x3c: {  	s18 =	simm.s32 $0x4800  }
0x3d: {  	[hbm4b:s4+s2] =	stream.indirect_vreg.scatter [tilespmem:s18], [sflag:$0x4], $0x80, v4, vm0, $0xb8;
	[tilespmem:$0x18800] =	vst v63  }
0x3e: {  	s19 =	simm.s32 $0x5000;
	v3 =	vperm.xlane v3, v2  }
0x3f: {  	[hbm4b:s5+s2] =	stream.indirect_vreg.scatter [tilespmem:s19], [sflag:$0x4], $0x80, v4, vm0, $0xb8;
	[tilespmem:$0x18800] =	vst v63  }
0x40: {  	s20 =	simm.s32 $0x5800;
	v3 =	vadd.s32 v1, v3  }
0x41: {  	[hbm4b:s6+s2] =	stream.indirect_vreg.scatter [tilespmem:s20], [sflag:$0x4], $0x80, v4, vm0, $0xb8;
	[tilespmem:$0x18800] =	vst v63  }
0x42: {  	s21 =	simm.s32 $0x6000  }
0x43: {  	[hbm4b:s7+s2] =	stream.indirect_vreg.scatter [tilespmem:s21], [sflag:$0x4], $0x80, v4, vm0, $0xb8;
	[tilespmem:$0x18800] =	vst v63  }
0x44: {  	s22 =	simm.s32 $0x6800  }
0x45: {  	[hbm4b:s4+s2] =	stream.indirect_vreg.scatter [tilespmem:s22], [sflag:$0x4], $0x80, v3, vm0, $0xb8;
	[tilespmem:$0x18800] =	vst v63  }
0x46: {  	s24 =	simm.s32 $0x7000  }
0x47: {  	[hbm4b:s5+s2] =	stream.indirect_vreg.scatter [tilespmem:s24], [sflag:$0x4], $0x80, v3, vm0, $0xb8;
	[tilespmem:$0x18800] =	vst v63  }
0x48: {  	s28 =	simm.s32 $0x7800  }
0x49: {  	[hbm4b:s6+s2] =	stream.indirect_vreg.scatter [tilespmem:s28], [sflag:$0x4], $0x80, v3, vm0, $0xb8;
	[tilespmem:$0x18800] =	vst v63  }
0x4a: {  	s29 =	simm.s32 $0x8000  }
0x4b: {  	[hbm4b:s7+s2] =	stream.indirect_vreg.scatter [tilespmem:s29], [sflag:$0x4], $0x80, v3, vm0, $0xb8;
	[tilespmem:$0x18800] =	vst v63  }
0x4c: {  	_ =	swait.ge [sflag:s30], $0x8000  }
0x4d: {  	[sflag:s30] =	ssyncset.done $0x0  }
0x4e: {  	s3 =	rddreg [dreg:$0x5];
	[sflag:s30] =	ssyncadd.s32 $0xFFFF8000  }
0x4f: {  	[tilespmem:s11], [sflag:$0x1] =	stream.linear.gather [hbm4b:s3+s2], $0x8000, $0x38;
	[tilespmem:$0x18800] =	vst v63  }
0x50: {  	_ =	swait.ge [sflag:s31], $0x8000  }
0x51: {  	[sflag:s31] =	ssyncset.done $0x0  }
0x52: {  	[sflag:s31] =	ssyncadd.s32 $0xFFFF8000  }
0x53: {  	v3 =	vld [tilespmem:$0x80];
	_ =	sdelay $0x4  }
0x54: {  	v42 =	vshll.u32 v3, $0x3  }
0x55: {  	v3 =	vand.u32 $0x7, v3;
	v4 =	vand.u32 $0xFFFFFFC0, v42  }
0x56: {  	v3 =	vor.u32 v3, v4  }
0x57: {  	v4 =	vperm.xlane v3, v0;
	_ =	sdelay $0x1  }
0x58: {  	v4 =	vadd.s32 v1, v4;
	_ =	sdelay $0x3  }
0x59: {  	s3 =	simm.s32 $0x8800  }
0x5a: {  	[hbm4b:s4+s2] =	stream.indirect_vreg.scatter [tilespmem:s3], [sflag:$0x5], $0x80, v4, vm0, $0xb8;
	[tilespmem:$0x18800] =	vst v63  }
0x5b: {  	s9 =	simm.s32 $0x9000;
	v3 =	vperm.xlane v3, v2  }
0x5c: {  	[hbm4b:s5+s2] =	stream.indirect_vreg.scatter [tilespmem:s9], [sflag:$0x5], $0x80, v4, vm0, $0xb8;
	[tilespmem:$0x18800] =	vst v63  }
0x5d: {  	s10 =	simm.s32 $0x9800;
	v3 =	vadd.s32 v1, v3  }
0x5e: {  	[hbm4b:s6+s2] =	stream.indirect_vreg.scatter [tilespmem:s10], [sflag:$0x5], $0x80, v4, vm0, $0xb8;
	[tilespmem:$0x18800] =	vst v63  }
0x5f: {  	s13 =	simm.s32 $0xA000  }
0x60: {  	[hbm4b:s7+s2] =	stream.indirect_vreg.scatter [tilespmem:s13], [sflag:$0x5], $0x80, v4, vm0, $0xb8;
	[tilespmem:$0x18800] =	vst v63  }
0x61: {  	s17 =	simm.s32 $0xA800  }
0x62: {  	[hbm4b:s4+s2] =	stream.indirect_vreg.scatter [tilespmem:s17], [sflag:$0x5], $0x80, v3, vm0, $0xb8;
	[tilespmem:$0x18800] =	vst v63  }
0x63: {  	s18 =	simm.s32 $0xB000  }
0x64: {  	[hbm4b:s5+s2] =	stream.indirect_vreg.scatter [tilespmem:s18], [sflag:$0x5], $0x80, v3, vm0, $0xb8;
	[tilespmem:$0x18800] =	vst v63  }
0x65: {  	s21 =	simm.s32 $0xB800  }
0x66: {  	[hbm4b:s6+s2] =	stream.indirect_vreg.scatter [tilespmem:s21], [sflag:$0x5], $0x80, v3, vm0, $0xb8;
	[tilespmem:$0x18800] =	vst v63  }
0x67: {  	s22 =	simm.s32 $0xC000  }
0x68: {  	[hbm4b:s7+s2] =	stream.indirect_vreg.scatter [tilespmem:s22], [sflag:$0x5], $0x80, v3, vm0, $0xb8;
	[tilespmem:$0x18800] =	vst v63  }
0x69: {  	v3 =	vld [tilespmem:$0x90];
	_ =	sdelay $0x4  }
0x6a: {  	v43 =	vshll.u32 v3, $0x3  }
0x6b: {  	v3 =	vand.u32 $0x7, v3;
	v4 =	vand.u32 $0xFFFFFFC0, v43  }
0x6c: {  	v3 =	vor.u32 v3, v4  }
0x6d: {  	v4 =	vperm.xlane v3, v0;
	_ =	sdelay $0x1  }
0x6e: {  	v4 =	vadd.s32 v1, v4;
	_ =	sdelay $0x3  }
0x6f: {  	s24 =	simm.s32 $0xC800  }
0x70: {  	[hbm4b:s4+s2] =	stream.indirect_vreg.scatter [tilespmem:s24], [sflag:$0x5], $0x80, v4, vm0, $0xb8;
	[tilespmem:$0x18800] =	vst v63  }
0x71: {  	s29 =	simm.s32 $0xD000;
	v3 =	vperm.xlane v3, v2  }
0x72: {  	[hbm4b:s5+s2] =	stream.indirect_vreg.scatter [tilespmem:s29], [sflag:$0x5], $0x80, v4, vm0, $0xb8;
	[tilespmem:$0x18800] =	vst v63  }
0x73: {  	s9 =	simm.s32 $0xD800;
	v3 =	vadd.s32 v1, v3  }
0x74: {  	[hbm4b:s6+s2] =	stream.indirect_vreg.scatter [tilespmem:s9], [sflag:$0x5], $0x80, v4, vm0, $0xb8;
	[tilespmem:$0x18800] =	vst v63  }
0x75: {  	s10 =	simm.s32 $0xE000  }
0x76: {  	[hbm4b:s7+s2] =	stream.indirect_vreg.scatter [tilespmem:s10], [sflag:$0x5], $0x80, v4, vm0, $0xb8;
	[tilespmem:$0x18800] =	vst v63  }
0x77: {  	s13 =	simm.s32 $0xE800  }
0x78: {  	[hbm4b:s4+s2] =	stream.indirect_vreg.scatter [tilespmem:s13], [sflag:$0x5], $0x80, v3, vm0, $0xb8;
	[tilespmem:$0x18800] =	vst v63  }
0x79: {  	s17 =	simm.s32 $0xF000  }
0x7a: {  	[hbm4b:s5+s2] =	stream.indirect_vreg.scatter [tilespmem:s17], [sflag:$0x5], $0x80, v3, vm0, $0xb8;
	[tilespmem:$0x18800] =	vst v63  }
0x7b: {  	s18 =	simm.s32 $0xF800  }
0x7c: {  	[hbm4b:s6+s2] =	stream.indirect_vreg.scatter [tilespmem:s18], [sflag:$0x5], $0x80, v3, vm0, $0xb8;
	[tilespmem:$0x18800] =	vst v63  }
0x7d: {  	s21 =	simm.s32 $0x10000  }
0x7e: {  	[hbm4b:s7+s2] =	stream.indirect_vreg.scatter [tilespmem:s21], [sflag:$0x5], $0x80, v3, vm0, $0xb8;
	[tilespmem:$0x18800] =	vst v63  }
0x7f: {  	_ =	swait.ge [sflag:s25], $0x8000  }
0x80: {  	[sflag:s25] =	ssyncset.done $0x0  }
0x81: {  	s22 =	rddreg [dreg:$0x6];
	[sflag:s25] =	ssyncadd.s32 $0xFFFF8000  }
0x82: {  	[tilespmem:s3], [sflag:$0x2] =	stream.linear.gather [hbm4b:s22+s2], $0x8000, $0x38;
	[tilespmem:$0x18800] =	vst v63  }
0x83: {  	_ =	swait.ge [sflag:s26], $0x8000  }
0x84: {  	[sflag:s26] =	ssyncset.done $0x0  }
0x85: {  	[sflag:s26] =	ssyncadd.s32 $0xFFFF8000  }
0x86: {  	v3 =	vld [tilespmem:$0x100];
	_ =	sdelay $0x4  }
0x87: {  	v44 =	vshll.u32 v3, $0x3  }
0x88: {  	v3 =	vand.u32 $0x7, v3;
	v4 =	vand.u32 $0xFFFFFFC0, v44  }
0x89: {  	v3 =	vor.u32 v3, v4  }
0x8a: {  	v4 =	vperm.xlane v3, v0;
	_ =	sdelay $0x1  }
0x8b: {  	v4 =	vadd.s32 v1, v4;
	_ =	sdelay $0x3  }
0x8c: {  	s0 =	simm.s32 $0x10800  }
0x8d: {  	[hbm4b:s4+s2] =	stream.indirect_vreg.scatter [tilespmem:s0], [sflag:$0x6], $0x80, v4, vm0, $0xb8;
	[tilespmem:$0x18800] =	vst v63  }
0x8e: {  	s24 =	simm.s32 $0x11000;
	v3 =	vperm.xlane v3, v2  }
0x8f: {  	[hbm4b:s5+s2] =	stream.indirect_vreg.scatter [tilespmem:s24], [sflag:$0x6], $0x80, v4, vm0, $0xb8;
	[tilespmem:$0x18800] =	vst v63  }
0x90: {  	s29 =	simm.s32 $0x11800;
	v3 =	vadd.s32 v1, v3  }
0x91: {  	[hbm4b:s6+s2] =	stream.indirect_vreg.scatter [tilespmem:s29], [sflag:$0x6], $0x80, v4, vm0, $0xb8;
	[tilespmem:$0x18800] =	vst v63  }
0x92: {  	s9 =	simm.s32 $0x12000  }
0x93: {  	[hbm4b:s7+s2] =	stream.indirect_vreg.scatter [tilespmem:s9], [sflag:$0x6], $0x80, v4, vm0, $0xb8;
	[tilespmem:$0x18800] =	vst v63  }
0x94: {  	s10 =	simm.s32 $0x12800  }
0x95: {  	[hbm4b:s4+s2] =	stream.indirect_vreg.scatter [tilespmem:s10], [sflag:$0x6], $0x80, v3, vm0, $0xb8;
	[tilespmem:$0x18800] =	vst v63  }
0x96: {  	s13 =	simm.s32 $0x13000  }
0x97: {  	[hbm4b:s5+s2] =	stream.indirect_vreg.scatter [tilespmem:s13], [sflag:$0x6], $0x80, v3, vm0, $0xb8;
	[tilespmem:$0x18800] =	vst v63  }
0x98: {  	s17 =	simm.s32 $0x13800  }
0x99: {  	[hbm4b:s6+s2] =	stream.indirect_vreg.scatter [tilespmem:s17], [sflag:$0x6], $0x80, v3, vm0, $0xb8;
	[tilespmem:$0x18800] =	vst v63  }
0x9a: {  	s18 =	simm.s32 $0x14000  }
0x9b: {  	[hbm4b:s7+s2] =	stream.indirect_vreg.scatter [tilespmem:s18], [sflag:$0x6], $0x80, v3, vm0, $0xb8;
	[tilespmem:$0x18800] =	vst v63  }
0x9c: {  	v3 =	vld [tilespmem:$0x110];
	_ =	sdelay $0x4  }
0x9d: {  	v45 =	vshll.u32 v3, $0x3  }
0x9e: {  	v3 =	vand.u32 $0x7, v3;
	v4 =	vand.u32 $0xFFFFFFC0, v45  }
0x9f: {  	v3 =	vor.u32 v3, v4  }
0xa0: {  	v4 =	vperm.xlane v3, v0;
	_ =	sdelay $0x1  }
0xa1: {  	v4 =	vadd.s32 v1, v4;
	_ =	sdelay $0x3  }
0xa2: {  	s21 =	simm.s32 $0x14800  }
0xa3: {  	[hbm4b:s4+s2] =	stream.indirect_vreg.scatter [tilespmem:s21], [sflag:$0x6], $0x80, v4, vm0, $0xb8;
	[tilespmem:$0x18800] =	vst v63  }
0xa4: {  	s22 =	simm.s32 $0x15000;
	v3 =	vperm.xlane v3, v2  }
0xa5: {  	[hbm4b:s5+s2] =	stream.indirect_vreg.scatter [tilespmem:s22], [sflag:$0x6], $0x80, v4, vm0, $0xb8;
	[tilespmem:$0x18800] =	vst v63  }
0xa6: {  	s24 =	simm.s32 $0x15800;
	v3 =	vadd.s32 v1, v3  }
0xa7: {  	[hbm4b:s6+s2] =	stream.indirect_vreg.scatter [tilespmem:s24], [sflag:$0x6], $0x80, v4, vm0, $0xb8;
	[tilespmem:$0x18800] =	vst v63  }
0xa8: {  	s29 =	simm.s32 $0x16000  }
0xa9: {  	[hbm4b:s7+s2] =	stream.indirect_vreg.scatter [tilespmem:s29], [sflag:$0x6], $0x80, v4, vm0, $0xb8;
	[tilespmem:$0x18800] =	vst v63  }
0xaa: {  	s9 =	simm.s32 $0x16800  }
0xab: {  	[hbm4b:s4+s2] =	stream.indirect_vreg.scatter [tilespmem:s9], [sflag:$0x6], $0x80, v3, vm0, $0xb8;
	[tilespmem:$0x18800] =	vst v63  }
0xac: {  	s10 =	simm.s32 $0x17000  }
0xad: {  	[hbm4b:s5+s2] =	stream.indirect_vreg.scatter [tilespmem:s10], [sflag:$0x6], $0x80, v3, vm0, $0xb8;
	[tilespmem:$0x18800] =	vst v63  }
0xae: {  	s13 =	simm.s32 $0x17800  }
0xaf: {  	[hbm4b:s6+s2] =	stream.indirect_vreg.scatter [tilespmem:s13], [sflag:$0x6], $0x80, v3, vm0, $0xb8;
	[tilespmem:$0x18800] =	vst v63  }
0xb0: {  	s17 =	simm.s32 $0x18000  }
0xb1: {  	[hbm4b:s7+s2] =	stream.indirect_vreg.scatter [tilespmem:s17], [sflag:$0x6], $0x80, v3, vm0, $0xb8;
	[tilespmem:$0x18800] =	vst v63  }
0xb2: {  	_ =	swait.ge [sflag:s23], $0x8000  }
0xb3: {  	[sflag:s23] =	ssyncset.done $0x0  }
0xb4: {  	s18 =	rddreg [dreg:$0x7];
	[sflag:s23] =	ssyncadd.s32 $0xFFFF8000  }
0xb5: {  	[tilespmem:s0], [sflag:$0x3] =	stream.linear.gather [hbm4b:s18+s2], $0x8000, $0x38;
	[tilespmem:$0x18800] =	vst v63  }
0xb6: {  	_ =	swait.ge [sflag:s12], $0x8000  }
0xb7: {  	[sflag:s12] =	ssyncset.done $0x0  }
0xb8: {  	[sflag:s12] =	ssyncadd.s32 $0xFFFF8000  }
0xb9: {  	v3 =	vld [tilespmem:$0x180];
	_ =	sdelay $0x4  }
0xba: {  	v46 =	vshll.u32 v3, $0x3  }
0xbb: {  	v3 =	vand.u32 $0x7, v3;
	v4 =	vand.u32 $0xFFFFFFC0, v46  }
0xbc: {  	v3 =	vor.u32 v3, v4  }
0xbd: {  	v4 =	vperm.xlane v3, v0;
	_ =	sdelay $0x1  }
0xbe: {  	v4 =	vadd.s32 v1, v4;
	_ =	sdelay $0x4  }
0xbf: {  	[hbm4b:s4+s2] =	stream.indirect_vreg.scatter [tilespmem:s11], [sflag:$0x4], $0x80, v4, vm0, $0xb8;
	[tilespmem:$0x18800] =	vst v63  }
0xc0: {  	s1 =	simm.s32 $0x1000;
	v3 =	vperm.xlane v3, v2  }
0xc1: {  	[hbm4b:s5+s2] =	stream.indirect_vreg.scatter [tilespmem:s1], [sflag:$0x4], $0x80, v4, vm0, $0xb8;
	[tilespmem:$0x18800] =	vst v63  }
0xc2: {  	s21 =	simm.s32 $0x1800;
	v3 =	vadd.s32 v1, v3  }
0xc3: {  	[hbm4b:s6+s2] =	stream.indirect_vreg.scatter [tilespmem:s21], [sflag:$0x4], $0x80, v4, vm0, $0xb8;
	[tilespmem:$0x18800] =	vst v63  }
0xc4: {  	s1 =	simm.s32 $0x2000  }
0xc5: {  	[hbm4b:s7+s2] =	stream.indirect_vreg.scatter [tilespmem:s1], [sflag:$0x4], $0x80, v4, vm0, $0xb8;
	[tilespmem:$0x18800] =	vst v63  }
0xc6: {  	s3 =	simm.s32 $0x2800  }
0xc7: {  	[hbm4b:s4+s2] =	stream.indirect_vreg.scatter [tilespmem:s3], [sflag:$0x4], $0x80, v3, vm0, $0xb8;
	[tilespmem:$0x18800] =	vst v63  }
0xc8: {  	s9 =	simm.s32 $0x3000  }
0xc9: {  	[hbm4b:s5+s2] =	stream.indirect_vreg.scatter [tilespmem:s9], [sflag:$0x4], $0x80, v3, vm0, $0xb8;
	[tilespmem:$0x18800] =	vst v63  }
0xca: {  	s10 =	simm.s32 $0x3800  }
0xcb: {  	[hbm4b:s6+s2] =	stream.indirect_vreg.scatter [tilespmem:s10], [sflag:$0x4], $0x80, v3, vm0, $0xb8;
	[tilespmem:$0x18800] =	vst v63  }
0xcc: {  	s14 =	simm.s32 $0x4000  }
0xcd: {  	[hbm4b:s7+s2] =	stream.indirect_vreg.scatter [tilespmem:s14], [sflag:$0x4], $0x80, v3, vm0, $0xb8;
	[tilespmem:$0x18800] =	vst v63  }
0xce: {  	v3 =	vld [tilespmem:$0x190];
	_ =	sdelay $0x4  }
0xcf: {  	v47 =	vshll.u32 v3, $0x3  }
0xd0: {  	v3 =	vand.u32 $0x7, v3;
	v4 =	vand.u32 $0xFFFFFFC0, v47  }
0xd1: {  	v3 =	vor.u32 v3, v4  }
0xd2: {  	v4 =	vperm.xlane v3, v0;
	_ =	sdelay $0x1  }
0xd3: {  	v4 =	vadd.s32 v1, v4;
	_ =	sdelay $0x3  }
0xd4: {  	s15 =	simm.s32 $0x4800  }
0xd5: {  	[hbm4b:s4+s2] =	stream.indirect_vreg.scatter [tilespmem:s15], [sflag:$0x4], $0x80, v4, vm0, $0xb8;
	[tilespmem:$0x18800] =	vst v63  }
0xd6: {  	s16 =	simm.s32 $0x5000;
	v3 =	vperm.xlane v3, v2  }
0xd7: {  	[hbm4b:s5+s2] =	stream.indirect_vreg.scatter [tilespmem:s16], [sflag:$0x4], $0x80, v4, vm0, $0xb8;
	[tilespmem:$0x18800] =	vst v63  }
0xd8: {  	s14 =	simm.s32 $0x5800;
	v3 =	vadd.s32 v1, v3  }
0xd9: {  	[hbm4b:s6+s2] =	stream.indirect_vreg.scatter [tilespmem:s14], [sflag:$0x4], $0x80, v4, vm0, $0xb8;
	[tilespmem:$0x18800] =	vst v63  }
0xda: {  	s15 =	simm.s32 $0x6000  }
0xdb: {  	[hbm4b:s7+s2] =	stream.indirect_vreg.scatter [tilespmem:s15], [sflag:$0x4], $0x80, v4, vm0, $0xb8;
	[tilespmem:$0x18800] =	vst v63  }
0xdc: {  	s16 =	simm.s32 $0x6800  }
0xdd: {  	[hbm4b:s4+s2] =	stream.indirect_vreg.scatter [tilespmem:s16], [sflag:$0x4], $0x80, v3, vm0, $0xb8;
	[tilespmem:$0x18800] =	vst v63  }
0xde: {  	s17 =	simm.s32 $0x7000  }
0xdf: {  	[hbm4b:s5+s2] =	stream.indirect_vreg.scatter [tilespmem:s17], [sflag:$0x4], $0x80, v3, vm0, $0xb8;
	[tilespmem:$0x18800] =	vst v63  }
0xe0: {  	s18 =	simm.s32 $0x7800  }
0xe1: {  	[hbm4b:s6+s2] =	stream.indirect_vreg.scatter [tilespmem:s18], [sflag:$0x4], $0x80, v3, vm0, $0xb8;
	[tilespmem:$0x18800] =	vst v63  }
0xe2: {  	s20 =	simm.s32 $0x8000  }
0xe3: {  	[hbm4b:s7+s2] =	stream.indirect_vreg.scatter [tilespmem:s20], [sflag:$0x4], $0x80, v3, vm0, $0xb8;
	[tilespmem:$0x18800] =	vst v63  }
0xe4: {  	_ =	swait.ge [sflag:s30], $0x8000  }
0xe5: {  	[sflag:s30] =	ssyncset.done $0x0  }
0xe6: {  	s22 =	rddreg [dreg:$0x8];
	[sflag:s30] =	ssyncadd.s32 $0xFFFF8000  }
0xe7: {  	[tilespmem:s11], [sflag:$0x1] =	stream.linear.gather [hbm4b:s22+s2], $0x8000, $0x38;
	[tilespmem:$0x18800] =	vst v63  }
0xe8: {  	_ =	swait.ge [sflag:s31], $0x8000  }
0xe9: {  	[sflag:s31] =	ssyncset.done $0x0  }
0xea: {  	[sflag:s31] =	ssyncadd.s32 $0xFFFF8000  }
0xeb: {  	v3 =	vld [tilespmem:$0x200];
	_ =	sdelay $0x4  }
0xec: {  	v48 =	vshll.u32 v3, $0x3  }
0xed: {  	v3 =	vand.u32 $0x7, v3;
	v4 =	vand.u32 $0xFFFFFFC0, v48  }
0xee: {  	v3 =	vor.u32 v3, v4  }
0xef: {  	v4 =	vperm.xlane v3, v0;
	_ =	sdelay $0x1  }
0xf0: {  	v4 =	vadd.s32 v1, v4;
	_ =	sdelay $0x3  }
0xf1: {  	s29 =	simm.s32 $0x8800  }
0xf2: {  	[hbm4b:s4+s2] =	stream.indirect_vreg.scatter [tilespmem:s29], [sflag:$0x5], $0x80, v4, vm0, $0xb8;
	[tilespmem:$0x18800] =	vst v63  }
0xf3: {  	s19 =	simm.s32 $0x9000;
	v3 =	vperm.xlane v3, v2  }
0xf4: {  	[hbm4b:s5+s2] =	stream.indirect_vreg.scatter [tilespmem:s19], [sflag:$0x5], $0x80, v4, vm0, $0xb8;
	[tilespmem:$0x18800] =	vst v63  }
0xf5: {  	s20 =	simm.s32 $0x9800;
	v3 =	vadd.s32 v1, v3  }
0xf6: {  	[hbm4b:s6+s2] =	stream.indirect_vreg.scatter [tilespmem:s20], [sflag:$0x5], $0x80, v4, vm0, $0xb8;
	[tilespmem:$0x18800] =	vst v63  }
0xf7: {  	s19 =	simm.s32 $0xA000  }
0xf8: {  	[hbm4b:s7+s2] =	stream.indirect_vreg.scatter [tilespmem:s19], [sflag:$0x5], $0x80, v4, vm0, $0xb8;
	[tilespmem:$0x18800] =	vst v63  }
0xf9: {  	s21 =	simm.s32 $0xA800  }
0xfa: {  	[hbm4b:s4+s2] =	stream.indirect_vreg.scatter [tilespmem:s21], [sflag:$0x5], $0x80, v3, vm0, $0xb8;
	[tilespmem:$0x18800] =	vst v63  }
0xfb: {  	s22 =	simm.s32 $0xB000  }
0xfc: {  	[hbm4b:s5+s2] =	stream.indirect_vreg.scatter [tilespmem:s22], [sflag:$0x5], $0x80, v3, vm0, $0xb8;
	[tilespmem:$0x18800] =	vst v63  }
0xfd: {  	s13 =	simm.s32 $0xB800  }
0xfe: {  	[hbm4b:s6+s2] =	stream.indirect_vreg.scatter [tilespmem:s13], [sflag:$0x5], $0x80, v3, vm0, $0xb8;
	[tilespmem:$0x18800] =	vst v63  }
0xff: {  	s28 =	simm.s32 $0xC000  }
0x100: {  	[hbm4b:s7+s2] =	stream.indirect_vreg.scatter [tilespmem:s28], [sflag:$0x5], $0x80, v3, vm0, $0xb8;
	[tilespmem:$0x18800] =	vst v63  }
0x101: {  	v3 =	vld [tilespmem:$0x210];
	_ =	sdelay $0x4  }
0x102: {  	v49 =	vshll.u32 v3, $0x3  }
0x103: {  	v3 =	vand.u32 $0x7, v3;
	v4 =	vand.u32 $0xFFFFFFC0, v49  }
0x104: {  	v3 =	vor.u32 v3, v4  }
0x105: {  	v4 =	vperm.xlane v3, v0;
	_ =	sdelay $0x1  }
0x106: {  	v4 =	vadd.s32 v1, v4;
	_ =	sdelay $0x3  }
0x107: {  	s28 =	simm.s32 $0xC800  }
0x108: {  	[hbm4b:s4+s2] =	stream.indirect_vreg.scatter [tilespmem:s28], [sflag:$0x5], $0x80, v4, vm0, $0xb8;
	[tilespmem:$0x18800] =	vst v63  }
0x109: {  	v3 =	vperm.xlane v3, v2;
	s28 =	simm.s32 $0xD000  }
0x10a: {  	[hbm4b:s5+s2] =	stream.indirect_vreg.scatter [tilespmem:s28], [sflag:$0x5], $0x80, v4, vm0, $0xb8;
	[tilespmem:$0x18800] =	vst v63  }
0x10b: {  	v3 =	vadd.s32 v1, v3;
	s28 =	simm.s32 $0xD800  }
0x10c: {  	[hbm4b:s6+s2] =	stream.indirect_vreg.scatter [tilespmem:s28], [sflag:$0x5], $0x80, v4, vm0, $0xb8;
	[tilespmem:$0x18800] =	vst v63  }
0x10d: {  	s24 =	simm.s32 $0xE000  }
0x10e: {  	[hbm4b:s7+s2] =	stream.indirect_vreg.scatter [tilespmem:s24], [sflag:$0x5], $0x80, v4, vm0, $0xb8;
	[tilespmem:$0x18800] =	vst v63  }
0x10f: {  	s24 =	simm.s32 $0xE800  }
0x110: {  	[hbm4b:s4+s2] =	stream.indirect_vreg.scatter [tilespmem:s24], [sflag:$0x5], $0x80, v3, vm0, $0xb8;
	[tilespmem:$0x18800] =	vst v63  }
0x111: {  	s24 =	simm.s32 $0xF000  }
0x112: {  	[hbm4b:s5+s2] =	stream.indirect_vreg.scatter [tilespmem:s24], [sflag:$0x5], $0x80, v3, vm0, $0xb8;
	[tilespmem:$0x18800] =	vst v63  }
0x113: {  	s24 =	simm.s32 $0xF800  }
0x114: {  	[hbm4b:s6+s2] =	stream.indirect_vreg.scatter [tilespmem:s24], [sflag:$0x5], $0x80, v3, vm0, $0xb8;
	[tilespmem:$0x18800] =	vst v63  }
0x115: {  	s24 =	simm.s32 $0x10000  }
0x116: {  	[hbm4b:s7+s2] =	stream.indirect_vreg.scatter [tilespmem:s24], [sflag:$0x5], $0x80, v3, vm0, $0xb8;
	[tilespmem:$0x18800] =	vst v63  }
0x117: {  	_ =	swait.ge [sflag:s25], $0x8000  }
0x118: {  	[sflag:s25] =	ssyncset.done $0x0  }
0x119: {  	s24 =	rddreg [dreg:$0x9];
	[sflag:s25] =	ssyncadd.s32 $0xFFFF8000  }
0x11a: {  	[tilespmem:s29], [sflag:$0x2] =	stream.linear.gather [hbm4b:s24+s2], $0x8000, $0x38;
	[tilespmem:$0x18800] =	vst v63  }
0x11b: {  	_ =	swait.ge [sflag:s26], $0x8000  }
0x11c: {  	[sflag:s26] =	ssyncset.done $0x0  }
0x11d: {  	[sflag:s26] =	ssyncadd.s32 $0xFFFF8000  }
0x11e: {  	v3 =	vld [tilespmem:$0x280];
	_ =	sdelay $0x4  }
0x11f: {  	v50 =	vshll.u32 v3, $0x3  }
0x120: {  	v3 =	vand.u32 $0x7, v3;
	v4 =	vand.u32 $0xFFFFFFC0, v50  }
0x121: {  	v3 =	vor.u32 v3, v4  }
0x122: {  	v4 =	vperm.xlane v3, v0;
	_ =	sdelay $0x1  }
0x123: {  	v4 =	vadd.s32 v1, v4;
	_ =	sdelay $0x3  }
0x124: {  	s0 =	simm.s32 $0x10800  }
0x125: {  	[hbm4b:s4+s2] =	stream.indirect_vreg.scatter [tilespmem:s0], [sflag:$0x6], $0x80, v4, vm0, $0xb8;
	[tilespmem:$0x18800] =	vst v63  }
0x126: {  	s24 =	simm.s32 $0x11000;
	v3 =	vperm.xlane v3, v2  }
0x127: {  	[hbm4b:s5+s2] =	stream.indirect_vreg.scatter [tilespmem:s24], [sflag:$0x6], $0x80, v4, vm0, $0xb8;
	[tilespmem:$0x18800] =	vst v63  }
0x128: {  	v3 =	vadd.s32 v1, v3;
	s24 =	simm.s32 $0x11800  }
0x129: {  	[hbm4b:s6+s2] =	stream.indirect_vreg.scatter [tilespmem:s24], [sflag:$0x6], $0x80, v4, vm0, $0xb8;
	[tilespmem:$0x18800] =	vst v63  }
0x12a: {  	s24 =	simm.s32 $0x12000  }
0x12b: {  	[hbm4b:s7+s2] =	stream.indirect_vreg.scatter [tilespmem:s24], [sflag:$0x6], $0x80, v4, vm0, $0xb8;
	[tilespmem:$0x18800] =	vst v63  }
0x12c: {  	s24 =	simm.s32 $0x12800  }
0x12d: {  	[hbm4b:s4+s2] =	stream.indirect_vreg.scatter [tilespmem:s24], [sflag:$0x6], $0x80, v3, vm0, $0xb8;
	[tilespmem:$0x18800] =	vst v63  }
0x12e: {  	s24 =	simm.s32 $0x13000  }
0x12f: {  	[hbm4b:s5+s2] =	stream.indirect_vreg.scatter [tilespmem:s24], [sflag:$0x6], $0x80, v3, vm0, $0xb8;
	[tilespmem:$0x18800] =	vst v63  }
0x130: {  	s24 =	simm.s32 $0x13800  }
0x131: {  	[hbm4b:s6+s2] =	stream.indirect_vreg.scatter [tilespmem:s24], [sflag:$0x6], $0x80, v3, vm0, $0xb8;
	[tilespmem:$0x18800] =	vst v63  }
0x132: {  	s24 =	simm.s32 $0x14000  }
0x133: {  	[hbm4b:s7+s2] =	stream.indirect_vreg.scatter [tilespmem:s24], [sflag:$0x6], $0x80, v3, vm0, $0xb8;
	[tilespmem:$0x18800] =	vst v63  }
0x134: {  	v3 =	vld [tilespmem:$0x290];
	_ =	sdelay $0x4  }
0x135: {  	v51 =	vshll.u32 v3, $0x3  }
0x136: {  	v3 =	vand.u32 $0x7, v3;
	v4 =	vand.u32 $0xFFFFFFC0, v51  }
0x137: {  	v3 =	vor.u32 v3, v4  }
0x138: {  	v4 =	vperm.xlane v3, v0;
	_ =	sdelay $0x1  }
0x139: {  	v4 =	vadd.s32 v1, v4;
	_ =	sdelay $0x3  }
0x13a: {  	s24 =	simm.s32 $0x14800  }
0x13b: {  	[hbm4b:s4+s2] =	stream.indirect_vreg.scatter [tilespmem:s24], [sflag:$0x6], $0x80, v4, vm0, $0xb8;
	[tilespmem:$0x18800] =	vst v63  }
0x13c: {  	v3 =	vperm.xlane v3, v2;
	s24 =	simm.s32 $0x15000  }
0x13d: {  	[hbm4b:s5+s2] =	stream.indirect_vreg.scatter [tilespmem:s24], [sflag:$0x6], $0x80, v4, vm0, $0xb8;
	[tilespmem:$0x18800] =	vst v63  }
0x13e: {  	v3 =	vadd.s32 v1, v3;
	s24 =	simm.s32 $0x15800  }
0x13f: {  	[hbm4b:s6+s2] =	stream.indirect_vreg.scatter [tilespmem:s24], [sflag:$0x6], $0x80, v4, vm0, $0xb8;
	[tilespmem:$0x18800] =	vst v63  }
0x140: {  	s24 =	simm.s32 $0x16000  }
0x141: {  	[hbm4b:s7+s2] =	stream.indirect_vreg.scatter [tilespmem:s24], [sflag:$0x6], $0x80, v4, vm0, $0xb8;
	[tilespmem:$0x18800] =	vst v63  }
0x142: {  	s24 =	simm.s32 $0x16800  }
0x143: {  	[hbm4b:s4+s2] =	stream.indirect_vreg.scatter [tilespmem:s24], [sflag:$0x6], $0x80, v3, vm0, $0xb8;
	[tilespmem:$0x18800] =	vst v63  }
0x144: {  	s24 =	simm.s32 $0x17000  }
0x145: {  	[hbm4b:s5+s2] =	stream.indirect_vreg.scatter [tilespmem:s24], [sflag:$0x6], $0x80, v3, vm0, $0xb8;
	[tilespmem:$0x18800] =	vst v63  }
0x146: {  	s24 =	simm.s32 $0x17800  }
0x147: {  	[hbm4b:s6+s2] =	stream.indirect_vreg.scatter [tilespmem:s24], [sflag:$0x6], $0x80, v3, vm0, $0xb8;
	[tilespmem:$0x18800] =	vst v63  }
0x148: {  	s24 =	simm.s32 $0x18000  }
0x149: {  	[hbm4b:s7+s2] =	stream.indirect_vreg.scatter [tilespmem:s24], [sflag:$0x6], $0x80, v3, vm0, $0xb8;
	[tilespmem:$0x18800] =	vst v63  }
0x14a: {  	_ =	swait.ge [sflag:s23], $0x8000  }
0x14b: {  	[sflag:s23] =	ssyncset.done $0x0  }
0x14c: {  	s24 =	rddreg [dreg:$0xa];
	[sflag:s23] =	ssyncadd.s32 $0xFFFF8000  }
0x14d: {  	[tilespmem:s0], [sflag:$0x3] =	stream.linear.gather [hbm4b:s24+s2], $0x8000, $0x38;
	[tilespmem:$0x18800] =	vst v63  }
0x14e: {  	_ =	swait.ge [sflag:s12], $0x8000  }
0x14f: {  	[sflag:s12] =	ssyncset.done $0x0  }
0x150: {  	[sflag:s12] =	ssyncadd.s32 $0xFFFF8000  }
0x151: {  	v3 =	vld [tilespmem:$0x300];
	_ =	sdelay $0x4  }
0x152: {  	v52 =	vshll.u32 v3, $0x3  }
0x153: {  	v3 =	vand.u32 $0x7, v3;
	v4 =	vand.u32 $0xFFFFFFC0, v52  }
0x154: {  	v3 =	vor.u32 v3, v4  }
0x155: {  	v4 =	vperm.xlane v3, v0;
	_ =	sdelay $0x1  }
0x156: {  	v4 =	vadd.s32 v1, v4;
	_ =	sdelay $0x4  }
0x157: {  	[hbm4b:s4+s2] =	stream.indirect_vreg.scatter [tilespmem:s11], [sflag:$0x4], $0x80, v4, vm0, $0xb8;
	[tilespmem:$0x18800] =	vst v63  }
0x158: {  	s24 =	simm.s32 $0x1000;
	v3 =	vperm.xlane v3, v2  }
0x159: {  	[hbm4b:s5+s2] =	stream.indirect_vreg.scatter [tilespmem:s24], [sflag:$0x4], $0x80, v4, vm0, $0xb8;
	[tilespmem:$0x18800] =	vst v63  }
0x15a: {  	v3 =	vadd.s32 v1, v3;
	s24 =	simm.s32 $0x1800  }
0x15b: {  	[hbm4b:s6+s2] =	stream.indirect_vreg.scatter [tilespmem:s24], [sflag:$0x4], $0x80, v4, vm0, $0xb8;
	[tilespmem:$0x18800] =	vst v63  }
0x15c: {  	_ = 	snop  }
0x15d: {  	[hbm4b:s7+s2] =	stream.indirect_vreg.scatter [tilespmem:s1], [sflag:$0x4], $0x80, v4, vm0, $0xb8;
	[tilespmem:$0x18800] =	vst v63  }
0x15e: {  	_ = 	snop  }
0x15f: {  	[hbm4b:s4+s2] =	stream.indirect_vreg.scatter [tilespmem:s3], [sflag:$0x4], $0x80, v3, vm0, $0xb8;
	[tilespmem:$0x18800] =	vst v63  }
0x160: {  	_ = 	snop  }
0x161: {  	[hbm4b:s5+s2] =	stream.indirect_vreg.scatter [tilespmem:s9], [sflag:$0x4], $0x80, v3, vm0, $0xb8;
	[tilespmem:$0x18800] =	vst v63  }
0x162: {  	_ = 	snop  }
0x163: {  	[hbm4b:s6+s2] =	stream.indirect_vreg.scatter [tilespmem:s10], [sflag:$0x4], $0x80, v3, vm0, $0xb8;
	[tilespmem:$0x18800] =	vst v63  }
0x164: {  	s3 =	simm.s32 $0x4000  }
0x165: {  	[hbm4b:s7+s2] =	stream.indirect_vreg.scatter [tilespmem:s3], [sflag:$0x4], $0x80, v3, vm0, $0xb8;
	[tilespmem:$0x18800] =	vst v63  }
0x166: {  	v3 =	vld [tilespmem:$0x310];
	_ =	sdelay $0x4  }
0x167: {  	v53 =	vshll.u32 v3, $0x3  }
0x168: {  	v3 =	vand.u32 $0x7, v3;
	v4 =	vand.u32 $0xFFFFFFC0, v53  }
0x169: {  	v3 =	vor.u32 v3, v4  }
0x16a: {  	v4 =	vperm.xlane v3, v0;
	_ =	sdelay $0x1  }
0x16b: {  	v4 =	vadd.s32 v1, v4;
	_ =	sdelay $0x3  }
0x16c: {  	s9 =	simm.s32 $0x4800  }
0x16d: {  	[hbm4b:s4+s2] =	stream.indirect_vreg.scatter [tilespmem:s9], [sflag:$0x4], $0x80, v4, vm0, $0xb8;
	[tilespmem:$0x18800] =	vst v63  }
0x16e: {  	s10 =	simm.s32 $0x5000;
	v3 =	vperm.xlane v3, v2  }
0x16f: {  	[hbm4b:s5+s2] =	stream.indirect_vreg.scatter [tilespmem:s10], [sflag:$0x4], $0x80, v4, vm0, $0xb8;
	[tilespmem:$0x18800] =	vst v63  }
0x170: {  	v3 =	vadd.s32 v1, v3  }
0x171: {  	[hbm4b:s6+s2] =	stream.indirect_vreg.scatter [tilespmem:s14], [sflag:$0x4], $0x80, v4, vm0, $0xb8;
	[tilespmem:$0x18800] =	vst v63  }
0x172: {  	_ = 	snop  }
0x173: {  	[hbm4b:s7+s2] =	stream.indirect_vreg.scatter [tilespmem:s15], [sflag:$0x4], $0x80, v4, vm0, $0xb8;
	[tilespmem:$0x18800] =	vst v63  }
0x174: {  	_ = 	snop  }
0x175: {  	[hbm4b:s4+s2] =	stream.indirect_vreg.scatter [tilespmem:s16], [sflag:$0x4], $0x80, v3, vm0, $0xb8;
	[tilespmem:$0x18800] =	vst v63  }
0x176: {  	_ = 	snop  }
0x177: {  	[hbm4b:s5+s2] =	stream.indirect_vreg.scatter [tilespmem:s17], [sflag:$0x4], $0x80, v3, vm0, $0xb8;
	[tilespmem:$0x18800] =	vst v63  }
0x178: {  	_ = 	snop  }
0x179: {  	[hbm4b:s6+s2] =	stream.indirect_vreg.scatter [tilespmem:s18], [sflag:$0x4], $0x80, v3, vm0, $0xb8;
	[tilespmem:$0x18800] =	vst v63  }
0x17a: {  	s24 =	simm.s32 $0x8000  }
0x17b: {  	[hbm4b:s7+s2] =	stream.indirect_vreg.scatter [tilespmem:s24], [sflag:$0x4], $0x80, v3, vm0, $0xb8;
	[tilespmem:$0x18800] =	vst v63  }
0x17c: {  	_ =	swait.ge [sflag:s30], $0x8000  }
0x17d: {  	[sflag:s30] =	ssyncset.done $0x0  }
0x17e: {  	s1 =	rddreg [dreg:$0xb];
	[sflag:s30] =	ssyncadd.s32 $0xFFFF8000  }
0x17f: {  	[tilespmem:s11], [sflag:$0x1] =	stream.linear.gather [hbm4b:s1+s2], $0x8000, $0x38;
	[tilespmem:$0x18800] =	vst v63  }
0x180: {  	_ =	swait.ge [sflag:s31], $0x8000  }
0x181: {  	[sflag:s31] =	ssyncset.done $0x0  }
0x182: {  	[sflag:s31] =	ssyncadd.s32 $0xFFFF8000  }
0x183: {  	v3 =	vld [tilespmem:$0x380];
	_ =	sdelay $0x4  }
0x184: {  	v54 =	vshll.u32 v3, $0x3  }
0x185: {  	v3 =	vand.u32 $0x7, v3;
	v4 =	vand.u32 $0xFFFFFFC0, v54  }
0x186: {  	v3 =	vor.u32 v3, v4  }
0x187: {  	v4 =	vperm.xlane v3, v0;
	_ =	sdelay $0x1  }
0x188: {  	v4 =	vadd.s32 v1, v4;
	_ =	sdelay $0x3  }
0x189: {  	s29 =	simm.s32 $0x8800  }
0x18a: {  	[hbm4b:s4+s2] =	stream.indirect_vreg.scatter [tilespmem:s29], [sflag:$0x5], $0x80, v4, vm0, $0xb8;
	[tilespmem:$0x18800] =	vst v63  }
0x18b: {  	s3 =	simm.s32 $0x9000;
	v3 =	vperm.xlane v3, v2  }
0x18c: {  	[hbm4b:s5+s2] =	stream.indirect_vreg.scatter [tilespmem:s3], [sflag:$0x5], $0x80, v4, vm0, $0xb8;
	[tilespmem:$0x18800] =	vst v63  }
0x18d: {  	v3 =	vadd.s32 v1, v3  }
0x18e: {  	[hbm4b:s6+s2] =	stream.indirect_vreg.scatter [tilespmem:s20], [sflag:$0x5], $0x80, v4, vm0, $0xb8;
	[tilespmem:$0x18800] =	vst v63  }
0x18f: {  	_ = 	snop  }
0x190: {  	[hbm4b:s7+s2] =	stream.indirect_vreg.scatter [tilespmem:s19], [sflag:$0x5], $0x80, v4, vm0, $0xb8;
	[tilespmem:$0x18800] =	vst v63  }
0x191: {  	_ = 	snop  }
0x192: {  	[hbm4b:s4+s2] =	stream.indirect_vreg.scatter [tilespmem:s21], [sflag:$0x5], $0x80, v3, vm0, $0xb8;
	[tilespmem:$0x18800] =	vst v63  }
0x193: {  	_ = 	snop  }
0x194: {  	[hbm4b:s5+s2] =	stream.indirect_vreg.scatter [tilespmem:s22], [sflag:$0x5], $0x80, v3, vm0, $0xb8;
	[tilespmem:$0x18800] =	vst v63  }
0x195: {  	_ = 	snop  }
0x196: {  	[hbm4b:s6+s2] =	stream.indirect_vreg.scatter [tilespmem:s13], [sflag:$0x5], $0x80, v3, vm0, $0xb8;
	[tilespmem:$0x18800] =	vst v63  }
0x197: {  	s9 =	simm.s32 $0xC000  }
0x198: {  	[hbm4b:s7+s2] =	stream.indirect_vreg.scatter [tilespmem:s9], [sflag:$0x5], $0x80, v3, vm0, $0xb8;
	[tilespmem:$0x18800] =	vst v63  }
0x199: {  	v3 =	vld [tilespmem:$0x390];
	_ =	sdelay $0x4  }
0x19a: {  	v55 =	vshll.u32 v3, $0x3  }
0x19b: {  	v3 =	vand.u32 $0x7, v3;
	v4 =	vand.u32 $0xFFFFFFC0, v55  }
0x19c: {  	v3 =	vor.u32 v3, v4  }
0x19d: {  	v4 =	vperm.xlane v3, v0;
	_ =	sdelay $0x1  }
0x19e: {  	v4 =	vadd.s32 v1, v4;
	_ =	sdelay $0x3  }
0x19f: {  	s10 =	simm.s32 $0xC800  }
0x1a0: {  	[hbm4b:s4+s2] =	stream.indirect_vreg.scatter [tilespmem:s10], [sflag:$0x5], $0x80, v4, vm0, $0xb8;
	[tilespmem:$0x18800] =	vst v63  }
0x1a1: {  	s13 =	simm.s32 $0xD000;
	v3 =	vperm.xlane v3, v2  }
0x1a2: {  	[hbm4b:s5+s2] =	stream.indirect_vreg.scatter [tilespmem:s13], [sflag:$0x5], $0x80, v4, vm0, $0xb8;
	[tilespmem:$0x18800] =	vst v63  }
0x1a3: {  	v3 =	vadd.s32 v1, v3  }
0x1a4: {  	[hbm4b:s6+s2] =	stream.indirect_vreg.scatter [tilespmem:s28], [sflag:$0x5], $0x80, v4, vm0, $0xb8;
	[tilespmem:$0x18800] =	vst v63  }
0x1a5: {  	s14 =	simm.s32 $0xE000  }
0x1a6: {  	[hbm4b:s7+s2] =	stream.indirect_vreg.scatter [tilespmem:s14], [sflag:$0x5], $0x80, v4, vm0, $0xb8;
	[tilespmem:$0x18800] =	vst v63  }
0x1a7: {  	s0 =	simm.s32 $0xE800  }
0x1a8: {  	[hbm4b:s4+s2] =	stream.indirect_vreg.scatter [tilespmem:s0], [sflag:$0x5], $0x80, v3, vm0, $0xb8;
	[tilespmem:$0x18800] =	vst v63  }
0x1a9: {  	s1 =	simm.s32 $0xF000  }
0x1aa: {  	[hbm4b:s5+s2] =	stream.indirect_vreg.scatter [tilespmem:s1], [sflag:$0x5], $0x80, v3, vm0, $0xb8;
	[tilespmem:$0x18800] =	vst v63  }
0x1ab: {  	s3 =	simm.s32 $0xF800  }
0x1ac: {  	[hbm4b:s6+s2] =	stream.indirect_vreg.scatter [tilespmem:s3], [sflag:$0x5], $0x80, v3, vm0, $0xb8;
	[tilespmem:$0x18800] =	vst v63  }
0x1ad: {  	s9 =	simm.s32 $0x10000  }
0x1ae: {  	[hbm4b:s7+s2] =	stream.indirect_vreg.scatter [tilespmem:s9], [sflag:$0x5], $0x80, v3, vm0, $0xb8;
	[tilespmem:$0x18800] =	vst v63  }
0x1af: {  	_ =	swait.ge [sflag:s25], $0x8000  }
0x1b0: {  	[sflag:s25] =	ssyncset.done $0x0  }
0x1b1: {  	s15 =	rddreg [dreg:$0xc];
	[sflag:s25] =	ssyncadd.s32 $0xFFFF8000  }
0x1b2: {  	[tilespmem:s29], [sflag:$0x2] =	stream.linear.gather [hbm4b:s15+s2], $0x8000, $0x38;
	[tilespmem:$0x18800] =	vst v63  }
0x1b3: {  	_ =	swait.ge [sflag:s26], $0x8000  }
0x1b4: {  	[sflag:s26] =	ssyncset.done $0x0  }
0x1b5: {  	[sflag:s26] =	ssyncadd.s32 $0xFFFF8000  }
0x1b6: {  	v3 =	vld [tilespmem:$0x400];
	_ =	sdelay $0x4  }
0x1b7: {  	v56 =	vshll.u32 v3, $0x3  }
0x1b8: {  	v3 =	vand.u32 $0x7, v3;
	v4 =	vand.u32 $0xFFFFFFC0, v56  }
0x1b9: {  	v3 =	vor.u32 v3, v4  }
0x1ba: {  	v4 =	vperm.xlane v3, v0;
	_ =	sdelay $0x1  }
0x1bb: {  	v4 =	vadd.s32 v1, v4;
	_ =	sdelay $0x3  }
0x1bc: {  	s29 =	simm.s32 $0x10800  }
0x1bd: {  	[hbm4b:s4+s2] =	stream.indirect_vreg.scatter [tilespmem:s29], [sflag:$0x6], $0x80, v4, vm0, $0xb8;
	[tilespmem:$0x18800] =	vst v63  }
0x1be: {  	s16 =	simm.s32 $0x11000;
	v3 =	vperm.xlane v3, v2  }
0x1bf: {  	[hbm4b:s5+s2] =	stream.indirect_vreg.scatter [tilespmem:s16], [sflag:$0x6], $0x80, v4, vm0, $0xb8;
	[tilespmem:$0x18800] =	vst v63  }
0x1c0: {  	s17 =	simm.s32 $0x11800;
	v3 =	vadd.s32 v1, v3  }
0x1c1: {  	[hbm4b:s6+s2] =	stream.indirect_vreg.scatter [tilespmem:s17], [sflag:$0x6], $0x80, v4, vm0, $0xb8;
	[tilespmem:$0x18800] =	vst v63  }
0x1c2: {  	s18 =	simm.s32 $0x12000  }
0x1c3: {  	[hbm4b:s7+s2] =	stream.indirect_vreg.scatter [tilespmem:s18], [sflag:$0x6], $0x80, v4, vm0, $0xb8;
	[tilespmem:$0x18800] =	vst v63  }
0x1c4: {  	s19 =	simm.s32 $0x12800  }
0x1c5: {  	[hbm4b:s4+s2] =	stream.indirect_vreg.scatter [tilespmem:s19], [sflag:$0x6], $0x80, v3, vm0, $0xb8;
	[tilespmem:$0x18800] =	vst v63  }
0x1c6: {  	s20 =	simm.s32 $0x13000  }
0x1c7: {  	[hbm4b:s5+s2] =	stream.indirect_vreg.scatter [tilespmem:s20], [sflag:$0x6], $0x80, v3, vm0, $0xb8;
	[tilespmem:$0x18800] =	vst v63  }
0x1c8: {  	s21 =	simm.s32 $0x13800  }
0x1c9: {  	[hbm4b:s6+s2] =	stream.indirect_vreg.scatter [tilespmem:s21], [sflag:$0x6], $0x80, v3, vm0, $0xb8;
	[tilespmem:$0x18800] =	vst v63  }
0x1ca: {  	s22 =	simm.s32 $0x14000  }
0x1cb: {  	[hbm4b:s7+s2] =	stream.indirect_vreg.scatter [tilespmem:s22], [sflag:$0x6], $0x80, v3, vm0, $0xb8;
	[tilespmem:$0x18800] =	vst v63  }
0x1cc: {  	v3 =	vld [tilespmem:$0x410];
	_ =	sdelay $0x4  }
0x1cd: {  	v57 =	vshll.u32 v3, $0x3  }
0x1ce: {  	v3 =	vand.u32 $0x7, v3;
	v4 =	vand.u32 $0xFFFFFFC0, v57  }
0x1cf: {  	v3 =	vor.u32 v3, v4  }
0x1d0: {  	v4 =	vperm.xlane v3, v0;
	_ =	sdelay $0x1  }
0x1d1: {  	v4 =	vadd.s32 v1, v4;
	_ =	sdelay $0x3  }
0x1d2: {  	s24 =	simm.s32 $0x14800  }
0x1d3: {  	[hbm4b:s4+s2] =	stream.indirect_vreg.scatter [tilespmem:s24], [sflag:$0x6], $0x80, v4, vm0, $0xb8;
	[tilespmem:$0x18800] =	vst v63  }
0x1d4: {  	s13 =	simm.s32 $0x15000;
	v3 =	vperm.xlane v3, v2  }
0x1d5: {  	[hbm4b:s5+s2] =	stream.indirect_vreg.scatter [tilespmem:s13], [sflag:$0x6], $0x80, v4, vm0, $0xb8;
	[tilespmem:$0x18800] =	vst v63  }
0x1d6: {  	s19 =	simm.s32 $0x15800;
	v3 =	vadd.s32 v1, v3  }
0x1d7: {  	[hbm4b:s6+s2] =	stream.indirect_vreg.scatter [tilespmem:s19], [sflag:$0x6], $0x80, v4, vm0, $0xb8;
	[tilespmem:$0x18800] =	vst v63  }
0x1d8: {  	s20 =	simm.s32 $0x16000  }
0x1d9: {  	[hbm4b:s7+s2] =	stream.indirect_vreg.scatter [tilespmem:s20], [sflag:$0x6], $0x80, v4, vm0, $0xb8;
	[tilespmem:$0x18800] =	vst v63  }
0x1da: {  	s21 =	simm.s32 $0x16800  }
0x1db: {  	[hbm4b:s4+s2] =	stream.indirect_vreg.scatter [tilespmem:s21], [sflag:$0x6], $0x80, v3, vm0, $0xb8;
	[tilespmem:$0x18800] =	vst v63  }
0x1dc: {  	s22 =	simm.s32 $0x17000  }
0x1dd: {  	[hbm4b:s5+s2] =	stream.indirect_vreg.scatter [tilespmem:s22], [sflag:$0x6], $0x80, v3, vm0, $0xb8;
	[tilespmem:$0x18800] =	vst v63  }
0x1de: {  	s24 =	simm.s32 $0x17800  }
0x1df: {  	[hbm4b:s6+s2] =	stream.indirect_vreg.scatter [tilespmem:s24], [sflag:$0x6], $0x80, v3, vm0, $0xb8;
	[tilespmem:$0x18800] =	vst v63  }
0x1e0: {  	s13 =	simm.s32 $0x18000  }
0x1e1: {  	[hbm4b:s7+s2] =	stream.indirect_vreg.scatter [tilespmem:s13], [sflag:$0x6], $0x80, v3, vm0, $0xb8;
	[tilespmem:$0x18800] =	vst v63  }
0x1e2: {  	_ =	swait.ge [sflag:s23], $0x8000  }
0x1e3: {  	[sflag:s23] =	ssyncset.done $0x0  }
0x1e4: {  	s24 =	rddreg [dreg:$0xd];
	[sflag:s23] =	ssyncadd.s32 $0xFFFF8000  }
0x1e5: {  	[tilespmem:s29], [sflag:$0x3] =	stream.linear.gather [hbm4b:s24+s2], $0x8000, $0x38;
	[tilespmem:$0x18800] =	vst v63  }
0x1e6: {  	_ =	swait.ge [sflag:s12], $0x8000  }
0x1e7: {  	[sflag:s12] =	ssyncset.done $0x0  }
0x1e8: {  	[sflag:s12] =	ssyncadd.s32 $0xFFFF8000  }
0x1e9: {  	v3 =	vld [tilespmem:$0x480];
	_ =	sdelay $0x4  }
0x1ea: {  	v58 =	vshll.u32 v3, $0x3  }
0x1eb: {  	v3 =	vand.u32 $0x7, v3;
	v4 =	vand.u32 $0xFFFFFFC0, v58  }
0x1ec: {  	v3 =	vor.u32 v3, v4  }
0x1ed: {  	v4 =	vperm.xlane v3, v0;
	_ =	sdelay $0x1  }
0x1ee: {  	v4 =	vadd.s32 v1, v4;
	_ =	sdelay $0x4  }
0x1ef: {  	[hbm4b:s4+s2] =	stream.indirect_vreg.scatter [tilespmem:s11], [sflag:$0x4], $0x80, v4, vm0, $0xb8;
	[tilespmem:$0x18800] =	vst v63  }
0x1f0: {  	s29 =	simm.s32 $0x1000;
	v3 =	vperm.xlane v3, v2  }
0x1f1: {  	[hbm4b:s5+s2] =	stream.indirect_vreg.scatter [tilespmem:s29], [sflag:$0x4], $0x80, v4, vm0, $0xb8;
	[tilespmem:$0x18800] =	vst v63  }
0x1f2: {  	v3 =	vadd.s32 v1, v3;
	s29 =	simm.s32 $0x1800  }
0x1f3: {  	[hbm4b:s6+s2] =	stream.indirect_vreg.scatter [tilespmem:s29], [sflag:$0x4], $0x80, v4, vm0, $0xb8;
	[tilespmem:$0x18800] =	vst v63  }
0x1f4: {  	s29 =	simm.s32 $0x2000  }
0x1f5: {  	[hbm4b:s7+s2] =	stream.indirect_vreg.scatter [tilespmem:s29], [sflag:$0x4], $0x80, v4, vm0, $0xb8;
	[tilespmem:$0x18800] =	vst v63  }
0x1f6: {  	s29 =	simm.s32 $0x2800  }
0x1f7: {  	[hbm4b:s4+s2] =	stream.indirect_vreg.scatter [tilespmem:s29], [sflag:$0x4], $0x80, v3, vm0, $0xb8;
	[tilespmem:$0x18800] =	vst v63  }
0x1f8: {  	s29 =	simm.s32 $0x3000  }
0x1f9: {  	[hbm4b:s5+s2] =	stream.indirect_vreg.scatter [tilespmem:s29], [sflag:$0x4], $0x80, v3, vm0, $0xb8;
	[tilespmem:$0x18800] =	vst v63  }
0x1fa: {  	s29 =	simm.s32 $0x3800  }
0x1fb: {  	[hbm4b:s6+s2] =	stream.indirect_vreg.scatter [tilespmem:s29], [sflag:$0x4], $0x80, v3, vm0, $0xb8;
	[tilespmem:$0x18800] =	vst v63  }
0x1fc: {  	s29 =	simm.s32 $0x4000  }
0x1fd: {  	[hbm4b:s7+s2] =	stream.indirect_vreg.scatter [tilespmem:s29], [sflag:$0x4], $0x80, v3, vm0, $0xb8;
	[tilespmem:$0x18800] =	vst v63  }
0x1fe: {  	v3 =	vld [tilespmem:$0x490];
	_ =	sdelay $0x4  }
0x1ff: {  	v59 =	vshll.u32 v3, $0x3  }
0x200: {  	v3 =	vand.u32 $0x7, v3;
	v4 =	vand.u32 $0xFFFFFFC0, v59  }
0x201: {  	v3 =	vor.u32 v3, v4  }
0x202: {  	v4 =	vperm.xlane v3, v0;
	_ =	sdelay $0x1  }
0x203: {  	v4 =	vadd.s32 v1, v4;
	_ =	sdelay $0x3  }
0x204: {  	s29 =	simm.s32 $0x4800  }
0x205: {  	[hbm4b:s4+s2] =	stream.indirect_vreg.scatter [tilespmem:s29], [sflag:$0x4], $0x80, v4, vm0, $0xb8;
	[tilespmem:$0x18800] =	vst v63  }
0x206: {  	v3 =	vperm.xlane v3, v2;
	s29 =	simm.s32 $0x5000  }
0x207: {  	[hbm4b:s5+s2] =	stream.indirect_vreg.scatter [tilespmem:s29], [sflag:$0x4], $0x80, v4, vm0, $0xb8;
	[tilespmem:$0x18800] =	vst v63  }
0x208: {  	v3 =	vadd.s32 v1, v3;
	s29 =	simm.s32 $0x5800  }
0x209: {  	[hbm4b:s6+s2] =	stream.indirect_vreg.scatter [tilespmem:s29], [sflag:$0x4], $0x80, v4, vm0, $0xb8;
	[tilespmem:$0x18800] =	vst v63  }
0x20a: {  	s29 =	simm.s32 $0x6000  }
0x20b: {  	[hbm4b:s7+s2] =	stream.indirect_vreg.scatter [tilespmem:s29], [sflag:$0x4], $0x80, v4, vm0, $0xb8;
	[tilespmem:$0x18800] =	vst v63  }
0x20c: {  	s29 =	simm.s32 $0x6800  }
0x20d: {  	[hbm4b:s4+s2] =	stream.indirect_vreg.scatter [tilespmem:s29], [sflag:$0x4], $0x80, v3, vm0, $0xb8;
	[tilespmem:$0x18800] =	vst v63  }
0x20e: {  	s29 =	simm.s32 $0x7000  }
0x20f: {  	[hbm4b:s5+s2] =	stream.indirect_vreg.scatter [tilespmem:s29], [sflag:$0x4], $0x80, v3, vm0, $0xb8;
	[tilespmem:$0x18800] =	vst v63  }
0x210: {  	s29 =	simm.s32 $0x7800  }
0x211: {  	[hbm4b:s6+s2] =	stream.indirect_vreg.scatter [tilespmem:s29], [sflag:$0x4], $0x80, v3, vm0, $0xb8;
	[tilespmem:$0x18800] =	vst v63  }
0x212: {  	s29 =	simm.s32 $0x8000  }
0x213: {  	[hbm4b:s7+s2] =	stream.indirect_vreg.scatter [tilespmem:s29], [sflag:$0x4], $0x80, v3, vm0, $0xb8;
	[tilespmem:$0x18800] =	vst v63  }
0x214: {  	_ =	swait.ge [sflag:s31], $0x8000  }
0x215: {  	[sflag:s31] =	ssyncset.done $0x0  }
0x216: {  	[sflag:s31] =	ssyncadd.s32 $0xFFFF8000  }
0x217: {  	v3 =	vld [tilespmem:$0x500];
	_ =	sdelay $0x4  }
0x218: {  	v60 =	vshll.u32 v3, $0x3  }
0x219: {  	v3 =	vand.u32 $0x7, v3;
	v4 =	vand.u32 $0xFFFFFFC0, v60  }
0x21a: {  	v3 =	vor.u32 v3, v4  }
0x21b: {  	v4 =	vperm.xlane v3, v0;
	_ =	sdelay $0x1  }
0x21c: {  	v4 =	vadd.s32 v1, v4;
	_ =	sdelay $0x3  }
0x21d: {  	s28 =	simm.s32 $0x8800  }
0x21e: {  	[hbm4b:s4+s2] =	stream.indirect_vreg.scatter [tilespmem:s28], [sflag:$0x5], $0x80, v4, vm0, $0xb8;
	[tilespmem:$0x18800] =	vst v63  }
0x21f: {  	s29 =	simm.s32 $0x9000;
	v3 =	vperm.xlane v3, v2  }
0x220: {  	[hbm4b:s5+s2] =	stream.indirect_vreg.scatter [tilespmem:s29], [sflag:$0x5], $0x80, v4, vm0, $0xb8;
	[tilespmem:$0x18800] =	vst v63  }
0x221: {  	v3 =	vadd.s32 v1, v3;
	s28 =	simm.s32 $0x9800  }
0x222: {  	[hbm4b:s6+s2] =	stream.indirect_vreg.scatter [tilespmem:s28], [sflag:$0x5], $0x80, v4, vm0, $0xb8;
	[tilespmem:$0x18800] =	vst v63  }
0x223: {  	s29 =	simm.s32 $0xA000  }
0x224: {  	[hbm4b:s7+s2] =	stream.indirect_vreg.scatter [tilespmem:s29], [sflag:$0x5], $0x80, v4, vm0, $0xb8;
	[tilespmem:$0x18800] =	vst v63  }
0x225: {  	s28 =	simm.s32 $0xA800  }
0x226: {  	[hbm4b:s4+s2] =	stream.indirect_vreg.scatter [tilespmem:s28], [sflag:$0x5], $0x80, v3, vm0, $0xb8;
	[tilespmem:$0x18800] =	vst v63  }
0x227: {  	s29 =	simm.s32 $0xB000  }
0x228: {  	[hbm4b:s5+s2] =	stream.indirect_vreg.scatter [tilespmem:s29], [sflag:$0x5], $0x80, v3, vm0, $0xb8;
	[tilespmem:$0x18800] =	vst v63  }
0x229: {  	s28 =	simm.s32 $0xB800  }
0x22a: {  	[hbm4b:s6+s2] =	stream.indirect_vreg.scatter [tilespmem:s28], [sflag:$0x5], $0x80, v3, vm0, $0xb8;
	[tilespmem:$0x18800] =	vst v63  }
0x22b: {  	s29 =	simm.s32 $0xC000  }
0x22c: {  	[hbm4b:s7+s2] =	stream.indirect_vreg.scatter [tilespmem:s29], [sflag:$0x5], $0x80, v3, vm0, $0xb8;
	[tilespmem:$0x18800] =	vst v63  }
0x22d: {  	v3 =	vld [tilespmem:$0x510];
	_ =	sdelay $0x4  }
0x22e: {  	v61 =	vshll.u32 v3, $0x3  }
0x22f: {  	v3 =	vand.u32 $0x7, v3;
	v4 =	vand.u32 $0xFFFFFFC0, v61  }
0x230: {  	v3 =	vor.u32 v3, v4  }
0x231: {  	v4 =	vperm.xlane v3, v0;
	_ =	sdelay $0x1  }
0x232: {  	v4 =	vadd.s32 v1, v4;
	_ =	sdelay $0x3  }
0x233: {  	s28 =	simm.s32 $0xC800  }
0x234: {  	[hbm4b:s4+s2] =	stream.indirect_vreg.scatter [tilespmem:s28], [sflag:$0x5], $0x80, v4, vm0, $0xb8;
	[tilespmem:$0x18800] =	vst v63  }
0x235: {  	s29 =	simm.s32 $0xD000;
	v3 =	vperm.xlane v3, v2  }
0x236: {  	[hbm4b:s5+s2] =	stream.indirect_vreg.scatter [tilespmem:s29], [sflag:$0x5], $0x80, v4, vm0, $0xb8;
	[tilespmem:$0x18800] =	vst v63  }
0x237: {  	v3 =	vadd.s32 v1, v3;
	s28 =	simm.s32 $0xD800  }
0x238: {  	[hbm4b:s6+s2] =	stream.indirect_vreg.scatter [tilespmem:s28], [sflag:$0x5], $0x80, v4, vm0, $0xb8;
	[tilespmem:$0x18800] =	vst v63  }
0x239: {  	s29 =	simm.s32 $0xE000  }
0x23a: {  	[hbm4b:s7+s2] =	stream.indirect_vreg.scatter [tilespmem:s29], [sflag:$0x5], $0x80, v4, vm0, $0xb8;
	[tilespmem:$0x18800] =	vst v63  }
0x23b: {  	_ = 	snop  }
0x23c: {  	[hbm4b:s4+s2] =	stream.indirect_vreg.scatter [tilespmem:s0], [sflag:$0x5], $0x80, v3, vm0, $0xb8;
	[tilespmem:$0x18800] =	vst v63  }
0x23d: {  	_ = 	snop  }
0x23e: {  	[hbm4b:s5+s2] =	stream.indirect_vreg.scatter [tilespmem:s1], [sflag:$0x5], $0x80, v3, vm0, $0xb8;
	[tilespmem:$0x18800] =	vst v63  }
0x23f: {  	_ = 	snop  }
0x240: {  	[hbm4b:s6+s2] =	stream.indirect_vreg.scatter [tilespmem:s3], [sflag:$0x5], $0x80, v3, vm0, $0xb8;
	[tilespmem:$0x18800] =	vst v63  }
0x241: {  	_ = 	snop  }
0x242: {  	[hbm4b:s7+s2] =	stream.indirect_vreg.scatter [tilespmem:s9], [sflag:$0x5], $0x80, v3, vm0, $0xb8;
	[tilespmem:$0x18800] =	vst v63  }
0x243: {  	_ =	swait.ge [sflag:s26], $0x8000  }
0x244: {  	[sflag:s26] =	ssyncset.done $0x0  }
0x245: {  	[sflag:s26] =	ssyncadd.s32 $0xFFFF8000  }
0x246: {  	v3 =	vld [tilespmem:$0x580];
	_ =	sdelay $0x4  }
0x247: {  	v62 =	vshll.u32 v3, $0x3  }
0x248: {  	v3 =	vand.u32 $0x7, v3;
	v4 =	vand.u32 $0xFFFFFFC0, v62  }
0x249: {  	v3 =	vor.u32 v3, v4  }
0x24a: {  	v4 =	vperm.xlane v3, v0;
	_ =	sdelay $0x1  }
0x24b: {  	v4 =	vadd.s32 v1, v4;
	_ =	sdelay $0x3  }
0x24c: {  	s24 =	simm.s32 $0x10800  }
0x24d: {  	[hbm4b:s4+s2] =	stream.indirect_vreg.scatter [tilespmem:s24], [sflag:$0x6], $0x80, v4, vm0, $0xb8;
	[tilespmem:$0x18800] =	vst v63  }
0x24e: {  	s11 =	simm.s32 $0x11000;
	v3 =	vperm.xlane v3, v2  }
0x24f: {  	[hbm4b:s5+s2] =	stream.indirect_vreg.scatter [tilespmem:s11], [sflag:$0x6], $0x80, v4, vm0, $0xb8;
	[tilespmem:$0x18800] =	vst v63  }
0x250: {  	s10 =	simm.s32 $0x11800;
	v3 =	vadd.s32 v1, v3  }
0x251: {  	[hbm4b:s6+s2] =	stream.indirect_vreg.scatter [tilespmem:s10], [sflag:$0x6], $0x80, v4, vm0, $0xb8;
	[tilespmem:$0x18800] =	vst v63  }
0x252: {  	s14 =	simm.s32 $0x12000  }
0x253: {  	[hbm4b:s7+s2] =	stream.indirect_vreg.scatter [tilespmem:s14], [sflag:$0x6], $0x80, v4, vm0, $0xb8;
	[tilespmem:$0x18800] =	vst v63  }
0x254: {  	s15 =	simm.s32 $0x12800  }
0x255: {  	[hbm4b:s4+s2] =	stream.indirect_vreg.scatter [tilespmem:s15], [sflag:$0x6], $0x80, v3, vm0, $0xb8;
	[tilespmem:$0x18800] =	vst v63  }
0x256: {  	s16 =	simm.s32 $0x13000  }
0x257: {  	[hbm4b:s5+s2] =	stream.indirect_vreg.scatter [tilespmem:s16], [sflag:$0x6], $0x80, v3, vm0, $0xb8;
	[tilespmem:$0x18800] =	vst v63  }
0x258: {  	s17 =	simm.s32 $0x13800  }
0x259: {  	[hbm4b:s6+s2] =	stream.indirect_vreg.scatter [tilespmem:s17], [sflag:$0x6], $0x80, v3, vm0, $0xb8;
	[tilespmem:$0x18800] =	vst v63  }
0x25a: {  	s24 =	simm.s32 $0x14000  }
0x25b: {  	[hbm4b:s7+s2] =	stream.indirect_vreg.scatter [tilespmem:s24], [sflag:$0x6], $0x80, v3, vm0, $0xb8;
	[tilespmem:$0x18800] =	vst v63  }
0x25c: {  	v3 =	vld [tilespmem:$0x590];
	_ =	sdelay $0x4  }
0x25d: {  	v63 =	vshll.u32 v3, $0x3  }
0x25e: {  	v3 =	vand.u32 $0x7, v3;
	v4 =	vand.u32 $0xFFFFFFC0, v63  }
0x25f: {  	v3 =	vor.u32 v3, v4  }
0x260: {  	v4 =	vperm.xlane v3, v0;
	_ =	sdelay $0x1  }
0x261: {  	v4 =	vadd.s32 v1, v4;
	_ =	sdelay $0x3  }
0x262: {  	s28 =	simm.s32 $0x14800  }
0x263: {  	[hbm4b:s4+s2] =	stream.indirect_vreg.scatter [tilespmem:s28], [sflag:$0x6], $0x80, v4, vm0, $0xb8;
	[tilespmem:$0x18800] =	vst v63  }
0x264: {  	s29 =	simm.s32 $0x15000;
	v3 =	vperm.xlane v3, v2  }
0x265: {  	[hbm4b:s5+s2] =	stream.indirect_vreg.scatter [tilespmem:s29], [sflag:$0x6], $0x80, v4, vm0, $0xb8;
	[tilespmem:$0x18800] =	vst v63  }
0x266: {  	s18 =	simm.s32 $0x15800;
	v3 =	vadd.s32 v1, v3  }
0x267: {  	[hbm4b:s6+s2] =	stream.indirect_vreg.scatter [tilespmem:s18], [sflag:$0x6], $0x80, v4, vm0, $0xb8;
	[tilespmem:$0x18800] =	vst v63  }
0x268: {  	s19 =	simm.s32 $0x16000  }
0x269: {  	[hbm4b:s7+s2] =	stream.indirect_vreg.scatter [tilespmem:s19], [sflag:$0x6], $0x80, v4, vm0, $0xb8;
	[tilespmem:$0x18800] =	vst v63  }
0x26a: {  	s20 =	simm.s32 $0x16800  }
0x26b: {  	[hbm4b:s4+s2] =	stream.indirect_vreg.scatter [tilespmem:s20], [sflag:$0x6], $0x80, v3, vm0, $0xb8;
	[tilespmem:$0x18800] =	vst v63  }
0x26c: {  	s21 =	simm.s32 $0x17000  }
0x26d: {  	[hbm4b:s5+s2] =	stream.indirect_vreg.scatter [tilespmem:s21], [sflag:$0x6], $0x80, v3, vm0, $0xb8;
	[tilespmem:$0x18800] =	vst v63  }
0x26e: {  	s22 =	simm.s32 $0x17800  }
0x26f: {  	[hbm4b:s6+s2] =	stream.indirect_vreg.scatter [tilespmem:s22], [sflag:$0x6], $0x80, v3, vm0, $0xb8;
	[tilespmem:$0x18800] =	vst v63  }
0x270: {  	_ = 	snop  }
0x271: {  	[hbm4b:s7+s2] =	stream.indirect_vreg.scatter [tilespmem:s13], [sflag:$0x6], $0x80, v3, vm0, $0xb8;
	[tilespmem:$0x18800] =	vst v63  }
0x272: {  	_ =	swait.ge [sflag:s30], $0x8000  }
0x273: {  	[sflag:s30] =	ssyncset.done $0x0  }
0x274: {  	[sflag:s30] =	ssyncadd.s32 $0xFFFF8000  }
0x275: {  	p0 =	sne.s32 s8, $0x1;
	_ =	swait.ge [sflag:s25], $0x8000  }
.Ltmp0:
0x276: {  	[sflag:s25] =	ssyncset.done $0x0;
	(pc) =	sbr.rel @p0 .LBB2_1-.Ltmp0, $4  }
0x277: {  	[sflag:s25] =	ssyncadd.s32 $0xFFFF8000  }
0x278: {  	_ =	swait.ge [sflag:s23], $0x8000  }
0x279: {  	[sflag:s23] =	ssyncset.done $0x0  }
0x27a: {  	s8 =	sadd.s32 $0xFFFFFFFF, s8;
	[sflag:s23] =	ssyncadd.s32 $0xFFFF8000  }
0x27b: {  	_ =	sfence.sel $0x180000  }
0x27c: {  	[bflag:$0x0] =	sbarrier.arrive $0xFFFF  }
0x27d: {  	_ =	strace $0x90000050  }
0x27e: {  	s0 =	stileid.u32;
	[bflag:$0x2] =	sbarrier.arrive $0xFFFF  }
0x27f: {  	p0 =	sne.s32 s0, $0x0;
	s0 =	rddreg [dreg:$0x1]  }
0x280: {  	s0 =	sadd.s32 @!p0 $0x100000, s0  }
0x281: {  	[sflag:s0] =	ssyncadd.tile.s32 @!p0 $0x1;
	_ =	shalt  }
.Lfunc_end2:
_tile_overlayer_lowered:
.L_overlay_start_2:
0x282: {  	(tag) =	ssettag $0x2  }
0x283: {  	s0 =	rddreg [dreg:$0x0];
	s2 =	stileid.u32  }
0x284: {  	s1 =	rddreg [dreg:$0x1];
	p0 =	sne.s32 s2, $0x0  }
0x285: {  	s3 =	rddreg [dreg:$0x2];
	[bflag:$0x3] =	sbarrier.arrive $0xFFFF;
	s2 =	simm.s32 @!p0 $0x1C07  }
0x286: {  	[timem:s3], [sflag:s2] =	dma.local @!p0 [hbm:s0], s1  }
0x287: {  	s0 =	simm.s32 @!p0 $0x7  }
0x288: {  	_ =	swait.ge @!p0 [sflag:s0], s1  }
0x289: {  	s1 =	ssub.s32 @!p0 $0x0, s1;
	[sflag:s0] =	ssyncset.done @!p0 $0x0  }
0x28a: {  	[sflag:s0] =	ssyncadd.s32 @!p0 s1  }
0x28b: {  	[bflag:$0x3] =	sbarrier.arrive $0xFFFF  }
0x28c: {  	_ =	shalt  }

// kernel: sparse-core-data-format-call.cloned.1.call-start
scs
called_computation_lowered:
.L_overlay_start_0:
0x0: {  	s2 =	sld [smem:$0x3FD9]  }
0x1: {  	s3 =	sld [smem:$0x3FFE];
	_ =	sdelay $0x1  }
0x2: {  	s1 =	srdreg.scid  }
0x3: {  	s0 =	sand.u32 $0x1, s1  }
0x4: {  	s19 =	sshll.u32 s0, $0xA;
	s2 =	sadd.s32 s3, s2  }
0x5: {  	s2 =	sadd.s32 s2, s19  }
0x6: {  	[smem:$0x3FC4] =	sst s2  }
0x7: {  	_ = 	snop  }
0x8: {  	s20 =	sld [smem:$0x3FC7]  }
0x9: {  	s4 =	sld [smem:$0x3FD0];
	(tm) =	ssettm $0x1  }
0xa: {  	s21 =	sld [smem:$0x3FFB];
	_ =	sdelay $0x3  }
0xb: {  	_ =	strace s21  }
0xc: {  	s2 =	sld [smem:$0x3FFC];
	_ =	sdelay $0x3  }
0xd: {  	_ =	strace s2  }
0xe: {  	s2 =	sld [smem:$0x3FFD];
	_ =	sdelay $0x3  }
0xf: {  	_ =	strace s2  }
0x10: {  	_ =	strace $0x8FFFFFFF  }
0x11: {  	s22 =	sld [smem:$0x3FDB];
	_ =	sdelay $0x1  }
0x12: {  	s5 =	simm.s32 $_scs_section_size  }
0x13: {  	s6 =	simm.s32 $_size__tile_overlayer_lowered;
	s7 =	simm.s32 $_tile_overlayer_lowered  }
0x14: {  	s8 =	simm.s32 $0x1BFF;
	s23 =	sshll.u32 s7, $0x1;
	s5 =	sadd.s32 s5, s22  }
0x15: {  	s24 =	simm.s32 $0x0;
	s6 =	sshll.u32 s6, $0x1;
	s7 =	sadd.s32 s23, s5  }
0x16: {  	[timem:s24], [sflag:s8] =	dma.local [hbm:s7], s6  }
0x17: {  	_ =	swait.ge [sflag:s8], s6  }
0x18: {  	s6 =	ssub.s32 $0x0, s6;
	[sflag:s8] =	ssyncset.done $0x0  }
0x19: {  	[sflag:s8] =	ssyncadd.s32 s6;
	_ =	sdelay $0x1  }
0x1a: {  	s25 =	simm.s32 $0x1B8B  }
0x1b: {  	_ =	swait.ge [sflag:s25], $0x1  }
0x1c: {  	[sflag:s25] =	ssyncset.done $0x0  }
0x1d: {  	[sflag:s25] =	ssyncadd.s32 $0xFFFFFFFF  }
0x1e: {  	s6 =	sld [smem:$0x0]  }
0x1f: {  	s7 =	sand.u32 $0xFFFFFFFE, s1  }
0x20: {  	p0 =	sne.s32 s1, s7  }
0x21: {  	s7 =	sshll.u32 @p0 s7, $0xE  }
0x22: {  	s7 =	sadd.s32 @p0 $0x11B8D, s7;
	s8 =	sshll.u32 @p0 s6, $0x11  }
0x23: {  	s7 =	sor.u32 @p0 s8, s7  }
0x24: {  	[sflag:s7] =	ssyncadd.remote.s32 @p0 $0x1;
	_ =	sdelay $0x1  }
0x25: {  	s7 =	simm.s32 @p0 $0x1B8D  }
0x26: {  	_ =	swait.eq @p0 [sflag:s7], $0x1  }
0x27: {  	[sflag:s7] =	ssyncadd.s32 @p0 $0xFFFFFFFF  }
0x28: {  	s8 =	sshll.u32 @!p0 s1, $0xE  }
0x29: {  	s8 =	sor.u32 @!p0 $0x4000, s8;
	s7 =	simm.s32 @!p0 $0x1B8D  }
0x2a: {  	s6 =	sshll.u32 @!p0 s6, $0x11;
	s8 =	sadd.s32 @!p0 $0x11B8D, s8;
	_ =	swait.eq @!p0 [sflag:s7], $0x1  }
0x2b: {  	s6 =	sor.u32 @!p0 s6, s8;
	[sflag:s7] =	ssyncadd.s32 @!p0 $0xFFFFFFFF  }
0x2c: {  	s26 =	simm.s32 $0x1B8E;
	[sflag:s6] =	ssyncadd.remote.s32 @!p0 $0x1  }
0x2d: {  	s27 =	simm.s32 $execute0_lowered;
	[smem:$0x3FD2] =	sst s26  }
0x2e: {  	s6 =	sshll.u32 s27, $0x1;
	_ =	strace $0x80000049;
	[dreg:$0x1] =	wrdreg $0xFFFFFFFF  }
0x2f: {  	s28 =	simm.s32 $_size_execute0_lowered;
	s5 =	sadd.s32 s5, s6;
	[dreg:$0x0] =	wrdreg $0x0  }
0x30: {  	s6 =	sshll.u32 s28, $0x1;
	[dreg:$0x2] =	wrdreg s5  }
0x31: {  	[dreg:$0x3] =	wrdreg s6  }
0x32: {  	[dreg:$0x4] =	wrdreg $0xC0  }
0x33: {  	_ =	task [dreg:s24], $0x5FFFF  }
0x34: {  	[dreg:$0x1] =	wrdreg $0xFFFFFFFF  }
0x35: {  	[dreg:$0x0] =	wrdreg $0x60  }
0x36: {  	[dreg:$0x2] =	wrdreg s20  }
0x37: {  	[dreg:$0x3] =	wrdreg s4  }
0x38: {  	[dreg:$0x4] =	wrdreg $0x9  }
0x39: {  	_ =	task.clear_ibuf [dreg:s24], $0x5FFFF;
	_ =	strace $0x90000049  }
0x3a: {  	s29 =	simm.s32 $0x9;
	_ =	strace $0x8000004B  }
0x3b: {  	_ =	swait.ge [sflag:s29], $0x1  }
0x3c: {  	[sflag:s29] =	ssyncadd.s32 $0xFFFFFFFF  }
0x3d: {  	_ =	strace $0x9000004B  }
0x3e: {  	_ =	sfence  }
0x3f: {  	s30 =	sld [smem:$0x0];
	_ =	sdelay $0x2  }
0x40: {  	s31 =	sshll.u32 s1, $0xD;
	s1 =	sshrl.u32 s1, $0x2  }
0x41: {  	s4 =	sand.u32 $0x4000, s31;
	s1 =	sadd.s32 s1, s30  }
0x42: {  	s0 =	sor.u32 s4, s0;
	s1 =	sshll.u32 s1, $0x11  }
0x43: {  	s0 =	sor.u32 s1, s0  }
0x44: {  	s0 =	sadd.s32 $0x8F2B, s0  }
0x45: {  	[sflag:s0] =	ssyncadd.remote.s32 $0x1  }
0x46: {  	_ =	sfence.sel $0xFFFF  }
0x47: {  	[dreg:$0x0] =	wrdreg $0xFFFFFFFF;
	(pc) =	sbr.abs _section_cstart, $3  }
0x48: {  	[dreg:$0x1] =	wrdreg $0xFFFFFFFF  }
0x49: {  	_ =	task.clear_ibuf [dreg:s24], $0x2FFFF;
	_ =	strace $0x9FFFFFFF  }
0x4a: {  	(tm) =	ssettm $0x7FFFFFFF  }
0x4b: {  	_ =	shalt  }
tec
execute0_lowered:
.L_overlay_start_1:
0x0: {  	(tag) =	ssettag $0x1  }
0x1: {  	s0 =	srdreg.scid;
	s2 =	rddreg [dreg:$0x0]  }
0x2: {  	s4 =	rddreg [dreg:$0x1];
	s1 =	sshll.u32 s0, $0x4  }
0x3: {  	s7 =	simm.s32 $0x1;
	s0 =	stileid.u32;
	s1 =	sand.u32 $0x10, s1  }
0x4: {  	s8 =	simm.s32 $0x2;
	s14 =	simm.s32 $0x0;
	s1 =	sor.u32 s0, s1  }
0x5: {  	s9 =	simm.s32 $0x0;
	s15 =	simm.s32 $0x0;
	s3 =	sshll.u32 s1, $0x3  }
0x6: {  	s16 =	simm.s32 $0x0;
	s10 =	simm.s32 $0x0;
	s6 =	ssub.s32 $0x400, s3  }
0x7: {  	s11 =	simm.s32 $0x0;
	s13 =	simm.s32 $0x0;
	s5 =	sand.u32 $0xF8, s6  }
.Ltmp0:
0x8: {  	s22 =	simm.s32 $0x0;
	p0 =	sne.s32 s5, $0x0;
	(pc) =	sbr.rel .LBB1_1-.Ltmp0, $4  }
0x9: {  	s1 =	rddreg [dreg:$0x2];
	s6 =	sshrl.u32 s6, $0x8;
	s7 =	simm.s32 @!p0 $0x0  }
0xa: {  	_ =	strace $0x8000004A;
	s5 =	simm.s32 $0x1;
	s6 =	sadd.s32 s7, s6  }
0xb: {  	s12 =	smov.u32 s3;
	[sflag:s5] =	ssyncpa.u1 $0x0;
	s6 =	sshll.u32 s6, $0x2  }
0xc: {  	[sflag:s8] =	ssyncpa.u1 $0x0;
	s8 =	simm.s32 $0x100000;
	s7 =	sor.u32 $0x1, s6  }
.LBB1_7:
0xd: {  	s17 =	sadd.s32 $0x100, s10  }
0xe: {  	s14 =	sadd.s32 $0x8, s11;
	s18 =	smov.u32 s11;
	p1 =	sgt.s32 s17, $0x3FF  }
0xf: {  	s18 =	smov.u32 @p1 s14  }
0x10: {  	s20 =	smov.u32 s12;
	s14 =	sadd.s32 $0x100, s12;
	p2 =	sgt.s32 s18, $0x7  }
0x11: {  	s20 =	smov.u32 @p2 s14  }
0x12: {  	s17 =	simm.s32 @p1 $0x0;
	p1 =	sgt.s32 s20, $0x3FF  }
0x13: {  	p0 =	slt.u32 s13, $0x2;
	s20 =	smov.u32 @p1 s3;
	p1 =	sne.s32 s13, s7  }
.Ltmp1:
0x14: {  	s19 =	simm.s32 @!p0 $0x2;
	(pc) =	sbr.rel @!p1 .LBB1_8-.Ltmp1, $4  }
0x15: {  	s15 =	smov.u32 s11;
	s16 =	smov.u32 s12;
	_ =	swait.ge @!p0 [sflag:s19], $0x4000  }
0x16: {  	s9 =	sadd.s32 $0x4000, s9;
	[sflag:s19] =	ssyncset.done @!p0 $0x0;
	s18 =	simm.s32 @p2 $0x0  }
0x17: {  	s14 =	smov.u32 s10;
	[sflag:s19] =	ssyncadd.s32 @!p0 $0xFFFFC000;
	s10 =	smov.u32 s17  }
0x18: {  	s11 =	smov.u32 s18;
	s13 =	sadd.s32 $0x1, s13;
	s12 =	smov.u32 s20  }
.LBB1_1:
0x19: {  	p0 =	sge.u32 s13, s6  }
0x1a: {  	s31 =	sadd.s32 $0xFFFFFFFF, s13;
	s17 =	sxor.u32 @!p0 $0xFFFFFFFF, s13;
	s18 =	sshll.u32 @!p0 s11, $0x7  }
0x1b: {  	s19 =	sand.u32 @!p0 $0x78, s10;
	s20 =	sshll.u32 @!p0 s12, $0xA;
	s18 =	sand.u32 @!p0 $0x380, s18  }
0x1c: {  	s20 =	sadd.s32 @!p0 s2, s20;
	s18 =	sor.u32 @!p0 s19, s18;
	s19 =	sand.u32 @!p0 $0x380, s10  }
0x1d: {  	s17 =	sshll.u32 @!p0 s17, $0xE;
	s19 =	sadd.s32 @!p0 s19, s20;
	s20 =	sand.u32 @!p0 $0x7, s10  }
0x1e: {  	s17 =	sand.u32 @!p0 $0x4000, s17;
	s18 =	sshrl.u32 @!p0 s18, $0x3;
	s20 =	sshll.u32 @!p0 s20, $0x12  }
0x1f: {  	s18 =	sadd.s32 @!p0 s18, s19;
	s19 =	sor.u32 @!p0 $0x800, s20;
	s20 =	simm.s32 @!p0 $0x2000  }
0x20: {  	[tilespmem:s17], [sflag:$0x1] =	stream.strided.gather @!p0 [hbm4b:s18+s19], $0x4000, s20, s19, $0x38;
	[tilespmem:$0x10000] =	vst v63  }
0x21: {  	p0 =	sge.u32 s31, s6  }
.Ltmp2:
0x22: {  	_ = 	snop;
	(pc) =	sbr.rel @p0 .LBB1_7-.Ltmp2, $1  }
0x23: {  	_ =	sdelay $0x3  }
0x24: {  	s17 =	sshll.u32 s9, $0x2;
	_ =	swait.ge [sflag:s5], $0x4000;
	s31 =	sshll.u32 s13, $0xE  }
0x25: {  	p0 =	por $0x0, $0x0;
	s23 =	simm.s32 $0x0;
	s24 =	simm.s32 $0x0  }
0x26: {  	s17 =	sand.u32 $0x10000, s17;
	[sflag:s5] =	ssyncset.done $0x0;
	s20 =	sand.u32 $0x4000, s31  }
0x27: {  	s21 =	sshrl.u32 s17, $0x2;
	[sflag:s5] =	ssyncadd.s32 $0xFFFFC000;
	s17 =	sor.u32 $0x8000, s20  }
0x28: {  	s18 =	sor.u32 $0x40, s21;
	s19 =	sor.u32 $0x8410, s21;
	s21 =	sadd.s32 $0x8400, s21  }
.LBB1_3:
0x29: {  	v1 =	vld [tilespmem:s18+$0xFFFFFFD0]  }
0x2a: {  	v2 =	vld [tilespmem:s18+$0x430]  }
0x2b: {  	s25 =	sshll.u32 s24, $0xB;
	v4 =	vld [tilespmem:s18+$0xFFFFFFE0]  }
0x2c: {  	v7 =	vld [tilespmem:s18+$0xFFFFFFF0];
	v0 =	vmov s25  }
0x2d: {  	v8 =	vld [tilespmem:s18+$0x0]  }
0x2e: {  	s31 =	sand.u32 $0x300, s22;
	v9 =	vld [tilespmem:s18+$0x10]  }
0x2f: {  	s26 =	sand.u32 $0x80, s22;
	v10 =	vld [tilespmem:s18+$0x20];
	s25 =	sadd.s32 s31, s20  }
0x30: {  	v11 =	vld [tilespmem:s18+$0x30];
	s25 =	sadd.s32 s26, s25;
	s26 =	simm.s32 $0x1;
	[tilespmem:s19+$0x60] =	vst v2  }
0x31: {  	s31 =	sshll.u32 s23, $0x2;
	s26 =	simm.s32 @!p0 $0x0;
	[tilespmem:s19+$0xFFFFFC00] =	vst v1;
	v3 =	vld.idx.msk [tilespmem:v0+s25+$0x400 ss:$0x1], $0xffff  }
0x32: {  	v6 =	vld [tilespmem:s18+$0x3D0];
	s26 =	sshll.u32 s26, $0x9;
	[tilespmem:s19+$0xFFFFFC10] =	vst v4;
	s25 =	sand.u32 $0xFFFFFC00, s31  }
0x33: {  	v5 =	vld [tilespmem:s18+$0x3E0];
	[tilespmem:s19+$0xFFFFFC20] =	vst v7;
	s25 =	sor.u32 s26, s25  }
0x34: {  	[tilespmem:s19+$0xFFFFFC30] =	vst v8;
	v4 =	vld [tilespmem:s18+$0x400];
	s25 =	sshrl.u32 s25, $0x2  }
0x35: {  	[tilespmem:s19+$0xFFFFFC40] =	vst v9;
	v1 =	vld [tilespmem:s18+$0x410];
	s25 =	sadd.s32 s25, s21  }
0x36: {  	[tilespmem:s25+$0x0] =	vst v3;
	v3 =	vld [tilespmem:s18+$0x3F0]  }
0x37: {  	s29 =	simm.s32 $0x80;
	s28 =	simm.s32 $0x100;
	[tilespmem:s19+$0xFFFFFC50] =	vst v10;
	v2 =	vld [tilespmem:s18+$0x420]  }
0x38: {  	s27 =	smov.u32 s19;
	s30 =	sand.u32 $0x300, s29;
	v7 =	vld [tilespmem:s18+$0xFFFFFFC0];
	[tilespmem:s19+$0xFFFFFC60] =	vst v11;
	s26 =	sadd.s32 $0x80, s18  }
.LBB1_4:
0x39: {  	p1 =	sne.s32 s28, $0x380;
	v8 =	vld [tilespmem:s26+$0xFFFFFFD0];
	s29 =	sand.u32 $0x80, s29;
	s30 =	sadd.s32 s30, s20;
	[tilespmem:s27+$0x0] =	vst v6  }
0x3a: {  	s30 =	sadd.s32 s29, s30;
	v6 =	vld [tilespmem:s26+$0x430];
	[tilespmem:s27+$0x10] =	vst v5;
	s29 =	smov.u32 s28  }
0x3b: {  	v5 =	vld.idx.msk [tilespmem:v0+s30+$0x400 ss:$0x1], $0xffff;
	[tilespmem:s27+$0x20] =	vst v3  }
0x3c: {  	v3 =	vld [tilespmem:s26+$0xFFFFFFE0];
	[tilespmem:s27+$0x30] =	vst v4  }
0x3d: {  	v4 =	vld [tilespmem:s26+$0xFFFFFFF0];
	[tilespmem:s27+$0xFFFFFBF0] =	vst v7  }
0x3e: {  	v7 =	vld [tilespmem:s26+$0x0];
	[tilespmem:s27+$0x40] =	vst v1  }
0x3f: {  	v1 =	vld [tilespmem:s26+$0x10];
	[tilespmem:s27+$0x50] =	vst v2;
	s27 =	sadd.s32 $0x800, s27  }
0x40: {  	s25 =	sadd.s32 $0x800, s25;
	v2 =	vld [tilespmem:s26+$0x20];
	[tilespmem:s27+$0x60] =	vst v6  }
0x41: {  	v9 =	vld [tilespmem:s26+$0x30];
	[tilespmem:s25+$0x0] =	vst v5  }
0x42: {  	[tilespmem:s27+$0xFFFFFC00] =	vst v8;
	v6 =	vld [tilespmem:s26+$0x3D0]  }
0x43: {  	[tilespmem:s27+$0xFFFFFC10] =	vst v3;
	v5 =	vld [tilespmem:s26+$0x3E0]  }
.Ltmp3:
0x44: {  	[tilespmem:s27+$0xFFFFFC20] =	vst v4;
	v3 =	vld [tilespmem:s26+$0x3F0];
	(pc) =	sbr.rel @p1 .LBB1_4-.Ltmp3, $4  }
0x45: {  	[tilespmem:s27+$0xFFFFFC30] =	vst v7;
	v4 =	vld [tilespmem:s26+$0x400]  }
0x46: {  	[tilespmem:s27+$0xFFFFFC40] =	vst v1;
	v1 =	vld [tilespmem:s26+$0x410]  }
0x47: {  	[tilespmem:s27+$0xFFFFFC50] =	vst v2;
	v2 =	vld [tilespmem:s26+$0x420]  }
0x48: {  	s28 =	sadd.s32 $0x80, s28;
	s30 =	sand.u32 $0x300, s29;
	v7 =	vld [tilespmem:s26+$0xFFFFFFC0];
	[tilespmem:s27+$0xFFFFFC60] =	vst v9;
	s26 =	sadd.s32 $0x80, s26  }
0x49: {  	[tilespmem:s27+$0x0] =	vst v6  }
0x4a: {  	[tilespmem:s27+$0x10] =	vst v5  }
0x4b: {  	v49 =	vld [tilespmem:s26+$0x430];
	[tilespmem:s27+$0x20] =	vst v3  }
0x4c: {  	v50 =	vld [tilespmem:s26+$0xFFFFFFD0];
	[tilespmem:s27+$0x30] =	vst v4  }
0x4d: {  	v51 =	vld [tilespmem:s26+$0xFFFFFFE0];
	[tilespmem:s27+$0x40] =	vst v1  }
0x4e: {  	v52 =	vld [tilespmem:s26+$0xFFFFFFF0];
	[tilespmem:s27+$0x50] =	vst v2  }
0x4f: {  	s31 =	sadd.s32 $0x800, s27;
	v53 =	vld [tilespmem:s26+$0x0];
	[tilespmem:s27+$0xFFFFFBF0] =	vst v7  }
0x50: {  	v54 =	vld [tilespmem:s26+$0x10];
	[tilespmem:s31+$0x60] =	vst v49  }
0x51: {  	v55 =	vld [tilespmem:s26+$0x20];
	[tilespmem:s31+$0xFFFFFC00] =	vst v50  }
0x52: {  	v56 =	vld [tilespmem:s26+$0x30];
	[tilespmem:s31+$0xFFFFFC10] =	vst v51  }
0x53: {  	v57 =	vld [tilespmem:s26+$0x3D0];
	[tilespmem:s31+$0xFFFFFC20] =	vst v52  }
0x54: {  	v58 =	vld [tilespmem:s26+$0x3E0];
	[tilespmem:s31+$0xFFFFFC30] =	vst v53  }
0x55: {  	v59 =	vld [tilespmem:s26+$0x3F0];
	[tilespmem:s31+$0xFFFFFC40] =	vst v54  }
0x56: {  	v60 =	vld [tilespmem:s26+$0x400];
	[tilespmem:s31+$0xFFFFFC50] =	vst v55  }
0x57: {  	v61 =	vld [tilespmem:s26+$0xFFFFFFC0];
	[tilespmem:s31+$0xFFFFFC60] =	vst v56  }
0x58: {  	s28 =	sand.u32 $0x80, s29;
	s30 =	sadd.s32 s30, s20;
	v62 =	vld [tilespmem:s26+$0x410];
	[tilespmem:s31+$0x0] =	vst v57  }
0x59: {  	v63 =	vld [tilespmem:s26+$0x420];
	s24 =	sadd.s32 $0x1, s24;
	s28 =	sadd.s32 s28, s30;
	[tilespmem:s31+$0x10] =	vst v58  }
0x5a: {  	p1 =	sne.s32 s24, $0x8;
	v0 =	vld.idx.msk [tilespmem:v0+s28+$0x400 ss:$0x1], $0xffff;
	[tilespmem:s31+$0x20] =	vst v59  }
.Ltmp4:
0x5b: {  	[tilespmem:s31+$0x30] =	vst v60;
	(pc) =	sbr.rel @p1 .LBB1_3-.Ltmp4, $4  }
0x5c: {  	[tilespmem:s31+$0xFFFFFBF0] =	vst v61  }
0x5d: {  	[tilespmem:s31+$0x40] =	vst v62  }
0x5e: {  	s25 =	sadd.s32 $0x800, s25;
	s18 =	sadd.s32 $0x800, s18;
	[tilespmem:s31+$0x50] =	vst v63  }
0x5f: {  	s23 =	sadd.s32 $0x80, s23;
	p0 =	por !p0, !p0;
	s19 =	sadd.s32 $0x80, s19;
	[tilespmem:s25+$0x0] =	vst v0  }
0x60: {  	s16 =	sshll.u32 s16, $0x7;
	s18 =	sand.u32 $0x78, s14  }
0x61: {  	s15 =	sshll.u32 s15, $0x11;
	s31 =	sand.u32 $0x7, s14;
	s19 =	sand.u32 $0x380, s16  }
.Ltmp5:
0x62: {  	s16 =	sand.u32 $0x1FC00, s16;
	s18 =	sor.u32 s19, s18;
	(pc) =	sbr.rel .LBB1_7-.Ltmp5, $4  }
0x63: {  	s15 =	sadd.s32 s4, s15;
	s16 =	sadd.s32 s14, s16;
	s18 =	sshrl.u32 s18, $0x3  }
0x64: {  	s14 =	sshll.u32 s31, $0x12;
	s16 =	sand.u32 $0x1FF80, s16;
	s15 =	sadd.s32 s18, s15  }
0x65: {  	s14 =	sor.u32 $0x800, s14;
	s15 =	sadd.s32 s16, s15  }
0x66: {  	[hbm4b:s15+s14] =	stream.strided.scatter [tilespmem:s17], [sflag:$0x2], $0x4000, s8, s14, $0x38;
	[tilespmem:$0x10000] =	vst v63  }
.LBB1_8:
0x67: {  	_ =	sfence.sel $0x180000  }
0x68: {  	s2 =	simm.s32 $0x1;
	[bflag:$0x0] =	sbarrier.arrive $0xFFFF  }
0x69: {  	s31 =	simm.s32 $0x2;
	[sflag:s2] =	ssyncpa.u1 $0x1  }
0x6a: {  	[sflag:s31] =	ssyncpa.u1 $0x1  }
0x6b: {  	p0 =	sne.s32 s0, $0x0;
	_ =	strace $0x9000004A  }
0x6c: {  	s0 =	sadd.s32 @!p0 $0x100000, s1;
	[bflag:$0x2] =	sbarrier.arrive $0xFFFF  }
0x6d: {  	[sflag:s0] =	ssyncadd.tile.s32 @!p0 $0x1;
	_ =	shalt  }
.Lfunc_end1:
_tile_overlayer_lowered:
.L_overlay_start_2:
0x6e: {  	(tag) =	ssettag $0x2  }
0x6f: {  	s0 =	rddreg [dreg:$0x0];
	s2 =	stileid.u32  }
0x70: {  	s1 =	rddreg [dreg:$0x1];
	p0 =	sne.s32 s2, $0x0  }
0x71: {  	s3 =	rddreg [dreg:$0x2];
	[bflag:$0x3] =	sbarrier.arrive $0xFFFF;
	s2 =	simm.s32 @!p0 $0x1C01  }
0x72: {  	[timem:s3], [sflag:s2] =	dma.local @!p0 [hbm:s0], s1  }
0x73: {  	s0 =	simm.s32 @!p0 $0x1  }
0x74: {  	_ =	swait.ge @!p0 [sflag:s0], s1  }
0x75: {  	s1 =	ssub.s32 @!p0 $0x0, s1;
	[sflag:s0] =	ssyncset.done @!p0 $0x0  }
0x76: {  	[sflag:s0] =	ssyncadd.s32 @!p0 s1  }
0x77: {  	[bflag:$0x3] =	sbarrier.arrive $0xFFFF  }
0x78: {  	_ =	shalt  }

</sc_bundles>
